<compile_context>
chip_gen: v7x
topology: tpu7x:2x2x1
jax: 0.10.2.dev20260603
libtpu: 0.0.44.dev20260713+nightly
codegen_flags: <defaults>
</compile_context>

<pallas_src>
import functools

import jax
import jax.numpy as jnp
import numpy as np
from jax import lax
from jax.experimental import pallas as pl
from jax.experimental.pallas import tpu as pltpu
from jax.experimental.pallas import tpu_sc as plsc

N = 10000
IN_DIM = 128
H = 8
D = 16
ED = 16
EG = 160000
EF = 320000
HD = H * D

NC = 2
NS = 16
L = 16

NWORK = NS
EW = EF // NWORK
EB = 80
NB = EW // EB
NG = EB * H // L
NPAD = 10240
ROWS_PER_SUB = NPAD // NS
ZCHUNK = 80
ZZLEN = 1024

_INV_SQRT_D = float(1.0 / np.sqrt(D))



def _qkv_body(h_ref, wqt, wkt, wvt, bq, bk, bv, q_ref, k_ref, v_ref):
    hb = h_ref[...]
    q_ref[...] = jnp.dot(hb, wqt[...], preferred_element_type=jnp.float32) + bq[...]
    k_ref[...] = jnp.dot(hb, wkt[...], preferred_element_type=jnp.float32) + bk[...]
    v_ref[...] = jnp.dot(hb, wvt[...], preferred_element_type=jnp.float32) + bv[...]


def _proj_e_body(e_ref, wpet, bpe, out_ref):
    out_ref[...] = jnp.dot(e_ref[...], wpet[...],
                           preferred_element_type=jnp.float32) + bpe[...]


def _hout_body(wv0, z0, zexp_m, wot, bo, out_ref):
    wv = wv0[...]
    z = z0[...]
    zex = jnp.dot(z, zexp_m[...], preferred_element_type=jnp.float32)
    t = wv / (zex + 1e-6)
    out_ref[...] = jnp.dot(t, wot[...], preferred_element_type=jnp.float32) + bo[...]


def _eout_body(s1_ref, e_ref, wapt, bap, woet, boe, out_ref):
    ep = jnp.dot(s1_ref[...], wapt[...], preferred_element_type=jnp.float32) + bap[...]
    out_ref[...] = jnp.dot(ep + e_ref[...], woet[...],
                           preferred_element_type=jnp.float32) + boe[...]



def _sc_body(q_hbm, k_hbm, v_hbm, src_hbm, dst_hbm, adj_hbm, rel_hbm, proj_hbm,
             s1_out, wv_out, z_out,
             idxs_v, idxd_v, rowsK, rowsQ, rowsV,
             sc1_v, rel_v, proj_v, adj_v, finT,
             zidx0, zidx1, zidx2, zidx3, zidx4, zidx5, zidx6, zidx7,
             zz_v, wv_sh, z_sh,
             semK, semQ, semV):
    zidxs = (zidx0, zidx1, zidx2, zidx3, zidx4, zidx5, zidx6, zidx7)
    sid = lax.axis_index("s")

    zeros16 = jnp.zeros((L,), jnp.float32)

    def _zero_proj(i, _):
        proj_v[pl.ds(i * L, L)] = zeros16
        return 0
    lax.fori_loop(0, EB * H // L, _zero_proj, 0)

    def _zero_zz(i, _):
        zz_v[pl.ds(i * L, L)] = zeros16
        return 0
    lax.fori_loop(0, ZZLEN // L, _zero_zz, 0)

    def _zero_rows(i, _):
        for j in range(HD // L):
            rowsK[i, pl.ds(j * L, L)] = zeros16
        return 0
    lax.fori_loop(0, EB, _zero_rows, 0)

    row0 = sid * ROWS_PER_SUB
    for t in range(ROWS_PER_SUB // ZCHUNK):
        pltpu.sync_copy(rowsK, wv_sh.at[pl.ds(row0 + t * ZCHUNK, ZCHUNK), :])
    zoff0 = row0 * L
    for t in range(ROWS_PER_SUB * L // ZZLEN):
        pltpu.sync_copy(zz_v, z_sh.at[pl.ds(zoff0 + t * ZZLEN, ZZLEN)])
    plsc.subcore_barrier()

    iota = lax.iota(jnp.int32, L)
    lane_row = lax.shift_right_logical(iota, 3)
    lane_head = lax.bitwise_and(iota, 7)
    lane_col0 = lane_head * D

    wbase = sid * EW

    def _block(b, _):
        base = pl.multiple_of(wbase + b * EB, EB)
        base8 = pl.multiple_of(base * H, EB * H)

        pltpu.sync_copy(src_hbm.at[pl.ds(base, EB)], idxs_v)
        pltpu.sync_copy(dst_hbm.at[pl.ds(base, EB)], idxd_v)
        pltpu.sync_copy(adj_hbm.at[pl.ds(base, EB)], adj_v)
        pltpu.sync_copy(rel_hbm.at[pl.ds(base8, EB * H)], rel_v)

        @pl.when(base < EG)
        def _():
            pltpu.sync_copy(proj_hbm.at[pl.ds(base8, EB * H)], proj_v)

        cK = pltpu.async_copy(k_hbm.at[idxs_v], rowsK, semK)
        cQ = pltpu.async_copy(q_hbm.at[idxd_v], rowsQ, semQ)
        cV = pltpu.async_copy(v_hbm.at[idxs_v], rowsV, semV)
        cK.wait()
        cQ.wait()
        cV.wait()

        def _group(g, _):
            ridx = lane_row + 2 * g
            acc = jnp.zeros((L,), jnp.float32)
            for d in range(D):
                cidx = lane_col0 + d
                kv = plsc.load_gather(rowsK, [ridx, cidx])
                qv = plsc.load_gather(rowsQ, [ridx, cidx])
                acc = acc + kv * qv
            s = acc * _INV_SQRT_D
            a = plsc.load_gather(adj_v, [ridx])
            goff = pl.multiple_of(g * L, L)
            sc1 = jnp.exp(jnp.clip(s, -5.0, 5.0) * a) + rel_v[pl.ds(goff, L)]
            sc1_v[pl.ds(goff, L)] = sc1
            fin = jnp.exp(jnp.clip(jnp.clip(sc1, -5.0, 5.0)
                                   + proj_v[pl.ds(goff, L)], -5.0, 5.0))
            plsc.store_scatter(finT, [lane_head, ridx], fin)
            for d in range(D):
                cidx = lane_col0 + d
                vv = plsc.load_gather(rowsV, [ridx, cidx])
                plsc.store_scatter(rowsV, [ridx, cidx], vv * fin)
            return 0
        lax.fori_loop(0, NG, _group, 0)

        pltpu.sync_copy(sc1_v, s1_out.at[pl.ds(base8, EB * H)])

        for c in range(EB // L):
            dv = idxd_v[pl.ds(c * L, L)] * L
            for j in range(H):
                zidxs[j][pl.ds(c * L, L)] = dv + j

        pltpu.sync_copy(rowsV, wv_sh.at[idxd_v], add=True)
        for j in range(H):
            pltpu.sync_copy(finT.at[j, :], z_sh.at[zidxs[j]], add=True)
        return 0

    lax.fori_loop(0, NB, _block, 0)

    plsc.subcore_barrier()

    for t in range(ROWS_PER_SUB // ZCHUNK):
        r = row0 + t * ZCHUNK
        pltpu.sync_copy(wv_sh.at[pl.ds(r, ZCHUNK), :],
                        wv_out.at[pl.ds(r, ZCHUNK), :])
    for t in range(ROWS_PER_SUB * L // ZZLEN):
        o = zoff0 + t * ZZLEN
        pltpu.sync_copy(z_sh.at[pl.ds(o, ZZLEN)], z_out.at[pl.ds(o, ZZLEN)])


def _sc_call(q, k, v, src, dst, adj2, rel2, proj2):
    mesh = plsc.VectorSubcoreMesh(core_axis_name="c", subcore_axis_name="s",
                                  num_cores=1, num_subcores=NS)
    out_type = (
        jax.ShapeDtypeStruct((EF * H,), jnp.float32),
        jax.ShapeDtypeStruct((NPAD, HD), jnp.float32),
        jax.ShapeDtypeStruct((NPAD * L,), jnp.float32),
    )
    scratch = [
        pltpu.VMEM((EB,), jnp.int32),
        pltpu.VMEM((EB,), jnp.int32),
        pltpu.VMEM((EB, HD), jnp.float32),
        pltpu.VMEM((EB, HD), jnp.float32),
        pltpu.VMEM((EB, HD), jnp.float32),
        pltpu.VMEM((EB * H,), jnp.float32),
        pltpu.VMEM((EB * H,), jnp.float32),
        pltpu.VMEM((EB * H,), jnp.float32),
        pltpu.VMEM((EB,), jnp.float32),
        pltpu.VMEM((H, EB), jnp.float32),
    ] + [pltpu.VMEM((EB,), jnp.int32)] * H + [
        pltpu.VMEM((ZZLEN,), jnp.float32),
        pltpu.VMEM_SHARED((NPAD, HD), jnp.float32),
        pltpu.VMEM_SHARED((NPAD * L,), jnp.float32),
        pltpu.SemaphoreType.DMA,
        pltpu.SemaphoreType.DMA,
        pltpu.SemaphoreType.DMA,
    ]
    kern = pl.kernel(_sc_body, out_type=out_type, mesh=mesh,
                     scratch_types=scratch,
                     compiler_params=pltpu.CompilerParams(
                         needs_layout_passes=False))
    return kern(q, k, v, src, dst, adj2, rel2, proj2)



_NROW = 400
_EROW = 1000


@jax.jit
def kernel(h, e, edge_index_full, adj2, rel_pos_3d, Wq, bq, Wk, bk, Wv, bv,
           Wpe, bpe, Wap, bap, Wo, bo, Woe, boe):
    src = edge_index_full[0].astype(jnp.int32)
    dst = edge_index_full[1].astype(jnp.int32)

    qkv = pl.pallas_call(
        _qkv_body,
        grid=(N // _NROW,),
        in_specs=[
            pl.BlockSpec((_NROW, IN_DIM), lambda i: (i, 0)),
            pl.BlockSpec((IN_DIM, HD), lambda i: (0, 0)),
            pl.BlockSpec((IN_DIM, HD), lambda i: (0, 0)),
            pl.BlockSpec((IN_DIM, HD), lambda i: (0, 0)),
            pl.BlockSpec((1, HD), lambda i: (0, 0)),
            pl.BlockSpec((1, HD), lambda i: (0, 0)),
            pl.BlockSpec((1, HD), lambda i: (0, 0)),
        ],
        out_specs=[
            pl.BlockSpec((_NROW, HD), lambda i: (i, 0)),
            pl.BlockSpec((_NROW, HD), lambda i: (i, 0)),
            pl.BlockSpec((_NROW, HD), lambda i: (i, 0)),
        ],
        out_shape=[jax.ShapeDtypeStruct((N, HD), jnp.float32)] * 3,
    )(h, Wq.T, Wk.T, Wv.T, bq.reshape(1, HD), bk.reshape(1, HD),
      bv.reshape(1, HD))
    q, k, v = qkv

    proj_e = pl.pallas_call(
        _proj_e_body,
        grid=(EG // _EROW,),
        in_specs=[
            pl.BlockSpec((_EROW, ED), lambda i: (i, 0)),
            pl.BlockSpec((ED, H), lambda i: (0, 0)),
            pl.BlockSpec((1, H), lambda i: (0, 0)),
        ],
        out_specs=pl.BlockSpec((_EROW, H), lambda i: (i, 0)),
        out_shape=jax.ShapeDtypeStruct((EG, H), jnp.float32),
    )(e, Wpe.T, bpe.reshape(1, H))

    rel2 = rel_pos_3d.reshape(EF * H)
    proj2 = proj_e.reshape(EG * H)

    s1_2, wv_acc, z_flat = _sc_call(q, k, v, src, dst, adj2, rel2, proj2)
    z_acc = z_flat.reshape(NPAD, L)
    score1_g = s1_2.reshape(EF, H)[:EG]


    zexp_m = np.zeros((L, HD), np.float32)
    for hh in range(H):
        zexp_m[hh, hh * D:(hh + 1) * D] = 1.0
    zexp_m = jnp.asarray(zexp_m)

    h_out = pl.pallas_call(
        _hout_body,
        grid=(N // _NROW,),
        in_specs=[
            pl.BlockSpec((_NROW, HD), lambda i: (i, 0)),
            pl.BlockSpec((_NROW, L), lambda i: (i, 0)),
            pl.BlockSpec((L, HD), lambda i: (0, 0)),
            pl.BlockSpec((HD, HD), lambda i: (0, 0)),
            pl.BlockSpec((1, HD), lambda i: (0, 0)),
        ],
        out_specs=pl.BlockSpec((_NROW, HD), lambda i: (i, 0)),
        out_shape=jax.ShapeDtypeStruct((N, HD), jnp.float32),
    )(wv_acc, z_acc, zexp_m, Wo.T, bo.reshape(1, HD))

    e_out = pl.pallas_call(
        _eout_body,
        grid=(EG // _EROW,),
        in_specs=[
            pl.BlockSpec((_EROW, H), lambda i: (i, 0)),
            pl.BlockSpec((_EROW, ED), lambda i: (i, 0)),
            pl.BlockSpec((H, ED), lambda i: (0, 0)),
            pl.BlockSpec((1, ED), lambda i: (0, 0)),
            pl.BlockSpec((ED, ED), lambda i: (0, 0)),
            pl.BlockSpec((1, ED), lambda i: (0, 0)),
        ],
        out_specs=pl.BlockSpec((_EROW, ED), lambda i: (i, 0)),
        out_shape=jax.ShapeDtypeStruct((EG, ED), jnp.float32),
    )(score1_g, e, Wap.T, bap.reshape(1, ED), Woe.T, boe.reshape(1, ED))

    return (h_out, e_out)

# --- scband reference (transcript-rebuilt; emitter-appended) ---
"""Pipeline reference for scband-multi-head-attention-layer-45208825758053 (READ-ONLY COPY).

The authoritative reference and input builder live on the scoring server;
editing this copy changes nothing except your own understanding.
"""

import jax, jax.numpy as jnp
import numpy as np

N = 10000
IN_DIM = 128
H = 8
D = 16
ED = 16
EG = 160000
EF = 320000


def setup_inputs(seed: int = 0) -> dict:
    key = jax.random.key(seed)
    ks = jax.random.split(key, 24)
    inp = {}
    inp['h'] = jax.random.normal(ks[0], (N, IN_DIM), dtype=jnp.float32)
    inp['e'] = jax.random.normal(ks[1], (EG, ED), dtype=jnp.float32)
    inp['edge_index_full'] = jax.random.randint(ks[2], (2, EF), 0, N)
    inp['adj2'] = jax.random.normal(ks[3], (EF,), dtype=jnp.float32)
    inp['rel_pos_3d'] = jax.random.normal(ks[4], (EF, H), dtype=jnp.float32)
    s = 1.0 / np.sqrt(IN_DIM)
    inp['Wq'] = jax.random.normal(ks[5], (H * D, IN_DIM), dtype=jnp.float32) * s
    inp['bq'] = jnp.zeros((H * D,), dtype=jnp.float32)
    inp['Wk'] = jax.random.normal(ks[6], (H * D, IN_DIM), dtype=jnp.float32) * s
    inp['bk'] = jnp.zeros((H * D,), dtype=jnp.float32)
    inp['Wv'] = jax.random.normal(ks[7], (H * D, IN_DIM), dtype=jnp.float32) * s
    inp['bv'] = jnp.zeros((H * D,), dtype=jnp.float32)
    inp['Wpe'] = jax.random.normal(ks[8], (H, ED), dtype=jnp.float32) * (1.0 / np.sqrt(ED))
    inp['bpe'] = jnp.zeros((H,), dtype=jnp.float32)
    inp['Wap'] = jax.random.normal(ks[9], (ED, H), dtype=jnp.float32) * (1.0 / np.sqrt(H))
    inp['bap'] = jnp.zeros((ED,), dtype=jnp.float32)
    inp['Wo'] = jax.random.normal(ks[10], (H * D, H * D), dtype=jnp.float32) * (1.0 / np.sqrt(H * D))
    inp['bo'] = jnp.zeros((H * D,), dtype=jnp.float32)
    inp['Woe'] = jax.random.normal(ks[11], (ED, ED), dtype=jnp.float32) * (1.0 / np.sqrt(ED))
    inp['boe'] = jnp.zeros((ED,), dtype=jnp.float32)
    return inp


def reference(h, e, edge_index_full, adj2, rel_pos_3d, Wq, bq, Wk, bk, Wv, bv, Wpe, bpe, Wap, bap, Wo, bo, Woe, boe):
    src = edge_index_full[0]
    dst = edge_index_full[1]
    Q = (h @ Wq.T + bq).reshape(N, H, D)
    K = (h @ Wk.T + bk).reshape(N, H, D)
    V = (h @ Wv.T + bv).reshape(N, H, D)
    # src_dot_dst on full_g: score = K_h[src] * Q_h[dst], then scaling
    score = (K[src] * Q[dst]) / np.sqrt(D)  # [EF, H, D]
    # dot_exp: exp(sum(-1, keepdim).clamp(-5,5) * adj2) + rel_pos_3d
    s = jnp.clip(jnp.sum(score, axis=-1, keepdims=True), -5.0, 5.0)  # [EF, H, 1]
    score = jnp.exp(s * adj2[:, None, None]) + rel_pos_3d[:, :, None]  # [EF, H, 1]
    # g edges are the first EG edges of full_g
    score_g = score[:EG]  # [EG, H, 1]
    # e_out on g: attn_proj(score.view(-1, H))
    e_out_pre = score_g.reshape(EG, H) @ Wap.T + bap  # [EG, ED]
    # imp_exp_attn on g: score = score.sum(-1, keepdim).clamp(-5,5) + proj_e
    proj_e = (e @ Wpe.T + bpe).reshape(EG, H, 1)
    score_g2 = jnp.clip(jnp.sum(score_g, axis=-1, keepdims=True), -5.0, 5.0) + proj_e
    # partUpdataScore: write g scores back into full_g edge data
    score = score.at[:EG].set(score_g2)
    # exp on full_g
    score = jnp.exp(jnp.clip(jnp.sum(score, axis=-1, keepdims=True), -5.0, 5.0))  # [EF, H, 1]
    # send_and_recv: wV = segsum(V[src] * score, dst), z = segsum(score, dst)
    wV = jax.ops.segment_sum(V[src] * score, dst, num_segments=N)  # [N, H, D]
    z = jax.ops.segment_sum(score, dst, num_segments=N)  # [N, H, 1]
    e_out = (e_out_pre + e) @ Woe.T + boe
    h_out = (wV / (z + 1e-06)).reshape(N, H * D) @ Wo.T + bo
    return (h_out, e_out)

if __name__ == "__main__":
    import jax
    _d = setup_inputs()
    print(jax.jit(kernel)(*tuple(_d.values())))

</pallas_src>

<mosaic_0001>
#map = affine_map<(d0, d1) -> (0, 0)>
#map1 = affine_map<(d0, d1) -> (0)>
module attributes {stable_mosaic.version = 14 : i64} {
  func.func @_sc_body(%arg0: i32, %arg1: i32, %arg2: memref<10000x128xf32, #tpu.memory_space<hbm>>, %arg3: memref<10000x128xf32, #tpu.memory_space<hbm>>, %arg4: memref<10000x128xf32, #tpu.memory_space<hbm>>, %arg5: memref<320000xi32, #tpu.memory_space<hbm>>, %arg6: memref<320000xi32, #tpu.memory_space<hbm>>, %arg7: memref<320000xf32, #tpu.memory_space<hbm>>, %arg8: memref<2560000xf32, #tpu.memory_space<hbm>>, %arg9: memref<1280000xf32, #tpu.memory_space<hbm>>, %arg10: memref<2560000xf32, #tpu.memory_space<hbm>>, %arg11: memref<10240x128xf32, #tpu.memory_space<hbm>>, %arg12: memref<163840xf32, #tpu.memory_space<hbm>>, %arg13: memref<80xi32, #tpu.memory_space<vmem>>, %arg14: memref<80xi32, #tpu.memory_space<vmem>>, %arg15: memref<80x128xf32, #tpu.memory_space<vmem>>, %arg16: memref<80x128xf32, #tpu.memory_space<vmem>>, %arg17: memref<80x128xf32, #tpu.memory_space<vmem>>, %arg18: memref<640xf32, #tpu.memory_space<vmem>>, %arg19: memref<640xf32, #tpu.memory_space<vmem>>, %arg20: memref<640xf32, #tpu.memory_space<vmem>>, %arg21: memref<80xf32, #tpu.memory_space<vmem>>, %arg22: memref<8x80xf32, #tpu.memory_space<vmem>>, %arg23: memref<80xi32, #tpu.memory_space<vmem>>, %arg24: memref<80xi32, #tpu.memory_space<vmem>>, %arg25: memref<80xi32, #tpu.memory_space<vmem>>, %arg26: memref<80xi32, #tpu.memory_space<vmem>>, %arg27: memref<80xi32, #tpu.memory_space<vmem>>, %arg28: memref<80xi32, #tpu.memory_space<vmem>>, %arg29: memref<80xi32, #tpu.memory_space<vmem>>, %arg30: memref<80xi32, #tpu.memory_space<vmem>>, %arg31: memref<1024xf32, #tpu.memory_space<vmem>>, %arg32: memref<10240x128xf32, #tpu.memory_space<vmem_shared>>, %arg33: memref<163840xf32, #tpu.memory_space<vmem_shared>>, %arg34: memref<!tpu.dma_semaphore, #tpu.memory_space<semaphore_mem>>, %arg35: memref<!tpu.dma_semaphore, #tpu.memory_space<semaphore_mem>>, %arg36: memref<!tpu.dma_semaphore, #tpu.memory_space<semaphore_mem>>) attributes {dimension_semantics = [#tpu.dimension_semantics<core_parallel>, #tpu.dimension_semantics<subcore_parallel>], iteration_bounds = array<i64: 1, 16>, scalar_prefetch = 0 : i64, scratch_operands = 24 : i64, tpu.core_type = #tpu.core_type<sc_vector_subcore>, window_params = [{transform_indices = #map}, {transform_indices = #map}, {transform_indices = #map}, {transform_indices = #map1}, {transform_indices = #map1}, {transform_indices = #map1}, {transform_indices = #map1}, {transform_indices = #map1}, {transform_indices = #map1}, {transform_indices = #map}, {transform_indices = #map1}]} {
    %broadcast_in_dim3A = arith.constant 0.000000e+00 : f32
    %broadcast_in_dim3A_0 = vector.broadcast %broadcast_in_dim3A : f32 to vector<16xf32>
    %scan3A = arith.constant 0 : i32
    %scan3A_1 = arith.constant 0 : i32
    %scan3A_2 = arith.constant 40 : i32
    %scan3A_3 = arith.addi %scan3A_1, %scan3A_2 : i32
    %scan3A_4 = arith.constant 1 : i32
    %scan3A_5 = scf.for %scan3A_112 = %scan3A_1 to %scan3A_3 step %scan3A_4 iter_args(%scan3A_113 = %scan3A) -> (i32)  : i32 {
      %mul3A_114 = arith.constant 16 : i32
      %mul3A_115 = arith.muli %scan3A_112, %mul3A_114 : i32
      %swap3A = arith.index_cast %mul3A_115 : i32 to index
      %swap3A_116 = tpu.vector_load %arg20[%swap3A] {strides = array<i32>} : memref<640xf32, #tpu.memory_space<vmem>>, vector<16xf32>,
      tpu.vector_store %arg20[%swap3A], %broadcast_in_dim3A_0 {strides = array<i32>} : memref<640xf32, #tpu.memory_space<vmem>>, vector<16xf32>,
      %scan3A_117 = arith.constant 0 : i32
      scf.yield %scan3A_117 : i32
    }
    %scan3A_6 = arith.constant 40 : i32
    %scan3A_7 = arith.constant 0 : i32
    %scan3A_8 = arith.constant 0 : i32
    %scan3A_9 = arith.constant 64 : i32
    %scan3A_10 = arith.addi %scan3A_8, %scan3A_9 : i32
    %scan3A_11 = arith.constant 1 : i32
    %scan3A_12 = scf.for %scan3A_112 = %scan3A_8 to %scan3A_10 step %scan3A_11 iter_args(%scan3A_113 = %scan3A_7) -> (i32)  : i32 {
      %mul3A_114 = arith.constant 16 : i32
      %mul3A_115 = arith.muli %scan3A_112, %mul3A_114 : i32
      %swap3A = arith.index_cast %mul3A_115 : i32 to index
      %swap3A_116 = tpu.vector_load %arg31[%swap3A] {strides = array<i32>} : memref<1024xf32, #tpu.memory_space<vmem>>, vector<16xf32>,
      tpu.vector_store %arg31[%swap3A], %broadcast_in_dim3A_0 {strides = array<i32>} : memref<1024xf32, #tpu.memory_space<vmem>>, vector<16xf32>,
      %scan3A_117 = arith.constant 0 : i32
      scf.yield %scan3A_117 : i32
    }
    %scan3A_13 = arith.constant 64 : i32
    %scan3A_14 = arith.constant 0 : i32
    %scan3A_15 = arith.constant 0 : i32
    %scan3A_16 = arith.constant 80 : i32
    %scan3A_17 = arith.addi %scan3A_15, %scan3A_16 : i32
    %scan3A_18 = arith.constant 1 : i32
    %scan3A_19 = scf.for %scan3A_112 = %scan3A_15 to %scan3A_17 step %scan3A_18 iter_args(%scan3A_113 = %scan3A_14) -> (i32)  : i32 {
      %swap3A = arith.index_cast %scan3A_112 : i32 to index
      %swap3A_114 = arith.constant 0 : index
      %swap3A_115 = tpu.vector_load %arg15[%swap3A, %swap3A_114] {strides = array<i32>} : memref<80x128xf32, #tpu.memory_space<vmem>>, vector<16xf32>,
      tpu.vector_store %arg15[%swap3A, %swap3A_114], %broadcast_in_dim3A_0 {strides = array<i32>} : memref<80x128xf32, #tpu.memory_space<vmem>>, vector<16xf32>,
      %swap3A_116 = arith.index_cast %scan3A_112 : i32 to index
      %swap3A_117 = arith.constant 16 : index
      %swap3A_118 = tpu.vector_load %arg15[%swap3A_116, %swap3A_117] {strides = array<i32>} : memref<80x128xf32, #tpu.memory_space<vmem>>, vector<16xf32>,
      tpu.vector_store %arg15[%swap3A_116, %swap3A_117], %broadcast_in_dim3A_0 {strides = array<i32>} : memref<80x128xf32, #tpu.memory_space<vmem>>, vector<16xf32>,
      %swap3A_119 = arith.index_cast %scan3A_112 : i32 to index
      %swap3A_120 = arith.constant 32 : index
      %swap3A_121 = tpu.vector_load %arg15[%swap3A_119, %swap3A_120] {strides = array<i32>} : memref<80x128xf32, #tpu.memory_space<vmem>>, vector<16xf32>,
      tpu.vector_store %arg15[%swap3A_119, %swap3A_120], %broadcast_in_dim3A_0 {strides = array<i32>} : memref<80x128xf32, #tpu.memory_space<vmem>>, vector<16xf32>,
      %swap3A_122 = arith.index_cast %scan3A_112 : i32 to index
      %swap3A_123 = arith.constant 48 : index
      %swap3A_124 = tpu.vector_load %arg15[%swap3A_122, %swap3A_123] {strides = array<i32>} : memref<80x128xf32, #tpu.memory_space<vmem>>, vector<16xf32>,
      tpu.vector_store %arg15[%swap3A_122, %swap3A_123], %broadcast_in_dim3A_0 {strides = array<i32>} : memref<80x128xf32, #tpu.memory_space<vmem>>, vector<16xf32>,
      %swap3A_125 = arith.index_cast %scan3A_112 : i32 to index
      %swap3A_126 = arith.constant 64 : index
      %swap3A_127 = tpu.vector_load %arg15[%swap3A_125, %swap3A_126] {strides = array<i32>} : memref<80x128xf32, #tpu.memory_space<vmem>>, vector<16xf32>,
      tpu.vector_store %arg15[%swap3A_125, %swap3A_126], %broadcast_in_dim3A_0 {strides = array<i32>} : memref<80x128xf32, #tpu.memory_space<vmem>>, vector<16xf32>,
      %swap3A_128 = arith.index_cast %scan3A_112 : i32 to index
      %swap3A_129 = arith.constant 80 : index
      %swap3A_130 = tpu.vector_load %arg15[%swap3A_128, %swap3A_129] {strides = array<i32>} : memref<80x128xf32, #tpu.memory_space<vmem>>, vector<16xf32>,
      tpu.vector_store %arg15[%swap3A_128, %swap3A_129], %broadcast_in_dim3A_0 {strides = array<i32>} : memref<80x128xf32, #tpu.memory_space<vmem>>, vector<16xf32>,
      %swap3A_131 = arith.index_cast %scan3A_112 : i32 to index
      %swap3A_132 = arith.constant 96 : index
      %swap3A_133 = tpu.vector_load %arg15[%swap3A_131, %swap3A_132] {strides = array<i32>} : memref<80x128xf32, #tpu.memory_space<vmem>>, vector<16xf32>,
      tpu.vector_store %arg15[%swap3A_131, %swap3A_132], %broadcast_in_dim3A_0 {strides = array<i32>} : memref<80x128xf32, #tpu.memory_space<vmem>>, vector<16xf32>,
      %swap3A_134 = arith.index_cast %scan3A_112 : i32 to index
      %swap3A_135 = arith.constant 112 : index
      %swap3A_136 = tpu.vector_load %arg15[%swap3A_134, %swap3A_135] {strides = array<i32>} : memref<80x128xf32, #tpu.memory_space<vmem>>, vector<16xf32>,
      tpu.vector_store %arg15[%swap3A_134, %swap3A_135], %broadcast_in_dim3A_0 {strides = array<i32>} : memref<80x128xf32, #tpu.memory_space<vmem>>, vector<16xf32>,
      %scan3A_137 = arith.constant 0 : i32
      scf.yield %scan3A_137 : i32
    }
    %scan3A_20 = arith.constant 80 : i32
    %mul3A = arith.constant 640 : i32
    %mul3A_21 = arith.muli %arg1, %mul3A : i32
    %add3A = arith.constant 0 : i32
    %add3A_22 = arith.addi %mul3A_21, %add3A : i32
    "tpu.region"() ({
      %run_scoped3A = tpu.sem_alloc : memref<!tpu.dma_semaphore, #tpu.memory_space<semaphore_mem>>
      %dma_start3A = arith.constant 0 : i32
      %dma_start3A_112 = tpu.memref_slice %arg32[%add3A_22, %dma_start3A] : memref<10240x128xf32, #tpu.memory_space<vmem_shared>> -> memref<80x128xf32, #tpu.memory_space<vmem_shared>>
      %dma_start3A_113 = arith.constant 0 : i32
      %dma_start3A_114 = tpu.memref_slice %arg32[%add3A_22, %dma_start3A_113] : memref<10240x128xf32, #tpu.memory_space<vmem_shared>> -> memref<80x128xf32, #tpu.memory_space<vmem_shared>>
      tpu.enqueue_dma source(%arg15 : memref<80x128xf32, #tpu.memory_space<vmem>>) target(%dma_start3A_114 : memref<80x128xf32, #tpu.memory_space<vmem_shared>>) target_semaphore(%run_scoped3A : memref<!tpu.dma_semaphore, #tpu.memory_space<semaphore_mem>>)
      %dma_wait3A = arith.constant 0 : i32
      %dma_wait3A_115 = tpu.memref_slice %arg32[%add3A_22, %dma_wait3A] : memref<10240x128xf32, #tpu.memory_space<vmem_shared>> -> memref<80x128xf32, #tpu.memory_space<vmem_shared>>
      %dma_wait3A_116 = arith.constant 0 : i32
      %dma_wait3A_117 = tpu.memref_slice %arg32[%add3A_22, %dma_wait3A_116] : memref<10240x128xf32, #tpu.memory_space<vmem_shared>> -> memref<80x128xf32, #tpu.memory_space<vmem_shared>>
      tpu.wait_dma2 semaphore(%run_scoped3A : memref<!tpu.dma_semaphore, #tpu.memory_space<semaphore_mem>>) src(%arg15 : memref<80x128xf32, #tpu.memory_space<vmem>>) dst(%dma_wait3A_117 : memref<80x128xf32, #tpu.memory_space<vmem_shared>>)
      tpu.yield
    }) : () -> ()
    %add3A_23 = arith.constant 80 : i32
    %add3A_24 = arith.addi %mul3A_21, %add3A_23 : i32
    "tpu.region"() ({
      %run_scoped3A = tpu.sem_alloc : memref<!tpu.dma_semaphore, #tpu.memory_space<semaphore_mem>>
      %dma_start3A = arith.constant 0 : i32
      %dma_start3A_112 = tpu.memref_slice %arg32[%add3A_24, %dma_start3A] : memref<10240x128xf32, #tpu.memory_space<vmem_shared>> -> memref<80x128xf32, #tpu.memory_space<vmem_shared>>
      %dma_start3A_113 = arith.constant 0 : i32
      %dma_start3A_114 = tpu.memref_slice %arg32[%add3A_24, %dma_start3A_113] : memref<10240x128xf32, #tpu.memory_space<vmem_shared>> -> memref<80x128xf32, #tpu.memory_space<vmem_shared>>
      tpu.enqueue_dma source(%arg15 : memref<80x128xf32, #tpu.memory_space<vmem>>) target(%dma_start3A_114 : memref<80x128xf32, #tpu.memory_space<vmem_shared>>) target_semaphore(%run_scoped3A : memref<!tpu.dma_semaphore, #tpu.memory_space<semaphore_mem>>)
      %dma_wait3A = arith.constant 0 : i32
      %dma_wait3A_115 = tpu.memref_slice %arg32[%add3A_24, %dma_wait3A] : memref<10240x128xf32, #tpu.memory_space<vmem_shared>> -> memref<80x128xf32, #tpu.memory_space<vmem_shared>>
      %dma_wait3A_116 = arith.constant 0 : i32
      %dma_wait3A_117 = tpu.memref_slice %arg32[%add3A_24, %dma_wait3A_116] : memref<10240x128xf32, #tpu.memory_space<vmem_shared>> -> memref<80x128xf32, #tpu.memory_space<vmem_shared>>
      tpu.wait_dma2 semaphore(%run_scoped3A : memref<!tpu.dma_semaphore, #tpu.memory_space<semaphore_mem>>) src(%arg15 : memref<80x128xf32, #tpu.memory_space<vmem>>) dst(%dma_wait3A_117 : memref<80x128xf32, #tpu.memory_space<vmem_shared>>)
      tpu.yield
    }) : () -> ()
    %add3A_25 = arith.constant 160 : i32
    %add3A_26 = arith.addi %mul3A_21, %add3A_25 : i32
    "tpu.region"() ({
      %run_scoped3A = tpu.sem_alloc : memref<!tpu.dma_semaphore, #tpu.memory_space<semaphore_mem>>
      %dma_start3A = arith.constant 0 : i32
      %dma_start3A_112 = tpu.memref_slice %arg32[%add3A_26, %dma_start3A] : memref<10240x128xf32, #tpu.memory_space<vmem_shared>> -> memref<80x128xf32, #tpu.memory_space<vmem_shared>>
      %dma_start3A_113 = arith.constant 0 : i32
      %dma_start3A_114 = tpu.memref_slice %arg32[%add3A_26, %dma_start3A_113] : memref<10240x128xf32, #tpu.memory_space<vmem_shared>> -> memref<80x128xf32, #tpu.memory_space<vmem_shared>>
      tpu.enqueue_dma source(%arg15 : memref<80x128xf32, #tpu.memory_space<vmem>>) target(%dma_start3A_114 : memref<80x128xf32, #tpu.memory_space<vmem_shared>>) target_semaphore(%run_scoped3A : memref<!tpu.dma_semaphore, #tpu.memory_space<semaphore_mem>>)
      %dma_wait3A = arith.constant 0 : i32
      %dma_wait3A_115 = tpu.memref_slice %arg32[%add3A_26, %dma_wait3A] : memref<10240x128xf32, #tpu.memory_space<vmem_shared>> -> memref<80x128xf32, #tpu.memory_space<vmem_shared>>
      %dma_wait3A_116 = arith.constant 0 : i32
      %dma_wait3A_117 = tpu.memref_slice %arg32[%add3A_26, %dma_wait3A_116] : memref<10240x128xf32, #tpu.memory_space<vmem_shared>> -> memref<80x128xf32, #tpu.memory_space<vmem_shared>>
      tpu.wait_dma2 semaphore(%run_scoped3A : memref<!tpu.dma_semaphore, #tpu.memory_space<semaphore_mem>>) src(%arg15 : memref<80x128xf32, #tpu.memory_space<vmem>>) dst(%dma_wait3A_117 : memref<80x128xf32, #tpu.memory_space<vmem_shared>>)
      tpu.yield
    }) : () -> ()
    %add3A_27 = arith.constant 240 : i32
    %add3A_28 = arith.addi %mul3A_21, %add3A_27 : i32
    "tpu.region"() ({
      %run_scoped3A = tpu.sem_alloc : memref<!tpu.dma_semaphore, #tpu.memory_space<semaphore_mem>>
      %dma_start3A = arith.constant 0 : i32
      %dma_start3A_112 = tpu.memref_slice %arg32[%add3A_28, %dma_start3A] : memref<10240x128xf32, #tpu.memory_space<vmem_shared>> -> memref<80x128xf32, #tpu.memory_space<vmem_shared>>
      %dma_start3A_113 = arith.constant 0 : i32
      %dma_start3A_114 = tpu.memref_slice %arg32[%add3A_28, %dma_start3A_113] : memref<10240x128xf32, #tpu.memory_space<vmem_shared>> -> memref<80x128xf32, #tpu.memory_space<vmem_shared>>
      tpu.enqueue_dma source(%arg15 : memref<80x128xf32, #tpu.memory_space<vmem>>) target(%dma_start3A_114 : memref<80x128xf32, #tpu.memory_space<vmem_shared>>) target_semaphore(%run_scoped3A : memref<!tpu.dma_semaphore, #tpu.memory_space<semaphore_mem>>)
      %dma_wait3A = arith.constant 0 : i32
      %dma_wait3A_115 = tpu.memref_slice %arg32[%add3A_28, %dma_wait3A] : memref<10240x128xf32, #tpu.memory_space<vmem_shared>> -> memref<80x128xf32, #tpu.memory_space<vmem_shared>>
      %dma_wait3A_116 = arith.constant 0 : i32
      %dma_wait3A_117 = tpu.memref_slice %arg32[%add3A_28, %dma_wait3A_116] : memref<10240x128xf32, #tpu.memory_space<vmem_shared>> -> memref<80x128xf32, #tpu.memory_space<vmem_shared>>
      tpu.wait_dma2 semaphore(%run_scoped3A : memref<!tpu.dma_semaphore, #tpu.memory_space<semaphore_mem>>) src(%arg15 : memref<80x128xf32, #tpu.memory_space<vmem>>) dst(%dma_wait3A_117 : memref<80x128xf32, #tpu.memory_space<vmem_shared>>)
      tpu.yield
    }) : () -> ()
    %add3A_29 = arith.constant 320 : i32
    %add3A_30 = arith.addi %mul3A_21, %add3A_29 : i32
    "tpu.region"() ({
      %run_scoped3A = tpu.sem_alloc : memref<!tpu.dma_semaphore, #tpu.memory_space<semaphore_mem>>
      %dma_start3A = arith.constant 0 : i32
      %dma_start3A_112 = tpu.memref_slice %arg32[%add3A_30, %dma_start3A] : memref<10240x128xf32, #tpu.memory_space<vmem_shared>> -> memref<80x128xf32, #tpu.memory_space<vmem_shared>>
      %dma_start3A_113 = arith.constant 0 : i32
      %dma_start3A_114 = tpu.memref_slice %arg32[%add3A_30, %dma_start3A_113] : memref<10240x128xf32, #tpu.memory_space<vmem_shared>> -> memref<80x128xf32, #tpu.memory_space<vmem_shared>>
      tpu.enqueue_dma source(%arg15 : memref<80x128xf32, #tpu.memory_space<vmem>>) target(%dma_start3A_114 : memref<80x128xf32, #tpu.memory_space<vmem_shared>>) target_semaphore(%run_scoped3A : memref<!tpu.dma_semaphore, #tpu.memory_space<semaphore_mem>>)
      %dma_wait3A = arith.constant 0 : i32
      %dma_wait3A_115 = tpu.memref_slice %arg32[%add3A_30, %dma_wait3A] : memref<10240x128xf32, #tpu.memory_space<vmem_shared>> -> memref<80x128xf32, #tpu.memory_space<vmem_shared>>
      %dma_wait3A_116 = arith.constant 0 : i32
      %dma_wait3A_117 = tpu.memref_slice %arg32[%add3A_30, %dma_wait3A_116] : memref<10240x128xf32, #tpu.memory_space<vmem_shared>> -> memref<80x128xf32, #tpu.memory_space<vmem_shared>>
      tpu.wait_dma2 semaphore(%run_scoped3A : memref<!tpu.dma_semaphore, #tpu.memory_space<semaphore_mem>>) src(%arg15 : memref<80x128xf32, #tpu.memory_space<vmem>>) dst(%dma_wait3A_117 : memref<80x128xf32, #tpu.memory_space<vmem_shared>>)
      tpu.yield
    }) : () -> ()
    %add3A_31 = arith.constant 400 : i32
    %add3A_32 = arith.addi %mul3A_21, %add3A_31 : i32
    "tpu.region"() ({
      %run_scoped3A = tpu.sem_alloc : memref<!tpu.dma_semaphore, #tpu.memory_space<semaphore_mem>>
      %dma_start3A = arith.constant 0 : i32
      %dma_start3A_112 = tpu.memref_slice %arg32[%add3A_32, %dma_start3A] : memref<10240x128xf32, #tpu.memory_space<vmem_shared>> -> memref<80x128xf32, #tpu.memory_space<vmem_shared>>
      %dma_start3A_113 = arith.constant 0 : i32
      %dma_start3A_114 = tpu.memref_slice %arg32[%add3A_32, %dma_start3A_113] : memref<10240x128xf32, #tpu.memory_space<vmem_shared>> -> memref<80x128xf32, #tpu.memory_space<vmem_shared>>
      tpu.enqueue_dma source(%arg15 : memref<80x128xf32, #tpu.memory_space<vmem>>) target(%dma_start3A_114 : memref<80x128xf32, #tpu.memory_space<vmem_shared>>) target_semaphore(%run_scoped3A : memref<!tpu.dma_semaphore, #tpu.memory_space<semaphore_mem>>)
      %dma_wait3A = arith.constant 0 : i32
      %dma_wait3A_115 = tpu.memref_slice %arg32[%add3A_32, %dma_wait3A] : memref<10240x128xf32, #tpu.memory_space<vmem_shared>> -> memref<80x128xf32, #tpu.memory_space<vmem_shared>>
      %dma_wait3A_116 = arith.constant 0 : i32
      %dma_wait3A_117 = tpu.memref_slice %arg32[%add3A_32, %dma_wait3A_116] : memref<10240x128xf32, #tpu.memory_space<vmem_shared>> -> memref<80x128xf32, #tpu.memory_space<vmem_shared>>
      tpu.wait_dma2 semaphore(%run_scoped3A : memref<!tpu.dma_semaphore, #tpu.memory_space<semaphore_mem>>) src(%arg15 : memref<80x128xf32, #tpu.memory_space<vmem>>) dst(%dma_wait3A_117 : memref<80x128xf32, #tpu.memory_space<vmem_shared>>)
      tpu.yield
    }) : () -> ()
    %add3A_33 = arith.constant 480 : i32
    %add3A_34 = arith.addi %mul3A_21, %add3A_33 : i32
    "tpu.region"() ({
      %run_scoped3A = tpu.sem_alloc : memref<!tpu.dma_semaphore, #tpu.memory_space<semaphore_mem>>
      %dma_start3A = arith.constant 0 : i32
      %dma_start3A_112 = tpu.memref_slice %arg32[%add3A_34, %dma_start3A] : memref<10240x128xf32, #tpu.memory_space<vmem_shared>> -> memref<80x128xf32, #tpu.memory_space<vmem_shared>>
      %dma_start3A_113 = arith.constant 0 : i32
      %dma_start3A_114 = tpu.memref_slice %arg32[%add3A_34, %dma_start3A_113] : memref<10240x128xf32, #tpu.memory_space<vmem_shared>> -> memref<80x128xf32, #tpu.memory_space<vmem_shared>>
      tpu.enqueue_dma source(%arg15 : memref<80x128xf32, #tpu.memory_space<vmem>>) target(%dma_start3A_114 : memref<80x128xf32, #tpu.memory_space<vmem_shared>>) target_semaphore(%run_scoped3A : memref<!tpu.dma_semaphore, #tpu.memory_space<semaphore_mem>>)
      %dma_wait3A = arith.constant 0 : i32
      %dma_wait3A_115 = tpu.memref_slice %arg32[%add3A_34, %dma_wait3A] : memref<10240x128xf32, #tpu.memory_space<vmem_shared>> -> memref<80x128xf32, #tpu.memory_space<vmem_shared>>
      %dma_wait3A_116 = arith.constant 0 : i32
      %dma_wait3A_117 = tpu.memref_slice %arg32[%add3A_34, %dma_wait3A_116] : memref<10240x128xf32, #tpu.memory_space<vmem_shared>> -> memref<80x128xf32, #tpu.memory_space<vmem_shared>>
      tpu.wait_dma2 semaphore(%run_scoped3A : memref<!tpu.dma_semaphore, #tpu.memory_space<semaphore_mem>>) src(%arg15 : memref<80x128xf32, #tpu.memory_space<vmem>>) dst(%dma_wait3A_117 : memref<80x128xf32, #tpu.memory_space<vmem_shared>>)
      tpu.yield
    }) : () -> ()
    %add3A_35 = arith.constant 560 : i32
    %add3A_36 = arith.addi %mul3A_21, %add3A_35 : i32
    "tpu.region"() ({
      %run_scoped3A = tpu.sem_alloc : memref<!tpu.dma_semaphore, #tpu.memory_space<semaphore_mem>>
      %dma_start3A = arith.constant 0 : i32
      %dma_start3A_112 = tpu.memref_slice %arg32[%add3A_36, %dma_start3A] : memref<10240x128xf32, #tpu.memory_space<vmem_shared>> -> memref<80x128xf32, #tpu.memory_space<vmem_shared>>
      %dma_start3A_113 = arith.constant 0 : i32
      %dma_start3A_114 = tpu.memref_slice %arg32[%add3A_36, %dma_start3A_113] : memref<10240x128xf32, #tpu.memory_space<vmem_shared>> -> memref<80x128xf32, #tpu.memory_space<vmem_shared>>
      tpu.enqueue_dma source(%arg15 : memref<80x128xf32, #tpu.memory_space<vmem>>) target(%dma_start3A_114 : memref<80x128xf32, #tpu.memory_space<vmem_shared>>) target_semaphore(%run_scoped3A : memref<!tpu.dma_semaphore, #tpu.memory_space<semaphore_mem>>)
      %dma_wait3A = arith.constant 0 : i32
      %dma_wait3A_115 = tpu.memref_slice %arg32[%add3A_36, %dma_wait3A] : memref<10240x128xf32, #tpu.memory_space<vmem_shared>> -> memref<80x128xf32, #tpu.memory_space<vmem_shared>>
      %dma_wait3A_116 = arith.constant 0 : i32
      %dma_wait3A_117 = tpu.memref_slice %arg32[%add3A_36, %dma_wait3A_116] : memref<10240x128xf32, #tpu.memory_space<vmem_shared>> -> memref<80x128xf32, #tpu.memory_space<vmem_shared>>
      tpu.wait_dma2 semaphore(%run_scoped3A : memref<!tpu.dma_semaphore, #tpu.memory_space<semaphore_mem>>) src(%arg15 : memref<80x128xf32, #tpu.memory_space<vmem>>) dst(%dma_wait3A_117 : memref<80x128xf32, #tpu.memory_space<vmem_shared>>)
      tpu.yield
    }) : () -> ()
    %mul3A_37 = arith.constant 16 : i32
    %mul3A_38 = arith.muli %mul3A_21, %mul3A_37 : i32
    %add3A_39 = arith.constant 0 : i32
    %add3A_40 = arith.addi %mul3A_38, %add3A_39 : i32
    "tpu.region"() ({
      %run_scoped3A = tpu.sem_alloc : memref<!tpu.dma_semaphore, #tpu.memory_space<semaphore_mem>>
      %dma_start3A = tpu.memref_slice %arg33[%add3A_40] : memref<163840xf32, #tpu.memory_space<vmem_shared>> -> memref<1024xf32, #tpu.memory_space<vmem_shared>>
      %dma_start3A_112 = tpu.memref_slice %arg33[%add3A_40] : memref<163840xf32, #tpu.memory_space<vmem_shared>> -> memref<1024xf32, #tpu.memory_space<vmem_shared>>
      tpu.enqueue_dma source(%arg31 : memref<1024xf32, #tpu.memory_space<vmem>>) target(%dma_start3A_112 : memref<1024xf32, #tpu.memory_space<vmem_shared>>) target_semaphore(%run_scoped3A : memref<!tpu.dma_semaphore, #tpu.memory_space<semaphore_mem>>)
      %dma_wait3A = tpu.memref_slice %arg33[%add3A_40] : memref<163840xf32, #tpu.memory_space<vmem_shared>> -> memref<1024xf32, #tpu.memory_space<vmem_shared>>
      %dma_wait3A_113 = tpu.memref_slice %arg33[%add3A_40] : memref<163840xf32, #tpu.memory_space<vmem_shared>> -> memref<1024xf32, #tpu.memory_space<vmem_shared>>
      tpu.wait_dma2 semaphore(%run_scoped3A : memref<!tpu.dma_semaphore, #tpu.memory_space<semaphore_mem>>) src(%arg31 : memref<1024xf32, #tpu.memory_space<vmem>>) dst(%dma_wait3A_113 : memref<1024xf32, #tpu.memory_space<vmem_shared>>)
      tpu.yield
    }) : () -> ()
    %add3A_41 = arith.constant 1024 : i32
    %add3A_42 = arith.addi %mul3A_38, %add3A_41 : i32
    "tpu.region"() ({
      %run_scoped3A = tpu.sem_alloc : memref<!tpu.dma_semaphore, #tpu.memory_space<semaphore_mem>>
      %dma_start3A = tpu.memref_slice %arg33[%add3A_42] : memref<163840xf32, #tpu.memory_space<vmem_shared>> -> memref<1024xf32, #tpu.memory_space<vmem_shared>>
      %dma_start3A_112 = tpu.memref_slice %arg33[%add3A_42] : memref<163840xf32, #tpu.memory_space<vmem_shared>> -> memref<1024xf32, #tpu.memory_space<vmem_shared>>
      tpu.enqueue_dma source(%arg31 : memref<1024xf32, #tpu.memory_space<vmem>>) target(%dma_start3A_112 : memref<1024xf32, #tpu.memory_space<vmem_shared>>) target_semaphore(%run_scoped3A : memref<!tpu.dma_semaphore, #tpu.memory_space<semaphore_mem>>)
      %dma_wait3A = tpu.memref_slice %arg33[%add3A_42] : memref<163840xf32, #tpu.memory_space<vmem_shared>> -> memref<1024xf32, #tpu.memory_space<vmem_shared>>
      %dma_wait3A_113 = tpu.memref_slice %arg33[%add3A_42] : memref<163840xf32, #tpu.memory_space<vmem_shared>> -> memref<1024xf32, #tpu.memory_space<vmem_shared>>
      tpu.wait_dma2 semaphore(%run_scoped3A : memref<!tpu.dma_semaphore, #tpu.memory_space<semaphore_mem>>) src(%arg31 : memref<1024xf32, #tpu.memory_space<vmem>>) dst(%dma_wait3A_113 : memref<1024xf32, #tpu.memory_space<vmem_shared>>)
      tpu.yield
    }) : () -> ()
    %add3A_43 = arith.constant 2048 : i32
    %add3A_44 = arith.addi %mul3A_38, %add3A_43 : i32
    "tpu.region"() ({
      %run_scoped3A = tpu.sem_alloc : memref<!tpu.dma_semaphore, #tpu.memory_space<semaphore_mem>>
      %dma_start3A = tpu.memref_slice %arg33[%add3A_44] : memref<163840xf32, #tpu.memory_space<vmem_shared>> -> memref<1024xf32, #tpu.memory_space<vmem_shared>>
      %dma_start3A_112 = tpu.memref_slice %arg33[%add3A_44] : memref<163840xf32, #tpu.memory_space<vmem_shared>> -> memref<1024xf32, #tpu.memory_space<vmem_shared>>
      tpu.enqueue_dma source(%arg31 : memref<1024xf32, #tpu.memory_space<vmem>>) target(%dma_start3A_112 : memref<1024xf32, #tpu.memory_space<vmem_shared>>) target_semaphore(%run_scoped3A : memref<!tpu.dma_semaphore, #tpu.memory_space<semaphore_mem>>)
      %dma_wait3A = tpu.memref_slice %arg33[%add3A_44] : memref<163840xf32, #tpu.memory_space<vmem_shared>> -> memref<1024xf32, #tpu.memory_space<vmem_shared>>
      %dma_wait3A_113 = tpu.memref_slice %arg33[%add3A_44] : memref<163840xf32, #tpu.memory_space<vmem_shared>> -> memref<1024xf32, #tpu.memory_space<vmem_shared>>
      tpu.wait_dma2 semaphore(%run_scoped3A : memref<!tpu.dma_semaphore, #tpu.memory_space<semaphore_mem>>) src(%arg31 : memref<1024xf32, #tpu.memory_space<vmem>>) dst(%dma_wait3A_113 : memref<1024xf32, #tpu.memory_space<vmem_shared>>)
      tpu.yield
    }) : () -> ()
    %add3A_45 = arith.constant 3072 : i32
    %add3A_46 = arith.addi %mul3A_38, %add3A_45 : i32
    "tpu.region"() ({
      %run_scoped3A = tpu.sem_alloc : memref<!tpu.dma_semaphore, #tpu.memory_space<semaphore_mem>>
      %dma_start3A = tpu.memref_slice %arg33[%add3A_46] : memref<163840xf32, #tpu.memory_space<vmem_shared>> -> memref<1024xf32, #tpu.memory_space<vmem_shared>>
      %dma_start3A_112 = tpu.memref_slice %arg33[%add3A_46] : memref<163840xf32, #tpu.memory_space<vmem_shared>> -> memref<1024xf32, #tpu.memory_space<vmem_shared>>
      tpu.enqueue_dma source(%arg31 : memref<1024xf32, #tpu.memory_space<vmem>>) target(%dma_start3A_112 : memref<1024xf32, #tpu.memory_space<vmem_shared>>) target_semaphore(%run_scoped3A : memref<!tpu.dma_semaphore, #tpu.memory_space<semaphore_mem>>)
      %dma_wait3A = tpu.memref_slice %arg33[%add3A_46] : memref<163840xf32, #tpu.memory_space<vmem_shared>> -> memref<1024xf32, #tpu.memory_space<vmem_shared>>
      %dma_wait3A_113 = tpu.memref_slice %arg33[%add3A_46] : memref<163840xf32, #tpu.memory_space<vmem_shared>> -> memref<1024xf32, #tpu.memory_space<vmem_shared>>
      tpu.wait_dma2 semaphore(%run_scoped3A : memref<!tpu.dma_semaphore, #tpu.memory_space<semaphore_mem>>) src(%arg31 : memref<1024xf32, #tpu.memory_space<vmem>>) dst(%dma_wait3A_113 : memref<1024xf32, #tpu.memory_space<vmem_shared>>)
      tpu.yield
    }) : () -> ()
    %add3A_47 = arith.constant 4096 : i32
    %add3A_48 = arith.addi %mul3A_38, %add3A_47 : i32
    "tpu.region"() ({
      %run_scoped3A = tpu.sem_alloc : memref<!tpu.dma_semaphore, #tpu.memory_space<semaphore_mem>>
      %dma_start3A = tpu.memref_slice %arg33[%add3A_48] : memref<163840xf32, #tpu.memory_space<vmem_shared>> -> memref<1024xf32, #tpu.memory_space<vmem_shared>>
      %dma_start3A_112 = tpu.memref_slice %arg33[%add3A_48] : memref<163840xf32, #tpu.memory_space<vmem_shared>> -> memref<1024xf32, #tpu.memory_space<vmem_shared>>
      tpu.enqueue_dma source(%arg31 : memref<1024xf32, #tpu.memory_space<vmem>>) target(%dma_start3A_112 : memref<1024xf32, #tpu.memory_space<vmem_shared>>) target_semaphore(%run_scoped3A : memref<!tpu.dma_semaphore, #tpu.memory_space<semaphore_mem>>)
      %dma_wait3A = tpu.memref_slice %arg33[%add3A_48] : memref<163840xf32, #tpu.memory_space<vmem_shared>> -> memref<1024xf32, #tpu.memory_space<vmem_shared>>
      %dma_wait3A_113 = tpu.memref_slice %arg33[%add3A_48] : memref<163840xf32, #tpu.memory_space<vmem_shared>> -> memref<1024xf32, #tpu.memory_space<vmem_shared>>
      tpu.wait_dma2 semaphore(%run_scoped3A : memref<!tpu.dma_semaphore, #tpu.memory_space<semaphore_mem>>) src(%arg31 : memref<1024xf32, #tpu.memory_space<vmem>>) dst(%dma_wait3A_113 : memref<1024xf32, #tpu.memory_space<vmem_shared>>)
      tpu.yield
    }) : () -> ()
    %add3A_49 = arith.constant 5120 : i32
    %add3A_50 = arith.addi %mul3A_38, %add3A_49 : i32
    "tpu.region"() ({
      %run_scoped3A = tpu.sem_alloc : memref<!tpu.dma_semaphore, #tpu.memory_space<semaphore_mem>>
      %dma_start3A = tpu.memref_slice %arg33[%add3A_50] : memref<163840xf32, #tpu.memory_space<vmem_shared>> -> memref<1024xf32, #tpu.memory_space<vmem_shared>>
      %dma_start3A_112 = tpu.memref_slice %arg33[%add3A_50] : memref<163840xf32, #tpu.memory_space<vmem_shared>> -> memref<1024xf32, #tpu.memory_space<vmem_shared>>
      tpu.enqueue_dma source(%arg31 : memref<1024xf32, #tpu.memory_space<vmem>>) target(%dma_start3A_112 : memref<1024xf32, #tpu.memory_space<vmem_shared>>) target_semaphore(%run_scoped3A : memref<!tpu.dma_semaphore, #tpu.memory_space<semaphore_mem>>)
      %dma_wait3A = tpu.memref_slice %arg33[%add3A_50] : memref<163840xf32, #tpu.memory_space<vmem_shared>> -> memref<1024xf32, #tpu.memory_space<vmem_shared>>
      %dma_wait3A_113 = tpu.memref_slice %arg33[%add3A_50] : memref<163840xf32, #tpu.memory_space<vmem_shared>> -> memref<1024xf32, #tpu.memory_space<vmem_shared>>
      tpu.wait_dma2 semaphore(%run_scoped3A : memref<!tpu.dma_semaphore, #tpu.memory_space<semaphore_mem>>) src(%arg31 : memref<1024xf32, #tpu.memory_space<vmem>>) dst(%dma_wait3A_113 : memref<1024xf32, #tpu.memory_space<vmem_shared>>)
      tpu.yield
    }) : () -> ()
    %add3A_51 = arith.constant 6144 : i32
    %add3A_52 = arith.addi %mul3A_38, %add3A_51 : i32
    "tpu.region"() ({
      %run_scoped3A = tpu.sem_alloc : memref<!tpu.dma_semaphore, #tpu.memory_space<semaphore_mem>>
      %dma_start3A = tpu.memref_slice %arg33[%add3A_52] : memref<163840xf32, #tpu.memory_space<vmem_shared>> -> memref<1024xf32, #tpu.memory_space<vmem_shared>>
      %dma_start3A_112 = tpu.memref_slice %arg33[%add3A_52] : memref<163840xf32, #tpu.memory_space<vmem_shared>> -> memref<1024xf32, #tpu.memory_space<vmem_shared>>
      tpu.enqueue_dma source(%arg31 : memref<1024xf32, #tpu.memory_space<vmem>>) target(%dma_start3A_112 : memref<1024xf32, #tpu.memory_space<vmem_shared>>) target_semaphore(%run_scoped3A : memref<!tpu.dma_semaphore, #tpu.memory_space<semaphore_mem>>)
      %dma_wait3A = tpu.memref_slice %arg33[%add3A_52] : memref<163840xf32, #tpu.memory_space<vmem_shared>> -> memref<1024xf32, #tpu.memory_space<vmem_shared>>
      %dma_wait3A_113 = tpu.memref_slice %arg33[%add3A_52] : memref<163840xf32, #tpu.memory_space<vmem_shared>> -> memref<1024xf32, #tpu.memory_space<vmem_shared>>
      tpu.wait_dma2 semaphore(%run_scoped3A : memref<!tpu.dma_semaphore, #tpu.memory_space<semaphore_mem>>) src(%arg31 : memref<1024xf32, #tpu.memory_space<vmem>>) dst(%dma_wait3A_113 : memref<1024xf32, #tpu.memory_space<vmem_shared>>)
      tpu.yield
    }) : () -> ()
    %add3A_53 = arith.constant 7168 : i32
    %add3A_54 = arith.addi %mul3A_38, %add3A_53 : i32
    "tpu.region"() ({
      %run_scoped3A = tpu.sem_alloc : memref<!tpu.dma_semaphore, #tpu.memory_space<semaphore_mem>>
      %dma_start3A = tpu.memref_slice %arg33[%add3A_54] : memref<163840xf32, #tpu.memory_space<vmem_shared>> -> memref<1024xf32, #tpu.memory_space<vmem_shared>>
      %dma_start3A_112 = tpu.memref_slice %arg33[%add3A_54] : memref<163840xf32, #tpu.memory_space<vmem_shared>> -> memref<1024xf32, #tpu.memory_space<vmem_shared>>
      tpu.enqueue_dma source(%arg31 : memref<1024xf32, #tpu.memory_space<vmem>>) target(%dma_start3A_112 : memref<1024xf32, #tpu.memory_space<vmem_shared>>) target_semaphore(%run_scoped3A : memref<!tpu.dma_semaphore, #tpu.memory_space<semaphore_mem>>)
      %dma_wait3A = tpu.memref_slice %arg33[%add3A_54] : memref<163840xf32, #tpu.memory_space<vmem_shared>> -> memref<1024xf32, #tpu.memory_space<vmem_shared>>
      %dma_wait3A_113 = tpu.memref_slice %arg33[%add3A_54] : memref<163840xf32, #tpu.memory_space<vmem_shared>> -> memref<1024xf32, #tpu.memory_space<vmem_shared>>
      tpu.wait_dma2 semaphore(%run_scoped3A : memref<!tpu.dma_semaphore, #tpu.memory_space<semaphore_mem>>) src(%arg31 : memref<1024xf32, #tpu.memory_space<vmem>>) dst(%dma_wait3A_113 : memref<1024xf32, #tpu.memory_space<vmem_shared>>)
      tpu.yield
    }) : () -> ()
    %add3A_55 = arith.constant 8192 : i32
    %add3A_56 = arith.addi %mul3A_38, %add3A_55 : i32
    "tpu.region"() ({
      %run_scoped3A = tpu.sem_alloc : memref<!tpu.dma_semaphore, #tpu.memory_space<semaphore_mem>>
      %dma_start3A = tpu.memref_slice %arg33[%add3A_56] : memref<163840xf32, #tpu.memory_space<vmem_shared>> -> memref<1024xf32, #tpu.memory_space<vmem_shared>>
      %dma_start3A_112 = tpu.memref_slice %arg33[%add3A_56] : memref<163840xf32, #tpu.memory_space<vmem_shared>> -> memref<1024xf32, #tpu.memory_space<vmem_shared>>
      tpu.enqueue_dma source(%arg31 : memref<1024xf32, #tpu.memory_space<vmem>>) target(%dma_start3A_112 : memref<1024xf32, #tpu.memory_space<vmem_shared>>) target_semaphore(%run_scoped3A : memref<!tpu.dma_semaphore, #tpu.memory_space<semaphore_mem>>)
      %dma_wait3A = tpu.memref_slice %arg33[%add3A_56] : memref<163840xf32, #tpu.memory_space<vmem_shared>> -> memref<1024xf32, #tpu.memory_space<vmem_shared>>
      %dma_wait3A_113 = tpu.memref_slice %arg33[%add3A_56] : memref<163840xf32, #tpu.memory_space<vmem_shared>> -> memref<1024xf32, #tpu.memory_space<vmem_shared>>
      tpu.wait_dma2 semaphore(%run_scoped3A : memref<!tpu.dma_semaphore, #tpu.memory_space<semaphore_mem>>) src(%arg31 : memref<1024xf32, #tpu.memory_space<vmem>>) dst(%dma_wait3A_113 : memref<1024xf32, #tpu.memory_space<vmem_shared>>)
      tpu.yield
    }) : () -> ()
    %add3A_57 = arith.constant 9216 : i32
    %add3A_58 = arith.addi %mul3A_38, %add3A_57 : i32
    "tpu.region"() ({
      %run_scoped3A = tpu.sem_alloc : memref<!tpu.dma_semaphore, #tpu.memory_space<semaphore_mem>>
      %dma_start3A = tpu.memref_slice %arg33[%add3A_58] : memref<163840xf32, #tpu.memory_space<vmem_shared>> -> memref<1024xf32, #tpu.memory_space<vmem_shared>>
      %dma_start3A_112 = tpu.memref_slice %arg33[%add3A_58] : memref<163840xf32, #tpu.memory_space<vmem_shared>> -> memref<1024xf32, #tpu.memory_space<vmem_shared>>
      tpu.enqueue_dma source(%arg31 : memref<1024xf32, #tpu.memory_space<vmem>>) target(%dma_start3A_112 : memref<1024xf32, #tpu.memory_space<vmem_shared>>) target_semaphore(%run_scoped3A : memref<!tpu.dma_semaphore, #tpu.memory_space<semaphore_mem>>)
      %dma_wait3A = tpu.memref_slice %arg33[%add3A_58] : memref<163840xf32, #tpu.memory_space<vmem_shared>> -> memref<1024xf32, #tpu.memory_space<vmem_shared>>
      %dma_wait3A_113 = tpu.memref_slice %arg33[%add3A_58] : memref<163840xf32, #tpu.memory_space<vmem_shared>> -> memref<1024xf32, #tpu.memory_space<vmem_shared>>
      tpu.wait_dma2 semaphore(%run_scoped3A : memref<!tpu.dma_semaphore, #tpu.memory_space<semaphore_mem>>) src(%arg31 : memref<1024xf32, #tpu.memory_space<vmem>>) dst(%dma_wait3A_113 : memref<1024xf32, #tpu.memory_space<vmem_shared>>)
      tpu.yield
    }) : () -> ()
    %barrier3A = arith.constant 0 : index
    tpu.barrier barrier_id(%barrier3A)
    %iota3A = tpu.iota {dimensions = array<i32: 0>} : vector<16xi32>
    %shift_right_logical3A = arith.constant 3 : i32
    %shift_right_logical3A_59 = vector.broadcast %shift_right_logical3A : i32 to vector<16xi32>
    %shift_right_logical3A_60 = arith.shrui %iota3A, %shift_right_logical3A_59 : vector<16xi32>
    %and3A = arith.constant 7 : i32
    %and3A_61 = vector.broadcast %and3A : i32 to vector<16xi32>
    %and3A_62 = arith.andi %iota3A, %and3A_61 : vector<16xi32>
    %mul3A_63 = arith.constant 16 : i32
    %mul3A_64 = vector.broadcast %mul3A_63 : i32 to vector<16xi32>
    %mul3A_65 = arith.muli %and3A_62, %mul3A_64 : vector<16xi32>
    %mul3A_66 = arith.constant 20000 : i32
    %mul3A_67 = arith.muli %arg1, %mul3A_66 : i32
    %scan3A_68 = arith.constant 0 : i32
    %scan3A_69 = arith.constant 0 : i32
    %scan3A_70 = arith.constant 250 : i32
    %scan3A_71 = arith.addi %scan3A_69, %scan3A_70 : i32
    %scan3A_72 = arith.constant 1 : i32
    %scan3A_73 = scf.for %scan3A_112 = %scan3A_69 to %scan3A_71 step %scan3A_72 iter_args(%scan3A_113 = %scan3A_68) -> (i32)  : i32 {
      %mul3A_114 = arith.constant 80 : i32
      %mul3A_115 = arith.muli %scan3A_112, %mul3A_114 : i32
      %add3A_116 = arith.addi %mul3A_67, %mul3A_115 : i32
      %multiple_of3A = tpu.assume_multiple %add3A_116, 80 : i32
      %mul3A_117 = arith.constant 8 : i32
      %mul3A_118 = arith.muli %multiple_of3A, %mul3A_117 : i32
      %multiple_of3A_119 = tpu.assume_multiple %mul3A_118, 640 : i32
      "tpu.region"() ({
        %run_scoped3A_376 = tpu.sem_alloc : memref<!tpu.dma_semaphore, #tpu.memory_space<semaphore_mem>>
        %dma_start3A_377 = tpu.memref_slice %arg5[%multiple_of3A] : memref<320000xi32, #tpu.memory_space<hbm>> -> memref<80xi32, #tpu.memory_space<hbm>>
        %dma_start3A_378 = tpu.memref_slice %arg5[%multiple_of3A] : memref<320000xi32, #tpu.memory_space<hbm>> -> memref<80xi32, #tpu.memory_space<hbm>>
        tpu.enqueue_dma source(%dma_start3A_378 : memref<80xi32, #tpu.memory_space<hbm>>) target(%arg13 : memref<80xi32, #tpu.memory_space<vmem>>) target_semaphore(%run_scoped3A_376 : memref<!tpu.dma_semaphore, #tpu.memory_space<semaphore_mem>>)
        %dma_wait3A_379 = tpu.memref_slice %arg5[%multiple_of3A] : memref<320000xi32, #tpu.memory_space<hbm>> -> memref<80xi32, #tpu.memory_space<hbm>>
        %dma_wait3A_380 = tpu.memref_slice %arg5[%multiple_of3A] : memref<320000xi32, #tpu.memory_space<hbm>> -> memref<80xi32, #tpu.memory_space<hbm>>
        tpu.wait_dma2 semaphore(%run_scoped3A_376 : memref<!tpu.dma_semaphore, #tpu.memory_space<semaphore_mem>>) src(%dma_wait3A_380 : memref<80xi32, #tpu.memory_space<hbm>>) dst(%arg13 : memref<80xi32, #tpu.memory_space<vmem>>)
        tpu.yield
      }) : () -> ()
      "tpu.region"() ({
        %run_scoped3A_376 = tpu.sem_alloc : memref<!tpu.dma_semaphore, #tpu.memory_space<semaphore_mem>>
        %dma_start3A_377 = tpu.memref_slice %arg6[%multiple_of3A] : memref<320000xi32, #tpu.memory_space<hbm>> -> memref<80xi32, #tpu.memory_space<hbm>>
        %dma_start3A_378 = tpu.memref_slice %arg6[%multiple_of3A] : memref<320000xi32, #tpu.memory_space<hbm>> -> memref<80xi32, #tpu.memory_space<hbm>>
        tpu.enqueue_dma source(%dma_start3A_378 : memref<80xi32, #tpu.memory_space<hbm>>) target(%arg14 : memref<80xi32, #tpu.memory_space<vmem>>) target_semaphore(%run_scoped3A_376 : memref<!tpu.dma_semaphore, #tpu.memory_space<semaphore_mem>>)
        %dma_wait3A_379 = tpu.memref_slice %arg6[%multiple_of3A] : memref<320000xi32, #tpu.memory_space<hbm>> -> memref<80xi32, #tpu.memory_space<hbm>>
        %dma_wait3A_380 = tpu.memref_slice %arg6[%multiple_of3A] : memref<320000xi32, #tpu.memory_space<hbm>> -> memref<80xi32, #tpu.memory_space<hbm>>
        tpu.wait_dma2 semaphore(%run_scoped3A_376 : memref<!tpu.dma_semaphore, #tpu.memory_space<semaphore_mem>>) src(%dma_wait3A_380 : memref<80xi32, #tpu.memory_space<hbm>>) dst(%arg14 : memref<80xi32, #tpu.memory_space<vmem>>)
        tpu.yield
      }) : () -> ()
      "tpu.region"() ({
        %run_scoped3A_376 = tpu.sem_alloc : memref<!tpu.dma_semaphore, #tpu.memory_space<semaphore_mem>>
        %dma_start3A_377 = tpu.memref_slice %arg7[%multiple_of3A] : memref<320000xf32, #tpu.memory_space<hbm>> -> memref<80xf32, #tpu.memory_space<hbm>>
        %dma_start3A_378 = tpu.memref_slice %arg7[%multiple_of3A] : memref<320000xf32, #tpu.memory_space<hbm>> -> memref<80xf32, #tpu.memory_space<hbm>>
        tpu.enqueue_dma source(%dma_start3A_378 : memref<80xf32, #tpu.memory_space<hbm>>) target(%arg21 : memref<80xf32, #tpu.memory_space<vmem>>) target_semaphore(%run_scoped3A_376 : memref<!tpu.dma_semaphore, #tpu.memory_space<semaphore_mem>>)
        %dma_wait3A_379 = tpu.memref_slice %arg7[%multiple_of3A] : memref<320000xf32, #tpu.memory_space<hbm>> -> memref<80xf32, #tpu.memory_space<hbm>>
        %dma_wait3A_380 = tpu.memref_slice %arg7[%multiple_of3A] : memref<320000xf32, #tpu.memory_space<hbm>> -> memref<80xf32, #tpu.memory_space<hbm>>
        tpu.wait_dma2 semaphore(%run_scoped3A_376 : memref<!tpu.dma_semaphore, #tpu.memory_space<semaphore_mem>>) src(%dma_wait3A_380 : memref<80xf32, #tpu.memory_space<hbm>>) dst(%arg21 : memref<80xf32, #tpu.memory_space<vmem>>)
        tpu.yield
      }) : () -> ()
      "tpu.region"() ({
        %run_scoped3A_376 = tpu.sem_alloc : memref<!tpu.dma_semaphore, #tpu.memory_space<semaphore_mem>>
        %dma_start3A_377 = tpu.memref_slice %arg8[%multiple_of3A_119] : memref<2560000xf32, #tpu.memory_space<hbm>> -> memref<640xf32, #tpu.memory_space<hbm>>
        %dma_start3A_378 = tpu.memref_slice %arg8[%multiple_of3A_119] : memref<2560000xf32, #tpu.memory_space<hbm>> -> memref<640xf32, #tpu.memory_space<hbm>>
        tpu.enqueue_dma source(%dma_start3A_378 : memref<640xf32, #tpu.memory_space<hbm>>) target(%arg19 : memref<640xf32, #tpu.memory_space<vmem>>) target_semaphore(%run_scoped3A_376 : memref<!tpu.dma_semaphore, #tpu.memory_space<semaphore_mem>>)
        %dma_wait3A_379 = tpu.memref_slice %arg8[%multiple_of3A_119] : memref<2560000xf32, #tpu.memory_space<hbm>> -> memref<640xf32, #tpu.memory_space<hbm>>
        %dma_wait3A_380 = tpu.memref_slice %arg8[%multiple_of3A_119] : memref<2560000xf32, #tpu.memory_space<hbm>> -> memref<640xf32, #tpu.memory_space<hbm>>
        tpu.wait_dma2 semaphore(%run_scoped3A_376 : memref<!tpu.dma_semaphore, #tpu.memory_space<semaphore_mem>>) src(%dma_wait3A_380 : memref<640xf32, #tpu.memory_space<hbm>>) dst(%arg19 : memref<640xf32, #tpu.memory_space<vmem>>)
        tpu.yield
      }) : () -> ()
      %lt3A = arith.constant 160000 : i32
      %lt3A_120 = arith.cmpi slt, %multiple_of3A, %lt3A : i32
      %convert_element_type3A = arith.extui %lt3A_120 : i1 to i32
      %cond3A = arith.constant 0 : i32
      %cond3A_121 = arith.cmpi ne, %convert_element_type3A, %cond3A : i32
      scf.if %cond3A_121 {
        "tpu.region"() ({
          %run_scoped3A_376 = tpu.sem_alloc : memref<!tpu.dma_semaphore, #tpu.memory_space<semaphore_mem>>
          %dma_start3A_377 = tpu.memref_slice %arg9[%multiple_of3A_119] : memref<1280000xf32, #tpu.memory_space<hbm>> -> memref<640xf32, #tpu.memory_space<hbm>>
          %dma_start3A_378 = tpu.memref_slice %arg9[%multiple_of3A_119] : memref<1280000xf32, #tpu.memory_space<hbm>> -> memref<640xf32, #tpu.memory_space<hbm>>
          tpu.enqueue_dma source(%dma_start3A_378 : memref<640xf32, #tpu.memory_space<hbm>>) target(%arg20 : memref<640xf32, #tpu.memory_space<vmem>>) target_semaphore(%run_scoped3A_376 : memref<!tpu.dma_semaphore, #tpu.memory_space<semaphore_mem>>)
          %dma_wait3A_379 = tpu.memref_slice %arg9[%multiple_of3A_119] : memref<1280000xf32, #tpu.memory_space<hbm>> -> memref<640xf32, #tpu.memory_space<hbm>>
          %dma_wait3A_380 = tpu.memref_slice %arg9[%multiple_of3A_119] : memref<1280000xf32, #tpu.memory_space<hbm>> -> memref<640xf32, #tpu.memory_space<hbm>>
          tpu.wait_dma2 semaphore(%run_scoped3A_376 : memref<!tpu.dma_semaphore, #tpu.memory_space<semaphore_mem>>) src(%dma_wait3A_380 : memref<640xf32, #tpu.memory_space<hbm>>) dst(%arg20 : memref<640xf32, #tpu.memory_space<vmem>>)
          tpu.yield
        }) : () -> ()
      } else {
      }
      %dma_start3A = arith.constant 0 : i32
      %dma_start3A_122 = arith.constant 0 : i32
      %dma_start3A_123 = tpu.memref_slice %arg3[%dma_start3A, %dma_start3A_122] : memref<10000x128xf32, #tpu.memory_space<hbm>> -> memref<10000x128xf32, #tpu.memory_space<hbm>>
      tpu.enqueue_indirect_dma source(%dma_start3A_123 : memref<10000x128xf32, #tpu.memory_space<hbm>>) target(%arg15 : memref<80x128xf32, #tpu.memory_space<vmem>>) offsets(%arg13 : memref<80xi32, #tpu.memory_space<vmem>>) semaphore(%arg34 : memref<!tpu.dma_semaphore, #tpu.memory_space<semaphore_mem>>)
      %dma_start3A_124 = arith.constant 0 : i32
      %dma_start3A_125 = arith.constant 0 : i32
      %dma_start3A_126 = tpu.memref_slice %arg2[%dma_start3A_124, %dma_start3A_125] : memref<10000x128xf32, #tpu.memory_space<hbm>> -> memref<10000x128xf32, #tpu.memory_space<hbm>>
      tpu.enqueue_indirect_dma source(%dma_start3A_126 : memref<10000x128xf32, #tpu.memory_space<hbm>>) target(%arg16 : memref<80x128xf32, #tpu.memory_space<vmem>>) offsets(%arg14 : memref<80xi32, #tpu.memory_space<vmem>>) semaphore(%arg35 : memref<!tpu.dma_semaphore, #tpu.memory_space<semaphore_mem>>)
      %dma_start3A_127 = arith.constant 0 : i32
      %dma_start3A_128 = arith.constant 0 : i32
      %dma_start3A_129 = tpu.memref_slice %arg4[%dma_start3A_127, %dma_start3A_128] : memref<10000x128xf32, #tpu.memory_space<hbm>> -> memref<10000x128xf32, #tpu.memory_space<hbm>>
      tpu.enqueue_indirect_dma source(%dma_start3A_129 : memref<10000x128xf32, #tpu.memory_space<hbm>>) target(%arg17 : memref<80x128xf32, #tpu.memory_space<vmem>>) offsets(%arg13 : memref<80xi32, #tpu.memory_space<vmem>>) semaphore(%arg36 : memref<!tpu.dma_semaphore, #tpu.memory_space<semaphore_mem>>)
      %dma_wait3A = arith.constant 0 : i32
      %dma_wait3A_130 = arith.constant 0 : i32
      %dma_wait3A_131 = tpu.memref_slice %arg3[%dma_wait3A, %dma_wait3A_130] : memref<10000x128xf32, #tpu.memory_space<hbm>> -> memref<10000x128xf32, #tpu.memory_space<hbm>>
      tpu.wait_indirect_dma semaphore(%arg34 : memref<!tpu.dma_semaphore, #tpu.memory_space<semaphore_mem>>) src(%dma_wait3A_131 : memref<10000x128xf32, #tpu.memory_space<hbm>>) dst(%arg15 : memref<80x128xf32, #tpu.memory_space<vmem>>)
      %dma_wait3A_132 = arith.constant 0 : i32
      %dma_wait3A_133 = arith.constant 0 : i32
      %dma_wait3A_134 = tpu.memref_slice %arg2[%dma_wait3A_132, %dma_wait3A_133] : memref<10000x128xf32, #tpu.memory_space<hbm>> -> memref<10000x128xf32, #tpu.memory_space<hbm>>
      tpu.wait_indirect_dma semaphore(%arg35 : memref<!tpu.dma_semaphore, #tpu.memory_space<semaphore_mem>>) src(%dma_wait3A_134 : memref<10000x128xf32, #tpu.memory_space<hbm>>) dst(%arg16 : memref<80x128xf32, #tpu.memory_space<vmem>>)
      %dma_wait3A_135 = arith.constant 0 : i32
      %dma_wait3A_136 = arith.constant 0 : i32
      %dma_wait3A_137 = tpu.memref_slice %arg4[%dma_wait3A_135, %dma_wait3A_136] : memref<10000x128xf32, #tpu.memory_space<hbm>> -> memref<10000x128xf32, #tpu.memory_space<hbm>>
      tpu.wait_indirect_dma semaphore(%arg36 : memref<!tpu.dma_semaphore, #tpu.memory_space<semaphore_mem>>) src(%dma_wait3A_137 : memref<10000x128xf32, #tpu.memory_space<hbm>>) dst(%arg17 : memref<80x128xf32, #tpu.memory_space<vmem>>)
      %scan3A_138 = arith.constant 0 : i32
      %scan3A_139 = arith.constant 0 : i32
      %scan3A_140 = arith.constant 40 : i32
      %scan3A_141 = arith.addi %scan3A_139, %scan3A_140 : i32
      %scan3A_142 = arith.constant 1 : i32
      %scan3A_143 = scf.for %scan3A_376 = %scan3A_139 to %scan3A_141 step %scan3A_142 iter_args(%scan3A_377 = %scan3A_138) -> (i32)  : i32 {
        %mul3A_378 = arith.constant 2 : i32
        %mul3A_379 = arith.muli %mul3A_378, %scan3A_376 : i32
        %add3A_380 = vector.broadcast %mul3A_379 : i32 to vector<16xi32>
        %add3A_381 = arith.addi %shift_right_logical3A_60, %add3A_380 : vector<16xi32>
        %broadcast_in_dim3A_382 = arith.constant 0.000000e+00 : f32
        %broadcast_in_dim3A_383 = vector.broadcast %broadcast_in_dim3A_382 : f32 to vector<16xf32>
        %add3A_384 = arith.constant 0 : i32
        %add3A_385 = vector.broadcast %add3A_384 : i32 to vector<16xi32>
        %add3A_386 = arith.addi %mul3A_65, %add3A_385 : vector<16xi32>
        %gather3A = tpu.vector_load_idx %arg15[%add3A_381, %add3A_386] : memref<80x128xf32, #tpu.memory_space<vmem>>[vector<16xi32>, vector<16xi32>], vector<16xf32>,
        %gather3A_387 = tpu.vector_load_idx %arg16[%add3A_381, %add3A_386] : memref<80x128xf32, #tpu.memory_space<vmem>>[vector<16xi32>, vector<16xi32>], vector<16xf32>,
        %mul3A_388 = arith.mulf %gather3A, %gather3A_387 : vector<16xf32>
        %add3A_389 = arith.addf %broadcast_in_dim3A_383, %mul3A_388 : vector<16xf32>
        %add3A_390 = arith.constant 1 : i32
        %add3A_391 = vector.broadcast %add3A_390 : i32 to vector<16xi32>
        %add3A_392 = arith.addi %mul3A_65, %add3A_391 : vector<16xi32>
        %gather3A_393 = tpu.vector_load_idx %arg15[%add3A_381, %add3A_392] : memref<80x128xf32, #tpu.memory_space<vmem>>[vector<16xi32>, vector<16xi32>], vector<16xf32>,
        %gather3A_394 = tpu.vector_load_idx %arg16[%add3A_381, %add3A_392] : memref<80x128xf32, #tpu.memory_space<vmem>>[vector<16xi32>, vector<16xi32>], vector<16xf32>,
        %mul3A_395 = arith.mulf %gather3A_393, %gather3A_394 : vector<16xf32>
        %add3A_396 = arith.addf %add3A_389, %mul3A_395 : vector<16xf32>
        %add3A_397 = arith.constant 2 : i32
        %add3A_398 = vector.broadcast %add3A_397 : i32 to vector<16xi32>
        %add3A_399 = arith.addi %mul3A_65, %add3A_398 : vector<16xi32>
        %gather3A_400 = tpu.vector_load_idx %arg15[%add3A_381, %add3A_399] : memref<80x128xf32, #tpu.memory_space<vmem>>[vector<16xi32>, vector<16xi32>], vector<16xf32>,
        %gather3A_401 = tpu.vector_load_idx %arg16[%add3A_381, %add3A_399] : memref<80x128xf32, #tpu.memory_space<vmem>>[vector<16xi32>, vector<16xi32>], vector<16xf32>,
        %mul3A_402 = arith.mulf %gather3A_400, %gather3A_401 : vector<16xf32>
        %add3A_403 = arith.addf %add3A_396, %mul3A_402 : vector<16xf32>
        %add3A_404 = arith.constant 3 : i32
        %add3A_405 = vector.broadcast %add3A_404 : i32 to vector<16xi32>
        %add3A_406 = arith.addi %mul3A_65, %add3A_405 : vector<16xi32>
        %gather3A_407 = tpu.vector_load_idx %arg15[%add3A_381, %add3A_406] : memref<80x128xf32, #tpu.memory_space<vmem>>[vector<16xi32>, vector<16xi32>], vector<16xf32>,
        %gather3A_408 = tpu.vector_load_idx %arg16[%add3A_381, %add3A_406] : memref<80x128xf32, #tpu.memory_space<vmem>>[vector<16xi32>, vector<16xi32>], vector<16xf32>,
        %mul3A_409 = arith.mulf %gather3A_407, %gather3A_408 : vector<16xf32>
        %add3A_410 = arith.addf %add3A_403, %mul3A_409 : vector<16xf32>
        %add3A_411 = arith.constant 4 : i32
        %add3A_412 = vector.broadcast %add3A_411 : i32 to vector<16xi32>
        %add3A_413 = arith.addi %mul3A_65, %add3A_412 : vector<16xi32>
        %gather3A_414 = tpu.vector_load_idx %arg15[%add3A_381, %add3A_413] : memref<80x128xf32, #tpu.memory_space<vmem>>[vector<16xi32>, vector<16xi32>], vector<16xf32>,
        %gather3A_415 = tpu.vector_load_idx %arg16[%add3A_381, %add3A_413] : memref<80x128xf32, #tpu.memory_space<vmem>>[vector<16xi32>, vector<16xi32>], vector<16xf32>,
        %mul3A_416 = arith.mulf %gather3A_414, %gather3A_415 : vector<16xf32>
        %add3A_417 = arith.addf %add3A_410, %mul3A_416 : vector<16xf32>
        %add3A_418 = arith.constant 5 : i32
        %add3A_419 = vector.broadcast %add3A_418 : i32 to vector<16xi32>
        %add3A_420 = arith.addi %mul3A_65, %add3A_419 : vector<16xi32>
        %gather3A_421 = tpu.vector_load_idx %arg15[%add3A_381, %add3A_420] : memref<80x128xf32, #tpu.memory_space<vmem>>[vector<16xi32>, vector<16xi32>], vector<16xf32>,
        %gather3A_422 = tpu.vector_load_idx %arg16[%add3A_381, %add3A_420] : memref<80x128xf32, #tpu.memory_space<vmem>>[vector<16xi32>, vector<16xi32>], vector<16xf32>,
        %mul3A_423 = arith.mulf %gather3A_421, %gather3A_422 : vector<16xf32>
        %add3A_424 = arith.addf %add3A_417, %mul3A_423 : vector<16xf32>
        %add3A_425 = arith.constant 6 : i32
        %add3A_426 = vector.broadcast %add3A_425 : i32 to vector<16xi32>
        %add3A_427 = arith.addi %mul3A_65, %add3A_426 : vector<16xi32>
        %gather3A_428 = tpu.vector_load_idx %arg15[%add3A_381, %add3A_427] : memref<80x128xf32, #tpu.memory_space<vmem>>[vector<16xi32>, vector<16xi32>], vector<16xf32>,
        %gather3A_429 = tpu.vector_load_idx %arg16[%add3A_381, %add3A_427] : memref<80x128xf32, #tpu.memory_space<vmem>>[vector<16xi32>, vector<16xi32>], vector<16xf32>,
        %mul3A_430 = arith.mulf %gather3A_428, %gather3A_429 : vector<16xf32>
        %add3A_431 = arith.addf %add3A_424, %mul3A_430 : vector<16xf32>
        %add3A_432 = arith.constant 7 : i32
        %add3A_433 = vector.broadcast %add3A_432 : i32 to vector<16xi32>
        %add3A_434 = arith.addi %mul3A_65, %add3A_433 : vector<16xi32>
        %gather3A_435 = tpu.vector_load_idx %arg15[%add3A_381, %add3A_434] : memref<80x128xf32, #tpu.memory_space<vmem>>[vector<16xi32>, vector<16xi32>], vector<16xf32>,
        %gather3A_436 = tpu.vector_load_idx %arg16[%add3A_381, %add3A_434] : memref<80x128xf32, #tpu.memory_space<vmem>>[vector<16xi32>, vector<16xi32>], vector<16xf32>,
        %mul3A_437 = arith.mulf %gather3A_435, %gather3A_436 : vector<16xf32>
        %add3A_438 = arith.addf %add3A_431, %mul3A_437 : vector<16xf32>
        %add3A_439 = arith.constant 8 : i32
        %add3A_440 = vector.broadcast %add3A_439 : i32 to vector<16xi32>
        %add3A_441 = arith.addi %mul3A_65, %add3A_440 : vector<16xi32>
        %gather3A_442 = tpu.vector_load_idx %arg15[%add3A_381, %add3A_441] : memref<80x128xf32, #tpu.memory_space<vmem>>[vector<16xi32>, vector<16xi32>], vector<16xf32>,
        %gather3A_443 = tpu.vector_load_idx %arg16[%add3A_381, %add3A_441] : memref<80x128xf32, #tpu.memory_space<vmem>>[vector<16xi32>, vector<16xi32>], vector<16xf32>,
        %mul3A_444 = arith.mulf %gather3A_442, %gather3A_443 : vector<16xf32>
        %add3A_445 = arith.addf %add3A_438, %mul3A_444 : vector<16xf32>
        %add3A_446 = arith.constant 9 : i32
        %add3A_447 = vector.broadcast %add3A_446 : i32 to vector<16xi32>
        %add3A_448 = arith.addi %mul3A_65, %add3A_447 : vector<16xi32>
        %gather3A_449 = tpu.vector_load_idx %arg15[%add3A_381, %add3A_448] : memref<80x128xf32, #tpu.memory_space<vmem>>[vector<16xi32>, vector<16xi32>], vector<16xf32>,
        %gather3A_450 = tpu.vector_load_idx %arg16[%add3A_381, %add3A_448] : memref<80x128xf32, #tpu.memory_space<vmem>>[vector<16xi32>, vector<16xi32>], vector<16xf32>,
        %mul3A_451 = arith.mulf %gather3A_449, %gather3A_450 : vector<16xf32>
        %add3A_452 = arith.addf %add3A_445, %mul3A_451 : vector<16xf32>
        %add3A_453 = arith.constant 10 : i32
        %add3A_454 = vector.broadcast %add3A_453 : i32 to vector<16xi32>
        %add3A_455 = arith.addi %mul3A_65, %add3A_454 : vector<16xi32>
        %gather3A_456 = tpu.vector_load_idx %arg15[%add3A_381, %add3A_455] : memref<80x128xf32, #tpu.memory_space<vmem>>[vector<16xi32>, vector<16xi32>], vector<16xf32>,
        %gather3A_457 = tpu.vector_load_idx %arg16[%add3A_381, %add3A_455] : memref<80x128xf32, #tpu.memory_space<vmem>>[vector<16xi32>, vector<16xi32>], vector<16xf32>,
        %mul3A_458 = arith.mulf %gather3A_456, %gather3A_457 : vector<16xf32>
        %add3A_459 = arith.addf %add3A_452, %mul3A_458 : vector<16xf32>
        %add3A_460 = arith.constant 11 : i32
        %add3A_461 = vector.broadcast %add3A_460 : i32 to vector<16xi32>
        %add3A_462 = arith.addi %mul3A_65, %add3A_461 : vector<16xi32>
        %gather3A_463 = tpu.vector_load_idx %arg15[%add3A_381, %add3A_462] : memref<80x128xf32, #tpu.memory_space<vmem>>[vector<16xi32>, vector<16xi32>], vector<16xf32>,
        %gather3A_464 = tpu.vector_load_idx %arg16[%add3A_381, %add3A_462] : memref<80x128xf32, #tpu.memory_space<vmem>>[vector<16xi32>, vector<16xi32>], vector<16xf32>,
        %mul3A_465 = arith.mulf %gather3A_463, %gather3A_464 : vector<16xf32>
        %add3A_466 = arith.addf %add3A_459, %mul3A_465 : vector<16xf32>
        %add3A_467 = arith.constant 12 : i32
        %add3A_468 = vector.broadcast %add3A_467 : i32 to vector<16xi32>
        %add3A_469 = arith.addi %mul3A_65, %add3A_468 : vector<16xi32>
        %gather3A_470 = tpu.vector_load_idx %arg15[%add3A_381, %add3A_469] : memref<80x128xf32, #tpu.memory_space<vmem>>[vector<16xi32>, vector<16xi32>], vector<16xf32>,
        %gather3A_471 = tpu.vector_load_idx %arg16[%add3A_381, %add3A_469] : memref<80x128xf32, #tpu.memory_space<vmem>>[vector<16xi32>, vector<16xi32>], vector<16xf32>,
        %mul3A_472 = arith.mulf %gather3A_470, %gather3A_471 : vector<16xf32>
        %add3A_473 = arith.addf %add3A_466, %mul3A_472 : vector<16xf32>
        %add3A_474 = arith.constant 13 : i32
        %add3A_475 = vector.broadcast %add3A_474 : i32 to vector<16xi32>
        %add3A_476 = arith.addi %mul3A_65, %add3A_475 : vector<16xi32>
        %gather3A_477 = tpu.vector_load_idx %arg15[%add3A_381, %add3A_476] : memref<80x128xf32, #tpu.memory_space<vmem>>[vector<16xi32>, vector<16xi32>], vector<16xf32>,
        %gather3A_478 = tpu.vector_load_idx %arg16[%add3A_381, %add3A_476] : memref<80x128xf32, #tpu.memory_space<vmem>>[vector<16xi32>, vector<16xi32>], vector<16xf32>,
        %mul3A_479 = arith.mulf %gather3A_477, %gather3A_478 : vector<16xf32>
        %add3A_480 = arith.addf %add3A_473, %mul3A_479 : vector<16xf32>
        %add3A_481 = arith.constant 14 : i32
        %add3A_482 = vector.broadcast %add3A_481 : i32 to vector<16xi32>
        %add3A_483 = arith.addi %mul3A_65, %add3A_482 : vector<16xi32>
        %gather3A_484 = tpu.vector_load_idx %arg15[%add3A_381, %add3A_483] : memref<80x128xf32, #tpu.memory_space<vmem>>[vector<16xi32>, vector<16xi32>], vector<16xf32>,
        %gather3A_485 = tpu.vector_load_idx %arg16[%add3A_381, %add3A_483] : memref<80x128xf32, #tpu.memory_space<vmem>>[vector<16xi32>, vector<16xi32>], vector<16xf32>,
        %mul3A_486 = arith.mulf %gather3A_484, %gather3A_485 : vector<16xf32>
        %add3A_487 = arith.addf %add3A_480, %mul3A_486 : vector<16xf32>
        %add3A_488 = arith.constant 15 : i32
        %add3A_489 = vector.broadcast %add3A_488 : i32 to vector<16xi32>
        %add3A_490 = arith.addi %mul3A_65, %add3A_489 : vector<16xi32>
        %gather3A_491 = tpu.vector_load_idx %arg15[%add3A_381, %add3A_490] : memref<80x128xf32, #tpu.memory_space<vmem>>[vector<16xi32>, vector<16xi32>], vector<16xf32>,
        %gather3A_492 = tpu.vector_load_idx %arg16[%add3A_381, %add3A_490] : memref<80x128xf32, #tpu.memory_space<vmem>>[vector<16xi32>, vector<16xi32>], vector<16xf32>,
        %mul3A_493 = arith.mulf %gather3A_491, %gather3A_492 : vector<16xf32>
        %add3A_494 = arith.addf %add3A_487, %mul3A_493 : vector<16xf32>
        %mul3A_495 = arith.constant 2.500000e-01 : f32
        %mul3A_496 = vector.broadcast %mul3A_495 : f32 to vector<16xf32>
        %mul3A_497 = arith.mulf %add3A_494, %mul3A_496 : vector<16xf32>
        %gather3A_498 = tpu.vector_load_idx %arg21[%add3A_381] : memref<80xf32, #tpu.memory_space<vmem>>[vector<16xi32>], vector<16xf32>,
        %mul3A_499 = arith.constant 16 : i32
        %mul3A_500 = arith.muli %scan3A_376, %mul3A_499 : i32
        %multiple_of3A_501 = tpu.assume_multiple %mul3A_500, 16 : i32
        %jit3A = arith.constant -5.000000e+00 : f32
        %jit3A_502 = arith.constant 5.000000e+00 : f32
        %max3A = vector.broadcast %jit3A : f32 to vector<16xf32>
        %max3A_503 = arith.maximumf %max3A, %mul3A_497 : vector<16xf32>
        %min3A = vector.broadcast %jit3A_502 : f32 to vector<16xf32>
        %min3A_504 = arith.minimumf %min3A, %max3A_503 : vector<16xf32>
        %mul3A_505 = arith.mulf %min3A_504, %gather3A_498 : vector<16xf32>
        %exp3A = math.exp %mul3A_505 : vector<16xf32>
        %get3A_506 = arith.index_cast %multiple_of3A_501 : i32 to index
        %get3A_507 = tpu.vector_load %arg19[%get3A_506] {strides = array<i32>} : memref<640xf32, #tpu.memory_space<vmem>>, vector<16xf32>,
        %add3A_508 = arith.addf %exp3A, %get3A_507 : vector<16xf32>
        %swap3A_509 = arith.index_cast %multiple_of3A_501 : i32 to index
        %swap3A_510 = tpu.vector_load %arg18[%swap3A_509] {strides = array<i32>} : memref<640xf32, #tpu.memory_space<vmem>>, vector<16xf32>,
        tpu.vector_store %arg18[%swap3A_509], %add3A_508 {strides = array<i32>} : memref<640xf32, #tpu.memory_space<vmem>>, vector<16xf32>,
        %jit3A_511 = arith.constant -5.000000e+00 : f32
        %jit3A_512 = arith.constant 5.000000e+00 : f32
        %max3A_513 = vector.broadcast %jit3A_511 : f32 to vector<16xf32>
        %max3A_514 = arith.maximumf %max3A_513, %add3A_508 : vector<16xf32>
        %min3A_515 = vector.broadcast %jit3A_512 : f32 to vector<16xf32>
        %min3A_516 = arith.minimumf %min3A_515, %max3A_514 : vector<16xf32>
        %get3A_517 = arith.index_cast %multiple_of3A_501 : i32 to index
        %get3A_518 = tpu.vector_load %arg20[%get3A_517] {strides = array<i32>} : memref<640xf32, #tpu.memory_space<vmem>>, vector<16xf32>,
        %add3A_519 = arith.addf %min3A_516, %get3A_518 : vector<16xf32>
        %jit3A_520 = arith.constant -5.000000e+00 : f32
        %jit3A_521 = arith.constant 5.000000e+00 : f32
        %max3A_522 = vector.broadcast %jit3A_520 : f32 to vector<16xf32>
        %max3A_523 = arith.maximumf %max3A_522, %add3A_519 : vector<16xf32>
        %min3A_524 = vector.broadcast %jit3A_521 : f32 to vector<16xf32>
        %min3A_525 = arith.minimumf %min3A_524, %max3A_523 : vector<16xf32>
        %exp3A_526 = math.exp %min3A_525 : vector<16xf32>
        tpu.vector_store_idx %arg22[%and3A_62, %add3A_381], %exp3A_526 : memref<8x80xf32, #tpu.memory_space<vmem>>[vector<16xi32>, vector<16xi32>], vector<16xf32>,
        %add3A_527 = arith.constant 0 : i32
        %add3A_528 = vector.broadcast %add3A_527 : i32 to vector<16xi32>
        %add3A_529 = arith.addi %mul3A_65, %add3A_528 : vector<16xi32>
        %gather3A_530 = tpu.vector_load_idx %arg17[%add3A_381, %add3A_529] : memref<80x128xf32, #tpu.memory_space<vmem>>[vector<16xi32>, vector<16xi32>], vector<16xf32>,
        %mul3A_531 = arith.mulf %gather3A_530, %exp3A_526 : vector<16xf32>
        tpu.vector_store_idx %arg17[%add3A_381, %add3A_529], %mul3A_531 : memref<80x128xf32, #tpu.memory_space<vmem>>[vector<16xi32>, vector<16xi32>], vector<16xf32>,
        %add3A_532 = arith.constant 1 : i32
        %add3A_533 = vector.broadcast %add3A_532 : i32 to vector<16xi32>
        %add3A_534 = arith.addi %mul3A_65, %add3A_533 : vector<16xi32>
        %gather3A_535 = tpu.vector_load_idx %arg17[%add3A_381, %add3A_534] : memref<80x128xf32, #tpu.memory_space<vmem>>[vector<16xi32>, vector<16xi32>], vector<16xf32>,
        %mul3A_536 = arith.mulf %gather3A_535, %exp3A_526 : vector<16xf32>
        tpu.vector_store_idx %arg17[%add3A_381, %add3A_534], %mul3A_536 : memref<80x128xf32, #tpu.memory_space<vmem>>[vector<16xi32>, vector<16xi32>], vector<16xf32>,
        %add3A_537 = arith.constant 2 : i32
        %add3A_538 = vector.broadcast %add3A_537 : i32 to vector<16xi32>
        %add3A_539 = arith.addi %mul3A_65, %add3A_538 : vector<16xi32>
        %gather3A_540 = tpu.vector_load_idx %arg17[%add3A_381, %add3A_539] : memref<80x128xf32, #tpu.memory_space<vmem>>[vector<16xi32>, vector<16xi32>], vector<16xf32>,
        %mul3A_541 = arith.mulf %gather3A_540, %exp3A_526 : vector<16xf32>
        tpu.vector_store_idx %arg17[%add3A_381, %add3A_539], %mul3A_541 : memref<80x128xf32, #tpu.memory_space<vmem>>[vector<16xi32>, vector<16xi32>], vector<16xf32>,
        %add3A_542 = arith.constant 3 : i32
        %add3A_543 = vector.broadcast %add3A_542 : i32 to vector<16xi32>
        %add3A_544 = arith.addi %mul3A_65, %add3A_543 : vector<16xi32>
        %gather3A_545 = tpu.vector_load_idx %arg17[%add3A_381, %add3A_544] : memref<80x128xf32, #tpu.memory_space<vmem>>[vector<16xi32>, vector<16xi32>], vector<16xf32>,
        %mul3A_546 = arith.mulf %gather3A_545, %exp3A_526 : vector<16xf32>
        tpu.vector_store_idx %arg17[%add3A_381, %add3A_544], %mul3A_546 : memref<80x128xf32, #tpu.memory_space<vmem>>[vector<16xi32>, vector<16xi32>], vector<16xf32>,
        %add3A_547 = arith.constant 4 : i32
        %add3A_548 = vector.broadcast %add3A_547 : i32 to vector<16xi32>
        %add3A_549 = arith.addi %mul3A_65, %add3A_548 : vector<16xi32>
        %gather3A_550 = tpu.vector_load_idx %arg17[%add3A_381, %add3A_549] : memref<80x128xf32, #tpu.memory_space<vmem>>[vector<16xi32>, vector<16xi32>], vector<16xf32>,
        %mul3A_551 = arith.mulf %gather3A_550, %exp3A_526 : vector<16xf32>
        tpu.vector_store_idx %arg17[%add3A_381, %add3A_549], %mul3A_551 : memref<80x128xf32, #tpu.memory_space<vmem>>[vector<16xi32>, vector<16xi32>], vector<16xf32>,
        %add3A_552 = arith.constant 5 : i32
        %add3A_553 = vector.broadcast %add3A_552 : i32 to vector<16xi32>
        %add3A_554 = arith.addi %mul3A_65, %add3A_553 : vector<16xi32>
        %gather3A_555 = tpu.vector_load_idx %arg17[%add3A_381, %add3A_554] : memref<80x128xf32, #tpu.memory_space<vmem>>[vector<16xi32>, vector<16xi32>], vector<16xf32>,
        %mul3A_556 = arith.mulf %gather3A_555, %exp3A_526 : vector<16xf32>
        tpu.vector_store_idx %arg17[%add3A_381, %add3A_554], %mul3A_556 : memref<80x128xf32, #tpu.memory_space<vmem>>[vector<16xi32>, vector<16xi32>], vector<16xf32>,
        %add3A_557 = arith.constant 6 : i32
        %add3A_558 = vector.broadcast %add3A_557 : i32 to vector<16xi32>
        %add3A_559 = arith.addi %mul3A_65, %add3A_558 : vector<16xi32>
        %gather3A_560 = tpu.vector_load_idx %arg17[%add3A_381, %add3A_559] : memref<80x128xf32, #tpu.memory_space<vmem>>[vector<16xi32>, vector<16xi32>], vector<16xf32>,
        %mul3A_561 = arith.mulf %gather3A_560, %exp3A_526 : vector<16xf32>
        tpu.vector_store_idx %arg17[%add3A_381, %add3A_559], %mul3A_561 : memref<80x128xf32, #tpu.memory_space<vmem>>[vector<16xi32>, vector<16xi32>], vector<16xf32>,
        %add3A_562 = arith.constant 7 : i32
        %add3A_563 = vector.broadcast %add3A_562 : i32 to vector<16xi32>
        %add3A_564 = arith.addi %mul3A_65, %add3A_563 : vector<16xi32>
        %gather3A_565 = tpu.vector_load_idx %arg17[%add3A_381, %add3A_564] : memref<80x128xf32, #tpu.memory_space<vmem>>[vector<16xi32>, vector<16xi32>], vector<16xf32>,
        %mul3A_566 = arith.mulf %gather3A_565, %exp3A_526 : vector<16xf32>
        tpu.vector_store_idx %arg17[%add3A_381, %add3A_564], %mul3A_566 : memref<80x128xf32, #tpu.memory_space<vmem>>[vector<16xi32>, vector<16xi32>], vector<16xf32>,
        %add3A_567 = arith.constant 8 : i32
        %add3A_568 = vector.broadcast %add3A_567 : i32 to vector<16xi32>
        %add3A_569 = arith.addi %mul3A_65, %add3A_568 : vector<16xi32>
        %gather3A_570 = tpu.vector_load_idx %arg17[%add3A_381, %add3A_569] : memref<80x128xf32, #tpu.memory_space<vmem>>[vector<16xi32>, vector<16xi32>], vector<16xf32>,
        %mul3A_571 = arith.mulf %gather3A_570, %exp3A_526 : vector<16xf32>
        tpu.vector_store_idx %arg17[%add3A_381, %add3A_569], %mul3A_571 : memref<80x128xf32, #tpu.memory_space<vmem>>[vector<16xi32>, vector<16xi32>], vector<16xf32>,
        %add3A_572 = arith.constant 9 : i32
        %add3A_573 = vector.broadcast %add3A_572 : i32 to vector<16xi32>
        %add3A_574 = arith.addi %mul3A_65, %add3A_573 : vector<16xi32>
        %gather3A_575 = tpu.vector_load_idx %arg17[%add3A_381, %add3A_574] : memref<80x128xf32, #tpu.memory_space<vmem>>[vector<16xi32>, vector<16xi32>], vector<16xf32>,
        %mul3A_576 = arith.mulf %gather3A_575, %exp3A_526 : vector<16xf32>
        tpu.vector_store_idx %arg17[%add3A_381, %add3A_574], %mul3A_576 : memref<80x128xf32, #tpu.memory_space<vmem>>[vector<16xi32>, vector<16xi32>], vector<16xf32>,
        %add3A_577 = arith.constant 10 : i32
        %add3A_578 = vector.broadcast %add3A_577 : i32 to vector<16xi32>
        %add3A_579 = arith.addi %mul3A_65, %add3A_578 : vector<16xi32>
        %gather3A_580 = tpu.vector_load_idx %arg17[%add3A_381, %add3A_579] : memref<80x128xf32, #tpu.memory_space<vmem>>[vector<16xi32>, vector<16xi32>], vector<16xf32>,
        %mul3A_581 = arith.mulf %gather3A_580, %exp3A_526 : vector<16xf32>
        tpu.vector_store_idx %arg17[%add3A_381, %add3A_579], %mul3A_581 : memref<80x128xf32, #tpu.memory_space<vmem>>[vector<16xi32>, vector<16xi32>], vector<16xf32>,
        %add3A_582 = arith.constant 11 : i32
        %add3A_583 = vector.broadcast %add3A_582 : i32 to vector<16xi32>
        %add3A_584 = arith.addi %mul3A_65, %add3A_583 : vector<16xi32>
        %gather3A_585 = tpu.vector_load_idx %arg17[%add3A_381, %add3A_584] : memref<80x128xf32, #tpu.memory_space<vmem>>[vector<16xi32>, vector<16xi32>], vector<16xf32>,
        %mul3A_586 = arith.mulf %gather3A_585, %exp3A_526 : vector<16xf32>
        tpu.vector_store_idx %arg17[%add3A_381, %add3A_584], %mul3A_586 : memref<80x128xf32, #tpu.memory_space<vmem>>[vector<16xi32>, vector<16xi32>], vector<16xf32>,
        %add3A_587 = arith.constant 12 : i32
        %add3A_588 = vector.broadcast %add3A_587 : i32 to vector<16xi32>
        %add3A_589 = arith.addi %mul3A_65, %add3A_588 : vector<16xi32>
        %gather3A_590 = tpu.vector_load_idx %arg17[%add3A_381, %add3A_589] : memref<80x128xf32, #tpu.memory_space<vmem>>[vector<16xi32>, vector<16xi32>], vector<16xf32>,
        %mul3A_591 = arith.mulf %gather3A_590, %exp3A_526 : vector<16xf32>
        tpu.vector_store_idx %arg17[%add3A_381, %add3A_589], %mul3A_591 : memref<80x128xf32, #tpu.memory_space<vmem>>[vector<16xi32>, vector<16xi32>], vector<16xf32>,
        %add3A_592 = arith.constant 13 : i32
        %add3A_593 = vector.broadcast %add3A_592 : i32 to vector<16xi32>
        %add3A_594 = arith.addi %mul3A_65, %add3A_593 : vector<16xi32>
        %gather3A_595 = tpu.vector_load_idx %arg17[%add3A_381, %add3A_594] : memref<80x128xf32, #tpu.memory_space<vmem>>[vector<16xi32>, vector<16xi32>], vector<16xf32>,
        %mul3A_596 = arith.mulf %gather3A_595, %exp3A_526 : vector<16xf32>
        tpu.vector_store_idx %arg17[%add3A_381, %add3A_594], %mul3A_596 : memref<80x128xf32, #tpu.memory_space<vmem>>[vector<16xi32>, vector<16xi32>], vector<16xf32>,
        %add3A_597 = arith.constant 14 : i32
        %add3A_598 = vector.broadcast %add3A_597 : i32 to vector<16xi32>
        %add3A_599 = arith.addi %mul3A_65, %add3A_598 : vector<16xi32>
        %gather3A_600 = tpu.vector_load_idx %arg17[%add3A_381, %add3A_599] : memref<80x128xf32, #tpu.memory_space<vmem>>[vector<16xi32>, vector<16xi32>], vector<16xf32>,
        %mul3A_601 = arith.mulf %gather3A_600, %exp3A_526 : vector<16xf32>
        tpu.vector_store_idx %arg17[%add3A_381, %add3A_599], %mul3A_601 : memref<80x128xf32, #tpu.memory_space<vmem>>[vector<16xi32>, vector<16xi32>], vector<16xf32>,
        %add3A_602 = arith.constant 15 : i32
        %add3A_603 = vector.broadcast %add3A_602 : i32 to vector<16xi32>
        %add3A_604 = arith.addi %mul3A_65, %add3A_603 : vector<16xi32>
        %gather3A_605 = tpu.vector_load_idx %arg17[%add3A_381, %add3A_604] : memref<80x128xf32, #tpu.memory_space<vmem>>[vector<16xi32>, vector<16xi32>], vector<16xf32>,
        %mul3A_606 = arith.mulf %gather3A_605, %exp3A_526 : vector<16xf32>
        tpu.vector_store_idx %arg17[%add3A_381, %add3A_604], %mul3A_606 : memref<80x128xf32, #tpu.memory_space<vmem>>[vector<16xi32>, vector<16xi32>], vector<16xf32>,
        %scan3A_607 = arith.constant 0 : i32
        scf.yield %scan3A_607 : i32
      }
      %scan3A_144 = arith.constant 40 : i32
      "tpu.region"() ({
        %run_scoped3A_376 = tpu.sem_alloc : memref<!tpu.dma_semaphore, #tpu.memory_space<semaphore_mem>>
        %dma_start3A_377 = tpu.memref_slice %arg10[%multiple_of3A_119] : memref<2560000xf32, #tpu.memory_space<hbm>> -> memref<640xf32, #tpu.memory_space<hbm>>
        %dma_start3A_378 = tpu.memref_slice %arg10[%multiple_of3A_119] : memref<2560000xf32, #tpu.memory_space<hbm>> -> memref<640xf32, #tpu.memory_space<hbm>>
        tpu.enqueue_dma source(%arg18 : memref<640xf32, #tpu.memory_space<vmem>>) target(%dma_start3A_378 : memref<640xf32, #tpu.memory_space<hbm>>) target_semaphore(%run_scoped3A_376 : memref<!tpu.dma_semaphore, #tpu.memory_space<semaphore_mem>>)
        %dma_wait3A_379 = tpu.memref_slice %arg10[%multiple_of3A_119] : memref<2560000xf32, #tpu.memory_space<hbm>> -> memref<640xf32, #tpu.memory_space<hbm>>
        %dma_wait3A_380 = tpu.memref_slice %arg10[%multiple_of3A_119] : memref<2560000xf32, #tpu.memory_space<hbm>> -> memref<640xf32, #tpu.memory_space<hbm>>
        tpu.wait_dma2 semaphore(%run_scoped3A_376 : memref<!tpu.dma_semaphore, #tpu.memory_space<semaphore_mem>>) src(%arg18 : memref<640xf32, #tpu.memory_space<vmem>>) dst(%dma_wait3A_380 : memref<640xf32, #tpu.memory_space<hbm>>)
        tpu.yield
      }) : () -> ()
      %get3A = arith.constant 0 : index
      %get3A_145 = tpu.vector_load %arg14[%get3A] {strides = array<i32>} : memref<80xi32, #tpu.memory_space<vmem>>, vector<16xi32>,
      %mul3A_146 = arith.constant 16 : i32
      %mul3A_147 = vector.broadcast %mul3A_146 : i32 to vector<16xi32>
      %mul3A_148 = arith.muli %get3A_145, %mul3A_147 : vector<16xi32>
      %add3A_149 = arith.constant 0 : i32
      %add3A_150 = vector.broadcast %add3A_149 : i32 to vector<16xi32>
      %add3A_151 = arith.addi %mul3A_148, %add3A_150 : vector<16xi32>
      %swap3A = arith.constant 0 : index
      %swap3A_152 = tpu.vector_load %arg23[%swap3A] {strides = array<i32>} : memref<80xi32, #tpu.memory_space<vmem>>, vector<16xi32>,
      tpu.vector_store %arg23[%swap3A], %add3A_151 {strides = array<i32>} : memref<80xi32, #tpu.memory_space<vmem>>, vector<16xi32>,
      %add3A_153 = arith.constant 1 : i32
      %add3A_154 = vector.broadcast %add3A_153 : i32 to vector<16xi32>
      %add3A_155 = arith.addi %mul3A_148, %add3A_154 : vector<16xi32>
      %swap3A_156 = arith.constant 0 : index
      %swap3A_157 = tpu.vector_load %arg24[%swap3A_156] {strides = array<i32>} : memref<80xi32, #tpu.memory_space<vmem>>, vector<16xi32>,
      tpu.vector_store %arg24[%swap3A_156], %add3A_155 {strides = array<i32>} : memref<80xi32, #tpu.memory_space<vmem>>, vector<16xi32>,
      %add3A_158 = arith.constant 2 : i32
      %add3A_159 = vector.broadcast %add3A_158 : i32 to vector<16xi32>
      %add3A_160 = arith.addi %mul3A_148, %add3A_159 : vector<16xi32>
      %swap3A_161 = arith.constant 0 : index
      %swap3A_162 = tpu.vector_load %arg25[%swap3A_161] {strides = array<i32>} : memref<80xi32, #tpu.memory_space<vmem>>, vector<16xi32>,
      tpu.vector_store %arg25[%swap3A_161], %add3A_160 {strides = array<i32>} : memref<80xi32, #tpu.memory_space<vmem>>, vector<16xi32>,
      %add3A_163 = arith.constant 3 : i32
      %add3A_164 = vector.broadcast %add3A_163 : i32 to vector<16xi32>
      %add3A_165 = arith.addi %mul3A_148, %add3A_164 : vector<16xi32>
      %swap3A_166 = arith.constant 0 : index
      %swap3A_167 = tpu.vector_load %arg26[%swap3A_166] {strides = array<i32>} : memref<80xi32, #tpu.memory_space<vmem>>, vector<16xi32>,
      tpu.vector_store %arg26[%swap3A_166], %add3A_165 {strides = array<i32>} : memref<80xi32, #tpu.memory_space<vmem>>, vector<16xi32>,
      %add3A_168 = arith.constant 4 : i32
      %add3A_169 = vector.broadcast %add3A_168 : i32 to vector<16xi32>
      %add3A_170 = arith.addi %mul3A_148, %add3A_169 : vector<16xi32>
      %swap3A_171 = arith.constant 0 : index
      %swap3A_172 = tpu.vector_load %arg27[%swap3A_171] {strides = array<i32>} : memref<80xi32, #tpu.memory_space<vmem>>, vector<16xi32>,
      tpu.vector_store %arg27[%swap3A_171], %add3A_170 {strides = array<i32>} : memref<80xi32, #tpu.memory_space<vmem>>, vector<16xi32>,
      %add3A_173 = arith.constant 5 : i32
      %add3A_174 = vector.broadcast %add3A_173 : i32 to vector<16xi32>
      %add3A_175 = arith.addi %mul3A_148, %add3A_174 : vector<16xi32>
      %swap3A_176 = arith.constant 0 : index
      %swap3A_177 = tpu.vector_load %arg28[%swap3A_176] {strides = array<i32>} : memref<80xi32, #tpu.memory_space<vmem>>, vector<16xi32>,
      tpu.vector_store %arg28[%swap3A_176], %add3A_175 {strides = array<i32>} : memref<80xi32, #tpu.memory_space<vmem>>, vector<16xi32>,
      %add3A_178 = arith.constant 6 : i32
      %add3A_179 = vector.broadcast %add3A_178 : i32 to vector<16xi32>
      %add3A_180 = arith.addi %mul3A_148, %add3A_179 : vector<16xi32>
      %swap3A_181 = arith.constant 0 : index
      %swap3A_182 = tpu.vector_load %arg29[%swap3A_181] {strides = array<i32>} : memref<80xi32, #tpu.memory_space<vmem>>, vector<16xi32>,
      tpu.vector_store %arg29[%swap3A_181], %add3A_180 {strides = array<i32>} : memref<80xi32, #tpu.memory_space<vmem>>, vector<16xi32>,
      %add3A_183 = arith.constant 7 : i32
      %add3A_184 = vector.broadcast %add3A_183 : i32 to vector<16xi32>
      %add3A_185 = arith.addi %mul3A_148, %add3A_184 : vector<16xi32>
      %swap3A_186 = arith.constant 0 : index
      %swap3A_187 = tpu.vector_load %arg30[%swap3A_186] {strides = array<i32>} : memref<80xi32, #tpu.memory_space<vmem>>, vector<16xi32>,
      tpu.vector_store %arg30[%swap3A_186], %add3A_185 {strides = array<i32>} : memref<80xi32, #tpu.memory_space<vmem>>, vector<16xi32>,
      %get3A_188 = arith.constant 16 : index
      %get3A_189 = tpu.vector_load %arg14[%get3A_188] {strides = array<i32>} : memref<80xi32, #tpu.memory_space<vmem>>, vector<16xi32>,
      %mul3A_190 = arith.constant 16 : i32
      %mul3A_191 = vector.broadcast %mul3A_190 : i32 to vector<16xi32>
      %mul3A_192 = arith.muli %get3A_189, %mul3A_191 : vector<16xi32>
      %add3A_193 = arith.constant 0 : i32
      %add3A_194 = vector.broadcast %add3A_193 : i32 to vector<16xi32>
      %add3A_195 = arith.addi %mul3A_192, %add3A_194 : vector<16xi32>
      %swap3A_196 = arith.constant 16 : index
      %swap3A_197 = tpu.vector_load %arg23[%swap3A_196] {strides = array<i32>} : memref<80xi32, #tpu.memory_space<vmem>>, vector<16xi32>,
      tpu.vector_store %arg23[%swap3A_196], %add3A_195 {strides = array<i32>} : memref<80xi32, #tpu.memory_space<vmem>>, vector<16xi32>,
      %add3A_198 = arith.constant 1 : i32
      %add3A_199 = vector.broadcast %add3A_198 : i32 to vector<16xi32>
      %add3A_200 = arith.addi %mul3A_192, %add3A_199 : vector<16xi32>
      %swap3A_201 = arith.constant 16 : index
      %swap3A_202 = tpu.vector_load %arg24[%swap3A_201] {strides = array<i32>} : memref<80xi32, #tpu.memory_space<vmem>>, vector<16xi32>,
      tpu.vector_store %arg24[%swap3A_201], %add3A_200 {strides = array<i32>} : memref<80xi32, #tpu.memory_space<vmem>>, vector<16xi32>,
      %add3A_203 = arith.constant 2 : i32
      %add3A_204 = vector.broadcast %add3A_203 : i32 to vector<16xi32>
      %add3A_205 = arith.addi %mul3A_192, %add3A_204 : vector<16xi32>
      %swap3A_206 = arith.constant 16 : index
      %swap3A_207 = tpu.vector_load %arg25[%swap3A_206] {strides = array<i32>} : memref<80xi32, #tpu.memory_space<vmem>>, vector<16xi32>,
      tpu.vector_store %arg25[%swap3A_206], %add3A_205 {strides = array<i32>} : memref<80xi32, #tpu.memory_space<vmem>>, vector<16xi32>,
      %add3A_208 = arith.constant 3 : i32
      %add3A_209 = vector.broadcast %add3A_208 : i32 to vector<16xi32>
      %add3A_210 = arith.addi %mul3A_192, %add3A_209 : vector<16xi32>
      %swap3A_211 = arith.constant 16 : index
      %swap3A_212 = tpu.vector_load %arg26[%swap3A_211] {strides = array<i32>} : memref<80xi32, #tpu.memory_space<vmem>>, vector<16xi32>,
      tpu.vector_store %arg26[%swap3A_211], %add3A_210 {strides = array<i32>} : memref<80xi32, #tpu.memory_space<vmem>>, vector<16xi32>,
      %add3A_213 = arith.constant 4 : i32
      %add3A_214 = vector.broadcast %add3A_213 : i32 to vector<16xi32>
      %add3A_215 = arith.addi %mul3A_192, %add3A_214 : vector<16xi32>
      %swap3A_216 = arith.constant 16 : index
      %swap3A_217 = tpu.vector_load %arg27[%swap3A_216] {strides = array<i32>} : memref<80xi32, #tpu.memory_space<vmem>>, vector<16xi32>,
      tpu.vector_store %arg27[%swap3A_216], %add3A_215 {strides = array<i32>} : memref<80xi32, #tpu.memory_space<vmem>>, vector<16xi32>,
      %add3A_218 = arith.constant 5 : i32
      %add3A_219 = vector.broadcast %add3A_218 : i32 to vector<16xi32>
      %add3A_220 = arith.addi %mul3A_192, %add3A_219 : vector<16xi32>
      %swap3A_221 = arith.constant 16 : index
      %swap3A_222 = tpu.vector_load %arg28[%swap3A_221] {strides = array<i32>} : memref<80xi32, #tpu.memory_space<vmem>>, vector<16xi32>,
      tpu.vector_store %arg28[%swap3A_221], %add3A_220 {strides = array<i32>} : memref<80xi32, #tpu.memory_space<vmem>>, vector<16xi32>,
      %add3A_223 = arith.constant 6 : i32
      %add3A_224 = vector.broadcast %add3A_223 : i32 to vector<16xi32>
      %add3A_225 = arith.addi %mul3A_192, %add3A_224 : vector<16xi32>
      %swap3A_226 = arith.constant 16 : index
      %swap3A_227 = tpu.vector_load %arg29[%swap3A_226] {strides = array<i32>} : memref<80xi32, #tpu.memory_space<vmem>>, vector<16xi32>,
      tpu.vector_store %arg29[%swap3A_226], %add3A_225 {strides = array<i32>} : memref<80xi32, #tpu.memory_space<vmem>>, vector<16xi32>,
      %add3A_228 = arith.constant 7 : i32
      %add3A_229 = vector.broadcast %add3A_228 : i32 to vector<16xi32>
      %add3A_230 = arith.addi %mul3A_192, %add3A_229 : vector<16xi32>
      %swap3A_231 = arith.constant 16 : index
      %swap3A_232 = tpu.vector_load %arg30[%swap3A_231] {strides = array<i32>} : memref<80xi32, #tpu.memory_space<vmem>>, vector<16xi32>,
      tpu.vector_store %arg30[%swap3A_231], %add3A_230 {strides = array<i32>} : memref<80xi32, #tpu.memory_space<vmem>>, vector<16xi32>,
      %get3A_233 = arith.constant 32 : index
      %get3A_234 = tpu.vector_load %arg14[%get3A_233] {strides = array<i32>} : memref<80xi32, #tpu.memory_space<vmem>>, vector<16xi32>,
      %mul3A_235 = arith.constant 16 : i32
      %mul3A_236 = vector.broadcast %mul3A_235 : i32 to vector<16xi32>
      %mul3A_237 = arith.muli %get3A_234, %mul3A_236 : vector<16xi32>
      %add3A_238 = arith.constant 0 : i32
      %add3A_239 = vector.broadcast %add3A_238 : i32 to vector<16xi32>
      %add3A_240 = arith.addi %mul3A_237, %add3A_239 : vector<16xi32>
      %swap3A_241 = arith.constant 32 : index
      %swap3A_242 = tpu.vector_load %arg23[%swap3A_241] {strides = array<i32>} : memref<80xi32, #tpu.memory_space<vmem>>, vector<16xi32>,
      tpu.vector_store %arg23[%swap3A_241], %add3A_240 {strides = array<i32>} : memref<80xi32, #tpu.memory_space<vmem>>, vector<16xi32>,
      %add3A_243 = arith.constant 1 : i32
      %add3A_244 = vector.broadcast %add3A_243 : i32 to vector<16xi32>
      %add3A_245 = arith.addi %mul3A_237, %add3A_244 : vector<16xi32>
      %swap3A_246 = arith.constant 32 : index
      %swap3A_247 = tpu.vector_load %arg24[%swap3A_246] {strides = array<i32>} : memref<80xi32, #tpu.memory_space<vmem>>, vector<16xi32>,
      tpu.vector_store %arg24[%swap3A_246], %add3A_245 {strides = array<i32>} : memref<80xi32, #tpu.memory_space<vmem>>, vector<16xi32>,
      %add3A_248 = arith.constant 2 : i32
      %add3A_249 = vector.broadcast %add3A_248 : i32 to vector<16xi32>
      %add3A_250 = arith.addi %mul3A_237, %add3A_249 : vector<16xi32>
      %swap3A_251 = arith.constant 32 : index
      %swap3A_252 = tpu.vector_load %arg25[%swap3A_251] {strides = array<i32>} : memref<80xi32, #tpu.memory_space<vmem>>, vector<16xi32>,
      tpu.vector_store %arg25[%swap3A_251], %add3A_250 {strides = array<i32>} : memref<80xi32, #tpu.memory_space<vmem>>, vector<16xi32>,
      %add3A_253 = arith.constant 3 : i32
      %add3A_254 = vector.broadcast %add3A_253 : i32 to vector<16xi32>
      %add3A_255 = arith.addi %mul3A_237, %add3A_254 : vector<16xi32>
      %swap3A_256 = arith.constant 32 : index
      %swap3A_257 = tpu.vector_load %arg26[%swap3A_256] {strides = array<i32>} : memref<80xi32, #tpu.memory_space<vmem>>, vector<16xi32>,
      tpu.vector_store %arg26[%swap3A_256], %add3A_255 {strides = array<i32>} : memref<80xi32, #tpu.memory_space<vmem>>, vector<16xi32>,
      %add3A_258 = arith.constant 4 : i32
      %add3A_259 = vector.broadcast %add3A_258 : i32 to vector<16xi32>
      %add3A_260 = arith.addi %mul3A_237, %add3A_259 : vector<16xi32>
      %swap3A_261 = arith.constant 32 : index
      %swap3A_262 = tpu.vector_load %arg27[%swap3A_261] {strides = array<i32>} : memref<80xi32, #tpu.memory_space<vmem>>, vector<16xi32>,
      tpu.vector_store %arg27[%swap3A_261], %add3A_260 {strides = array<i32>} : memref<80xi32, #tpu.memory_space<vmem>>, vector<16xi32>,
      %add3A_263 = arith.constant 5 : i32
      %add3A_264 = vector.broadcast %add3A_263 : i32 to vector<16xi32>
      %add3A_265 = arith.addi %mul3A_237, %add3A_264 : vector<16xi32>
      %swap3A_266 = arith.constant 32 : index
      %swap3A_267 = tpu.vector_load %arg28[%swap3A_266] {strides = array<i32>} : memref<80xi32, #tpu.memory_space<vmem>>, vector<16xi32>,
      tpu.vector_store %arg28[%swap3A_266], %add3A_265 {strides = array<i32>} : memref<80xi32, #tpu.memory_space<vmem>>, vector<16xi32>,
      %add3A_268 = arith.constant 6 : i32
      %add3A_269 = vector.broadcast %add3A_268 : i32 to vector<16xi32>
      %add3A_270 = arith.addi %mul3A_237, %add3A_269 : vector<16xi32>
      %swap3A_271 = arith.constant 32 : index
      %swap3A_272 = tpu.vector_load %arg29[%swap3A_271] {strides = array<i32>} : memref<80xi32, #tpu.memory_space<vmem>>, vector<16xi32>,
      tpu.vector_store %arg29[%swap3A_271], %add3A_270 {strides = array<i32>} : memref<80xi32, #tpu.memory_space<vmem>>, vector<16xi32>,
      %add3A_273 = arith.constant 7 : i32
      %add3A_274 = vector.broadcast %add3A_273 : i32 to vector<16xi32>
      %add3A_275 = arith.addi %mul3A_237, %add3A_274 : vector<16xi32>
      %swap3A_276 = arith.constant 32 : index
      %swap3A_277 = tpu.vector_load %arg30[%swap3A_276] {strides = array<i32>} : memref<80xi32, #tpu.memory_space<vmem>>, vector<16xi32>,
      tpu.vector_store %arg30[%swap3A_276], %add3A_275 {strides = array<i32>} : memref<80xi32, #tpu.memory_space<vmem>>, vector<16xi32>,
      %get3A_278 = arith.constant 48 : index
      %get3A_279 = tpu.vector_load %arg14[%get3A_278] {strides = array<i32>} : memref<80xi32, #tpu.memory_space<vmem>>, vector<16xi32>,
      %mul3A_280 = arith.constant 16 : i32
      %mul3A_281 = vector.broadcast %mul3A_280 : i32 to vector<16xi32>
      %mul3A_282 = arith.muli %get3A_279, %mul3A_281 : vector<16xi32>
      %add3A_283 = arith.constant 0 : i32
      %add3A_284 = vector.broadcast %add3A_283 : i32 to vector<16xi32>
      %add3A_285 = arith.addi %mul3A_282, %add3A_284 : vector<16xi32>
      %swap3A_286 = arith.constant 48 : index
      %swap3A_287 = tpu.vector_load %arg23[%swap3A_286] {strides = array<i32>} : memref<80xi32, #tpu.memory_space<vmem>>, vector<16xi32>,
      tpu.vector_store %arg23[%swap3A_286], %add3A_285 {strides = array<i32>} : memref<80xi32, #tpu.memory_space<vmem>>, vector<16xi32>,
      %add3A_288 = arith.constant 1 : i32
      %add3A_289 = vector.broadcast %add3A_288 : i32 to vector<16xi32>
      %add3A_290 = arith.addi %mul3A_282, %add3A_289 : vector<16xi32>
      %swap3A_291 = arith.constant 48 : index
      %swap3A_292 = tpu.vector_load %arg24[%swap3A_291] {strides = array<i32>} : memref<80xi32, #tpu.memory_space<vmem>>, vector<16xi32>,
      tpu.vector_store %arg24[%swap3A_291], %add3A_290 {strides = array<i32>} : memref<80xi32, #tpu.memory_space<vmem>>, vector<16xi32>,
      %add3A_293 = arith.constant 2 : i32
      %add3A_294 = vector.broadcast %add3A_293 : i32 to vector<16xi32>
      %add3A_295 = arith.addi %mul3A_282, %add3A_294 : vector<16xi32>
      %swap3A_296 = arith.constant 48 : index
      %swap3A_297 = tpu.vector_load %arg25[%swap3A_296] {strides = array<i32>} : memref<80xi32, #tpu.memory_space<vmem>>, vector<16xi32>,
      tpu.vector_store %arg25[%swap3A_296], %add3A_295 {strides = array<i32>} : memref<80xi32, #tpu.memory_space<vmem>>, vector<16xi32>,
      %add3A_298 = arith.constant 3 : i32
      %add3A_299 = vector.broadcast %add3A_298 : i32 to vector<16xi32>
      %add3A_300 = arith.addi %mul3A_282, %add3A_299 : vector<16xi32>
      %swap3A_301 = arith.constant 48 : index
      %swap3A_302 = tpu.vector_load %arg26[%swap3A_301] {strides = array<i32>} : memref<80xi32, #tpu.memory_space<vmem>>, vector<16xi32>,
      tpu.vector_store %arg26[%swap3A_301], %add3A_300 {strides = array<i32>} : memref<80xi32, #tpu.memory_space<vmem>>, vector<16xi32>,
      %add3A_303 = arith.constant 4 : i32
      %add3A_304 = vector.broadcast %add3A_303 : i32 to vector<16xi32>
      %add3A_305 = arith.addi %mul3A_282, %add3A_304 : vector<16xi32>
      %swap3A_306 = arith.constant 48 : index
      %swap3A_307 = tpu.vector_load %arg27[%swap3A_306] {strides = array<i32>} : memref<80xi32, #tpu.memory_space<vmem>>, vector<16xi32>,
      tpu.vector_store %arg27[%swap3A_306], %add3A_305 {strides = array<i32>} : memref<80xi32, #tpu.memory_space<vmem>>, vector<16xi32>,
      %add3A_308 = arith.constant 5 : i32
      %add3A_309 = vector.broadcast %add3A_308 : i32 to vector<16xi32>
      %add3A_310 = arith.addi %mul3A_282, %add3A_309 : vector<16xi32>
      %swap3A_311 = arith.constant 48 : index
      %swap3A_312 = tpu.vector_load %arg28[%swap3A_311] {strides = array<i32>} : memref<80xi32, #tpu.memory_space<vmem>>, vector<16xi32>,
      tpu.vector_store %arg28[%swap3A_311], %add3A_310 {strides = array<i32>} : memref<80xi32, #tpu.memory_space<vmem>>, vector<16xi32>,
      %add3A_313 = arith.constant 6 : i32
      %add3A_314 = vector.broadcast %add3A_313 : i32 to vector<16xi32>
      %add3A_315 = arith.addi %mul3A_282, %add3A_314 : vector<16xi32>
      %swap3A_316 = arith.constant 48 : index
      %swap3A_317 = tpu.vector_load %arg29[%swap3A_316] {strides = array<i32>} : memref<80xi32, #tpu.memory_space<vmem>>, vector<16xi32>,
      tpu.vector_store %arg29[%swap3A_316], %add3A_315 {strides = array<i32>} : memref<80xi32, #tpu.memory_space<vmem>>, vector<16xi32>,
      %add3A_318 = arith.constant 7 : i32
      %add3A_319 = vector.broadcast %add3A_318 : i32 to vector<16xi32>
      %add3A_320 = arith.addi %mul3A_282, %add3A_319 : vector<16xi32>
      %swap3A_321 = arith.constant 48 : index
      %swap3A_322 = tpu.vector_load %arg30[%swap3A_321] {strides = array<i32>} : memref<80xi32, #tpu.memory_space<vmem>>, vector<16xi32>,
      tpu.vector_store %arg30[%swap3A_321], %add3A_320 {strides = array<i32>} : memref<80xi32, #tpu.memory_space<vmem>>, vector<16xi32>,
      %get3A_323 = arith.constant 64 : index
      %get3A_324 = tpu.vector_load %arg14[%get3A_323] {strides = array<i32>} : memref<80xi32, #tpu.memory_space<vmem>>, vector<16xi32>,
      %mul3A_325 = arith.constant 16 : i32
      %mul3A_326 = vector.broadcast %mul3A_325 : i32 to vector<16xi32>
      %mul3A_327 = arith.muli %get3A_324, %mul3A_326 : vector<16xi32>
      %add3A_328 = arith.constant 0 : i32
      %add3A_329 = vector.broadcast %add3A_328 : i32 to vector<16xi32>
      %add3A_330 = arith.addi %mul3A_327, %add3A_329 : vector<16xi32>
      %swap3A_331 = arith.constant 64 : index
      %swap3A_332 = tpu.vector_load %arg23[%swap3A_331] {strides = array<i32>} : memref<80xi32, #tpu.memory_space<vmem>>, vector<16xi32>,
      tpu.vector_store %arg23[%swap3A_331], %add3A_330 {strides = array<i32>} : memref<80xi32, #tpu.memory_space<vmem>>, vector<16xi32>,
      %add3A_333 = arith.constant 1 : i32
      %add3A_334 = vector.broadcast %add3A_333 : i32 to vector<16xi32>
      %add3A_335 = arith.addi %mul3A_327, %add3A_334 : vector<16xi32>
      %swap3A_336 = arith.constant 64 : index
      %swap3A_337 = tpu.vector_load %arg24[%swap3A_336] {strides = array<i32>} : memref<80xi32, #tpu.memory_space<vmem>>, vector<16xi32>,
      tpu.vector_store %arg24[%swap3A_336], %add3A_335 {strides = array<i32>} : memref<80xi32, #tpu.memory_space<vmem>>, vector<16xi32>,
      %add3A_338 = arith.constant 2 : i32
      %add3A_339 = vector.broadcast %add3A_338 : i32 to vector<16xi32>
      %add3A_340 = arith.addi %mul3A_327, %add3A_339 : vector<16xi32>
      %swap3A_341 = arith.constant 64 : index
      %swap3A_342 = tpu.vector_load %arg25[%swap3A_341] {strides = array<i32>} : memref<80xi32, #tpu.memory_space<vmem>>, vector<16xi32>,
      tpu.vector_store %arg25[%swap3A_341], %add3A_340 {strides = array<i32>} : memref<80xi32, #tpu.memory_space<vmem>>, vector<16xi32>,
      %add3A_343 = arith.constant 3 : i32
      %add3A_344 = vector.broadcast %add3A_343 : i32 to vector<16xi32>
      %add3A_345 = arith.addi %mul3A_327, %add3A_344 : vector<16xi32>
      %swap3A_346 = arith.constant 64 : index
      %swap3A_347 = tpu.vector_load %arg26[%swap3A_346] {strides = array<i32>} : memref<80xi32, #tpu.memory_space<vmem>>, vector<16xi32>,
      tpu.vector_store %arg26[%swap3A_346], %add3A_345 {strides = array<i32>} : memref<80xi32, #tpu.memory_space<vmem>>, vector<16xi32>,
      %add3A_348 = arith.constant 4 : i32
      %add3A_349 = vector.broadcast %add3A_348 : i32 to vector<16xi32>
      %add3A_350 = arith.addi %mul3A_327, %add3A_349 : vector<16xi32>
      %swap3A_351 = arith.constant 64 : index
      %swap3A_352 = tpu.vector_load %arg27[%swap3A_351] {strides = array<i32>} : memref<80xi32, #tpu.memory_space<vmem>>, vector<16xi32>,
      tpu.vector_store %arg27[%swap3A_351], %add3A_350 {strides = array<i32>} : memref<80xi32, #tpu.memory_space<vmem>>, vector<16xi32>,
      %add3A_353 = arith.constant 5 : i32
      %add3A_354 = vector.broadcast %add3A_353 : i32 to vector<16xi32>
      %add3A_355 = arith.addi %mul3A_327, %add3A_354 : vector<16xi32>
      %swap3A_356 = arith.constant 64 : index
      %swap3A_357 = tpu.vector_load %arg28[%swap3A_356] {strides = array<i32>} : memref<80xi32, #tpu.memory_space<vmem>>, vector<16xi32>,
      tpu.vector_store %arg28[%swap3A_356], %add3A_355 {strides = array<i32>} : memref<80xi32, #tpu.memory_space<vmem>>, vector<16xi32>,
      %add3A_358 = arith.constant 6 : i32
      %add3A_359 = vector.broadcast %add3A_358 : i32 to vector<16xi32>
      %add3A_360 = arith.addi %mul3A_327, %add3A_359 : vector<16xi32>
      %swap3A_361 = arith.constant 64 : index
      %swap3A_362 = tpu.vector_load %arg29[%swap3A_361] {strides = array<i32>} : memref<80xi32, #tpu.memory_space<vmem>>, vector<16xi32>,
      tpu.vector_store %arg29[%swap3A_361], %add3A_360 {strides = array<i32>} : memref<80xi32, #tpu.memory_space<vmem>>, vector<16xi32>,
      %add3A_363 = arith.constant 7 : i32
      %add3A_364 = vector.broadcast %add3A_363 : i32 to vector<16xi32>
      %add3A_365 = arith.addi %mul3A_327, %add3A_364 : vector<16xi32>
      %swap3A_366 = arith.constant 64 : index
      %swap3A_367 = tpu.vector_load %arg30[%swap3A_366] {strides = array<i32>} : memref<80xi32, #tpu.memory_space<vmem>>, vector<16xi32>,
      tpu.vector_store %arg30[%swap3A_366], %add3A_365 {strides = array<i32>} : memref<80xi32, #tpu.memory_space<vmem>>, vector<16xi32>,
      "tpu.region"() ({
        %run_scoped3A_376 = tpu.sem_alloc : memref<!tpu.dma_semaphore, #tpu.memory_space<semaphore_mem>>
        %dma_start3A_377 = arith.constant 0 : i32
        %dma_start3A_378 = arith.constant 0 : i32
        %dma_start3A_379 = tpu.memref_slice %arg32[%dma_start3A_377, %dma_start3A_378] : memref<10240x128xf32, #tpu.memory_space<vmem_shared>> -> memref<10240x128xf32, #tpu.memory_space<vmem_shared>>
        tpu.enqueue_indirect_dma source(%arg17 : memref<80x128xf32, #tpu.memory_space<vmem>>) target(%dma_start3A_379 : memref<10240x128xf32, #tpu.memory_space<vmem_shared>>) offsets(%arg14 : memref<80xi32, #tpu.memory_space<vmem>>) semaphore(%run_scoped3A_376 : memref<!tpu.dma_semaphore, #tpu.memory_space<semaphore_mem>>) {add = true}
        %dma_wait3A_380 = arith.constant 0 : i32
        %dma_wait3A_381 = arith.constant 0 : i32
        %dma_wait3A_382 = tpu.memref_slice %arg32[%dma_wait3A_380, %dma_wait3A_381] : memref<10240x128xf32, #tpu.memory_space<vmem_shared>> -> memref<10240x128xf32, #tpu.memory_space<vmem_shared>>
        tpu.wait_indirect_dma semaphore(%run_scoped3A_376 : memref<!tpu.dma_semaphore, #tpu.memory_space<semaphore_mem>>) src(%arg17 : memref<80x128xf32, #tpu.memory_space<vmem>>) dst(%dma_wait3A_382 : memref<10240x128xf32, #tpu.memory_space<vmem_shared>>)
        tpu.yield
      }) : () -> ()
      %run_scoped3A = arith.constant 0 : i32
      "tpu.region"() ({
        %run_scoped3A_376 = tpu.sem_alloc : memref<!tpu.dma_semaphore, #tpu.memory_space<semaphore_mem>>
        %dma_start3A_377 = arith.constant 0 : i32
        %dma_start3A_378 = tpu.memref_slice %arg22[%run_scoped3A, %dma_start3A_377] : memref<8x80xf32, #tpu.memory_space<vmem>> -> memref<1x80xf32, #tpu.memory_space<vmem>>
        %dma_start3A_379 = tpu.memref_squeeze %dma_start3A_378 : memref<1x80xf32, #tpu.memory_space<vmem>> -> memref<80xf32, #tpu.memory_space<vmem>>
        %dma_start3A_380 = arith.constant 0 : i32
        %dma_start3A_381 = tpu.memref_slice %arg33[%dma_start3A_380] : memref<163840xf32, #tpu.memory_space<vmem_shared>> -> memref<163840xf32, #tpu.memory_space<vmem_shared>>
        tpu.enqueue_indirect_dma source(%dma_start3A_379 : memref<80xf32, #tpu.memory_space<vmem>>) target(%dma_start3A_381 : memref<163840xf32, #tpu.memory_space<vmem_shared>>) offsets(%arg23 : memref<80xi32, #tpu.memory_space<vmem>>) semaphore(%run_scoped3A_376 : memref<!tpu.dma_semaphore, #tpu.memory_space<semaphore_mem>>) {add = true}
        %dma_wait3A_382 = arith.constant 0 : i32
        %dma_wait3A_383 = tpu.memref_slice %arg22[%run_scoped3A, %dma_wait3A_382] : memref<8x80xf32, #tpu.memory_space<vmem>> -> memref<1x80xf32, #tpu.memory_space<vmem>>
        %dma_wait3A_384 = tpu.memref_squeeze %dma_wait3A_383 : memref<1x80xf32, #tpu.memory_space<vmem>> -> memref<80xf32, #tpu.memory_space<vmem>>
        %dma_wait3A_385 = arith.constant 0 : i32
        %dma_wait3A_386 = tpu.memref_slice %arg33[%dma_wait3A_385] : memref<163840xf32, #tpu.memory_space<vmem_shared>> -> memref<163840xf32, #tpu.memory_space<vmem_shared>>
        tpu.wait_indirect_dma semaphore(%run_scoped3A_376 : memref<!tpu.dma_semaphore, #tpu.memory_space<semaphore_mem>>) src(%dma_wait3A_384 : memref<80xf32, #tpu.memory_space<vmem>>) dst(%dma_wait3A_386 : memref<163840xf32, #tpu.memory_space<vmem_shared>>)
        tpu.yield
      }) : () -> ()
      %run_scoped3A_368 = arith.constant 1 : i32
      "tpu.region"() ({
        %run_scoped3A_376 = tpu.sem_alloc : memref<!tpu.dma_semaphore, #tpu.memory_space<semaphore_mem>>
        %dma_start3A_377 = arith.constant 0 : i32
        %dma_start3A_378 = tpu.memref_slice %arg22[%run_scoped3A_368, %dma_start3A_377] : memref<8x80xf32, #tpu.memory_space<vmem>> -> memref<1x80xf32, #tpu.memory_space<vmem>>
        %dma_start3A_379 = tpu.memref_squeeze %dma_start3A_378 : memref<1x80xf32, #tpu.memory_space<vmem>> -> memref<80xf32, #tpu.memory_space<vmem>>
        %dma_start3A_380 = arith.constant 0 : i32
        %dma_start3A_381 = tpu.memref_slice %arg33[%dma_start3A_380] : memref<163840xf32, #tpu.memory_space<vmem_shared>> -> memref<163840xf32, #tpu.memory_space<vmem_shared>>
        tpu.enqueue_indirect_dma source(%dma_start3A_379 : memref<80xf32, #tpu.memory_space<vmem>>) target(%dma_start3A_381 : memref<163840xf32, #tpu.memory_space<vmem_shared>>) offsets(%arg24 : memref<80xi32, #tpu.memory_space<vmem>>) semaphore(%run_scoped3A_376 : memref<!tpu.dma_semaphore, #tpu.memory_space<semaphore_mem>>) {add = true}
        %dma_wait3A_382 = arith.constant 0 : i32
        %dma_wait3A_383 = tpu.memref_slice %arg22[%run_scoped3A_368, %dma_wait3A_382] : memref<8x80xf32, #tpu.memory_space<vmem>> -> memref<1x80xf32, #tpu.memory_space<vmem>>
        %dma_wait3A_384 = tpu.memref_squeeze %dma_wait3A_383 : memref<1x80xf32, #tpu.memory_space<vmem>> -> memref<80xf32, #tpu.memory_space<vmem>>
        %dma_wait3A_385 = arith.constant 0 : i32
        %dma_wait3A_386 = tpu.memref_slice %arg33[%dma_wait3A_385] : memref<163840xf32, #tpu.memory_space<vmem_shared>> -> memref<163840xf32, #tpu.memory_space<vmem_shared>>
        tpu.wait_indirect_dma semaphore(%run_scoped3A_376 : memref<!tpu.dma_semaphore, #tpu.memory_space<semaphore_mem>>) src(%dma_wait3A_384 : memref<80xf32, #tpu.memory_space<vmem>>) dst(%dma_wait3A_386 : memref<163840xf32, #tpu.memory_space<vmem_shared>>)
        tpu.yield
      }) : () -> ()
      %run_scoped3A_369 = arith.constant 2 : i32
      "tpu.region"() ({
        %run_scoped3A_376 = tpu.sem_alloc : memref<!tpu.dma_semaphore, #tpu.memory_space<semaphore_mem>>
        %dma_start3A_377 = arith.constant 0 : i32
        %dma_start3A_378 = tpu.memref_slice %arg22[%run_scoped3A_369, %dma_start3A_377] : memref<8x80xf32, #tpu.memory_space<vmem>> -> memref<1x80xf32, #tpu.memory_space<vmem>>
        %dma_start3A_379 = tpu.memref_squeeze %dma_start3A_378 : memref<1x80xf32, #tpu.memory_space<vmem>> -> memref<80xf32, #tpu.memory_space<vmem>>
        %dma_start3A_380 = arith.constant 0 : i32
        %dma_start3A_381 = tpu.memref_slice %arg33[%dma_start3A_380] : memref<163840xf32, #tpu.memory_space<vmem_shared>> -> memref<163840xf32, #tpu.memory_space<vmem_shared>>
        tpu.enqueue_indirect_dma source(%dma_start3A_379 : memref<80xf32, #tpu.memory_space<vmem>>) target(%dma_start3A_381 : memref<163840xf32, #tpu.memory_space<vmem_shared>>) offsets(%arg25 : memref<80xi32, #tpu.memory_space<vmem>>) semaphore(%run_scoped3A_376 : memref<!tpu.dma_semaphore, #tpu.memory_space<semaphore_mem>>) {add = true}
        %dma_wait3A_382 = arith.constant 0 : i32
        %dma_wait3A_383 = tpu.memref_slice %arg22[%run_scoped3A_369, %dma_wait3A_382] : memref<8x80xf32, #tpu.memory_space<vmem>> -> memref<1x80xf32, #tpu.memory_space<vmem>>
        %dma_wait3A_384 = tpu.memref_squeeze %dma_wait3A_383 : memref<1x80xf32, #tpu.memory_space<vmem>> -> memref<80xf32, #tpu.memory_space<vmem>>
        %dma_wait3A_385 = arith.constant 0 : i32
        %dma_wait3A_386 = tpu.memref_slice %arg33[%dma_wait3A_385] : memref<163840xf32, #tpu.memory_space<vmem_shared>> -> memref<163840xf32, #tpu.memory_space<vmem_shared>>
        tpu.wait_indirect_dma semaphore(%run_scoped3A_376 : memref<!tpu.dma_semaphore, #tpu.memory_space<semaphore_mem>>) src(%dma_wait3A_384 : memref<80xf32, #tpu.memory_space<vmem>>) dst(%dma_wait3A_386 : memref<163840xf32, #tpu.memory_space<vmem_shared>>)
        tpu.yield
      }) : () -> ()
      %run_scoped3A_370 = arith.constant 3 : i32
      "tpu.region"() ({
        %run_scoped3A_376 = tpu.sem_alloc : memref<!tpu.dma_semaphore, #tpu.memory_space<semaphore_mem>>
        %dma_start3A_377 = arith.constant 0 : i32
        %dma_start3A_378 = tpu.memref_slice %arg22[%run_scoped3A_370, %dma_start3A_377] : memref<8x80xf32, #tpu.memory_space<vmem>> -> memref<1x80xf32, #tpu.memory_space<vmem>>
        %dma_start3A_379 = tpu.memref_squeeze %dma_start3A_378 : memref<1x80xf32, #tpu.memory_space<vmem>> -> memref<80xf32, #tpu.memory_space<vmem>>
        %dma_start3A_380 = arith.constant 0 : i32
        %dma_start3A_381 = tpu.memref_slice %arg33[%dma_start3A_380] : memref<163840xf32, #tpu.memory_space<vmem_shared>> -> memref<163840xf32, #tpu.memory_space<vmem_shared>>
        tpu.enqueue_indirect_dma source(%dma_start3A_379 : memref<80xf32, #tpu.memory_space<vmem>>) target(%dma_start3A_381 : memref<163840xf32, #tpu.memory_space<vmem_shared>>) offsets(%arg26 : memref<80xi32, #tpu.memory_space<vmem>>) semaphore(%run_scoped3A_376 : memref<!tpu.dma_semaphore, #tpu.memory_space<semaphore_mem>>) {add = true}
        %dma_wait3A_382 = arith.constant 0 : i32
        %dma_wait3A_383 = tpu.memref_slice %arg22[%run_scoped3A_370, %dma_wait3A_382] : memref<8x80xf32, #tpu.memory_space<vmem>> -> memref<1x80xf32, #tpu.memory_space<vmem>>
        %dma_wait3A_384 = tpu.memref_squeeze %dma_wait3A_383 : memref<1x80xf32, #tpu.memory_space<vmem>> -> memref<80xf32, #tpu.memory_space<vmem>>
        %dma_wait3A_385 = arith.constant 0 : i32
        %dma_wait3A_386 = tpu.memref_slice %arg33[%dma_wait3A_385] : memref<163840xf32, #tpu.memory_space<vmem_shared>> -> memref<163840xf32, #tpu.memory_space<vmem_shared>>
        tpu.wait_indirect_dma semaphore(%run_scoped3A_376 : memref<!tpu.dma_semaphore, #tpu.memory_space<semaphore_mem>>) src(%dma_wait3A_384 : memref<80xf32, #tpu.memory_space<vmem>>) dst(%dma_wait3A_386 : memref<163840xf32, #tpu.memory_space<vmem_shared>>)
        tpu.yield
      }) : () -> ()
      %run_scoped3A_371 = arith.constant 4 : i32
      "tpu.region"() ({
        %run_scoped3A_376 = tpu.sem_alloc : memref<!tpu.dma_semaphore, #tpu.memory_space<semaphore_mem>>
        %dma_start3A_377 = arith.constant 0 : i32
        %dma_start3A_378 = tpu.memref_slice %arg22[%run_scoped3A_371, %dma_start3A_377] : memref<8x80xf32, #tpu.memory_space<vmem>> -> memref<1x80xf32, #tpu.memory_space<vmem>>
        %dma_start3A_379 = tpu.memref_squeeze %dma_start3A_378 : memref<1x80xf32, #tpu.memory_space<vmem>> -> memref<80xf32, #tpu.memory_space<vmem>>
        %dma_start3A_380 = arith.constant 0 : i32
        %dma_start3A_381 = tpu.memref_slice %arg33[%dma_start3A_380] : memref<163840xf32, #tpu.memory_space<vmem_shared>> -> memref<163840xf32, #tpu.memory_space<vmem_shared>>
        tpu.enqueue_indirect_dma source(%dma_start3A_379 : memref<80xf32, #tpu.memory_space<vmem>>) target(%dma_start3A_381 : memref<163840xf32, #tpu.memory_space<vmem_shared>>) offsets(%arg27 : memref<80xi32, #tpu.memory_space<vmem>>) semaphore(%run_scoped3A_376 : memref<!tpu.dma_semaphore, #tpu.memory_space<semaphore_mem>>) {add = true}
        %dma_wait3A_382 = arith.constant 0 : i32
        %dma_wait3A_383 = tpu.memref_slice %arg22[%run_scoped3A_371, %dma_wait3A_382] : memref<8x80xf32, #tpu.memory_space<vmem>> -> memref<1x80xf32, #tpu.memory_space<vmem>>
        %dma_wait3A_384 = tpu.memref_squeeze %dma_wait3A_383 : memref<1x80xf32, #tpu.memory_space<vmem>> -> memref<80xf32, #tpu.memory_space<vmem>>
        %dma_wait3A_385 = arith.constant 0 : i32
        %dma_wait3A_386 = tpu.memref_slice %arg33[%dma_wait3A_385] : memref<163840xf32, #tpu.memory_space<vmem_shared>> -> memref<163840xf32, #tpu.memory_space<vmem_shared>>
        tpu.wait_indirect_dma semaphore(%run_scoped3A_376 : memref<!tpu.dma_semaphore, #tpu.memory_space<semaphore_mem>>) src(%dma_wait3A_384 : memref<80xf32, #tpu.memory_space<vmem>>) dst(%dma_wait3A_386 : memref<163840xf32, #tpu.memory_space<vmem_shared>>)
        tpu.yield
      }) : () -> ()
      %run_scoped3A_372 = arith.constant 5 : i32
      "tpu.region"() ({
        %run_scoped3A_376 = tpu.sem_alloc : memref<!tpu.dma_semaphore, #tpu.memory_space<semaphore_mem>>
        %dma_start3A_377 = arith.constant 0 : i32
        %dma_start3A_378 = tpu.memref_slice %arg22[%run_scoped3A_372, %dma_start3A_377] : memref<8x80xf32, #tpu.memory_space<vmem>> -> memref<1x80xf32, #tpu.memory_space<vmem>>
        %dma_start3A_379 = tpu.memref_squeeze %dma_start3A_378 : memref<1x80xf32, #tpu.memory_space<vmem>> -> memref<80xf32, #tpu.memory_space<vmem>>
        %dma_start3A_380 = arith.constant 0 : i32
        %dma_start3A_381 = tpu.memref_slice %arg33[%dma_start3A_380] : memref<163840xf32, #tpu.memory_space<vmem_shared>> -> memref<163840xf32, #tpu.memory_space<vmem_shared>>
        tpu.enqueue_indirect_dma source(%dma_start3A_379 : memref<80xf32, #tpu.memory_space<vmem>>) target(%dma_start3A_381 : memref<163840xf32, #tpu.memory_space<vmem_shared>>) offsets(%arg28 : memref<80xi32, #tpu.memory_space<vmem>>) semaphore(%run_scoped3A_376 : memref<!tpu.dma_semaphore, #tpu.memory_space<semaphore_mem>>) {add = true}
        %dma_wait3A_382 = arith.constant 0 : i32
        %dma_wait3A_383 = tpu.memref_slice %arg22[%run_scoped3A_372, %dma_wait3A_382] : memref<8x80xf32, #tpu.memory_space<vmem>> -> memref<1x80xf32, #tpu.memory_space<vmem>>
        %dma_wait3A_384 = tpu.memref_squeeze %dma_wait3A_383 : memref<1x80xf32, #tpu.memory_space<vmem>> -> memref<80xf32, #tpu.memory_space<vmem>>
        %dma_wait3A_385 = arith.constant 0 : i32
        %dma_wait3A_386 = tpu.memref_slice %arg33[%dma_wait3A_385] : memref<163840xf32, #tpu.memory_space<vmem_shared>> -> memref<163840xf32, #tpu.memory_space<vmem_shared>>
        tpu.wait_indirect_dma semaphore(%run_scoped3A_376 : memref<!tpu.dma_semaphore, #tpu.memory_space<semaphore_mem>>) src(%dma_wait3A_384 : memref<80xf32, #tpu.memory_space<vmem>>) dst(%dma_wait3A_386 : memref<163840xf32, #tpu.memory_space<vmem_shared>>)
        tpu.yield
      }) : () -> ()
      %run_scoped3A_373 = arith.constant 6 : i32
      "tpu.region"() ({
        %run_scoped3A_376 = tpu.sem_alloc : memref<!tpu.dma_semaphore, #tpu.memory_space<semaphore_mem>>
        %dma_start3A_377 = arith.constant 0 : i32
        %dma_start3A_378 = tpu.memref_slice %arg22[%run_scoped3A_373, %dma_start3A_377] : memref<8x80xf32, #tpu.memory_space<vmem>> -> memref<1x80xf32, #tpu.memory_space<vmem>>
        %dma_start3A_379 = tpu.memref_squeeze %dma_start3A_378 : memref<1x80xf32, #tpu.memory_space<vmem>> -> memref<80xf32, #tpu.memory_space<vmem>>
        %dma_start3A_380 = arith.constant 0 : i32
        %dma_start3A_381 = tpu.memref_slice %arg33[%dma_start3A_380] : memref<163840xf32, #tpu.memory_space<vmem_shared>> -> memref<163840xf32, #tpu.memory_space<vmem_shared>>
        tpu.enqueue_indirect_dma source(%dma_start3A_379 : memref<80xf32, #tpu.memory_space<vmem>>) target(%dma_start3A_381 : memref<163840xf32, #tpu.memory_space<vmem_shared>>) offsets(%arg29 : memref<80xi32, #tpu.memory_space<vmem>>) semaphore(%run_scoped3A_376 : memref<!tpu.dma_semaphore, #tpu.memory_space<semaphore_mem>>) {add = true}
        %dma_wait3A_382 = arith.constant 0 : i32
        %dma_wait3A_383 = tpu.memref_slice %arg22[%run_scoped3A_373, %dma_wait3A_382] : memref<8x80xf32, #tpu.memory_space<vmem>> -> memref<1x80xf32, #tpu.memory_space<vmem>>
        %dma_wait3A_384 = tpu.memref_squeeze %dma_wait3A_383 : memref<1x80xf32, #tpu.memory_space<vmem>> -> memref<80xf32, #tpu.memory_space<vmem>>
        %dma_wait3A_385 = arith.constant 0 : i32
        %dma_wait3A_386 = tpu.memref_slice %arg33[%dma_wait3A_385] : memref<163840xf32, #tpu.memory_space<vmem_shared>> -> memref<163840xf32, #tpu.memory_space<vmem_shared>>
        tpu.wait_indirect_dma semaphore(%run_scoped3A_376 : memref<!tpu.dma_semaphore, #tpu.memory_space<semaphore_mem>>) src(%dma_wait3A_384 : memref<80xf32, #tpu.memory_space<vmem>>) dst(%dma_wait3A_386 : memref<163840xf32, #tpu.memory_space<vmem_shared>>)
        tpu.yield
      }) : () -> ()
      %run_scoped3A_374 = arith.constant 7 : i32
      "tpu.region"() ({
        %run_scoped3A_376 = tpu.sem_alloc : memref<!tpu.dma_semaphore, #tpu.memory_space<semaphore_mem>>
        %dma_start3A_377 = arith.constant 0 : i32
        %dma_start3A_378 = tpu.memref_slice %arg22[%run_scoped3A_374, %dma_start3A_377] : memref<8x80xf32, #tpu.memory_space<vmem>> -> memref<1x80xf32, #tpu.memory_space<vmem>>
        %dma_start3A_379 = tpu.memref_squeeze %dma_start3A_378 : memref<1x80xf32, #tpu.memory_space<vmem>> -> memref<80xf32, #tpu.memory_space<vmem>>
        %dma_start3A_380 = arith.constant 0 : i32
        %dma_start3A_381 = tpu.memref_slice %arg33[%dma_start3A_380] : memref<163840xf32, #tpu.memory_space<vmem_shared>> -> memref<163840xf32, #tpu.memory_space<vmem_shared>>
        tpu.enqueue_indirect_dma source(%dma_start3A_379 : memref<80xf32, #tpu.memory_space<vmem>>) target(%dma_start3A_381 : memref<163840xf32, #tpu.memory_space<vmem_shared>>) offsets(%arg30 : memref<80xi32, #tpu.memory_space<vmem>>) semaphore(%run_scoped3A_376 : memref<!tpu.dma_semaphore, #tpu.memory_space<semaphore_mem>>) {add = true}
        %dma_wait3A_382 = arith.constant 0 : i32
        %dma_wait3A_383 = tpu.memref_slice %arg22[%run_scoped3A_374, %dma_wait3A_382] : memref<8x80xf32, #tpu.memory_space<vmem>> -> memref<1x80xf32, #tpu.memory_space<vmem>>
        %dma_wait3A_384 = tpu.memref_squeeze %dma_wait3A_383 : memref<1x80xf32, #tpu.memory_space<vmem>> -> memref<80xf32, #tpu.memory_space<vmem>>
        %dma_wait3A_385 = arith.constant 0 : i32
        %dma_wait3A_386 = tpu.memref_slice %arg33[%dma_wait3A_385] : memref<163840xf32, #tpu.memory_space<vmem_shared>> -> memref<163840xf32, #tpu.memory_space<vmem_shared>>
        tpu.wait_indirect_dma semaphore(%run_scoped3A_376 : memref<!tpu.dma_semaphore, #tpu.memory_space<semaphore_mem>>) src(%dma_wait3A_384 : memref<80xf32, #tpu.memory_space<vmem>>) dst(%dma_wait3A_386 : memref<163840xf32, #tpu.memory_space<vmem_shared>>)
        tpu.yield
      }) : () -> ()
      %scan3A_375 = arith.constant 0 : i32
      scf.yield %scan3A_375 : i32
    }
    %scan3A_74 = arith.constant 250 : i32
    %barrier3A_75 = arith.constant 0 : index
    tpu.barrier barrier_id(%barrier3A_75)
    %add3A_76 = arith.constant 0 : i32
    %add3A_77 = arith.addi %mul3A_21, %add3A_76 : i32
    "tpu.region"() ({
      %run_scoped3A = tpu.sem_alloc : memref<!tpu.dma_semaphore, #tpu.memory_space<semaphore_mem>>
      %dma_start3A = arith.constant 0 : i32
      %dma_start3A_112 = tpu.memref_slice %arg11[%add3A_77, %dma_start3A] : memref<10240x128xf32, #tpu.memory_space<hbm>> -> memref<80x128xf32, #tpu.memory_space<hbm>>
      %dma_start3A_113 = arith.constant 0 : i32
      %dma_start3A_114 = tpu.memref_slice %arg32[%add3A_77, %dma_start3A_113] : memref<10240x128xf32, #tpu.memory_space<vmem_shared>> -> memref<80x128xf32, #tpu.memory_space<vmem_shared>>
      tpu.enqueue_dma source(%dma_start3A_114 : memref<80x128xf32, #tpu.memory_space<vmem_shared>>) target(%dma_start3A_112 : memref<80x128xf32, #tpu.memory_space<hbm>>) target_semaphore(%run_scoped3A : memref<!tpu.dma_semaphore, #tpu.memory_space<semaphore_mem>>)
      %dma_wait3A = arith.constant 0 : i32
      %dma_wait3A_115 = tpu.memref_slice %arg11[%add3A_77, %dma_wait3A] : memref<10240x128xf32, #tpu.memory_space<hbm>> -> memref<80x128xf32, #tpu.memory_space<hbm>>
      %dma_wait3A_116 = arith.constant 0 : i32
      %dma_wait3A_117 = tpu.memref_slice %arg32[%add3A_77, %dma_wait3A_116] : memref<10240x128xf32, #tpu.memory_space<vmem_shared>> -> memref<80x128xf32, #tpu.memory_space<vmem_shared>>
      tpu.wait_dma2 semaphore(%run_scoped3A : memref<!tpu.dma_semaphore, #tpu.memory_space<semaphore_mem>>) src(%dma_wait3A_117 : memref<80x128xf32, #tpu.memory_space<vmem_shared>>) dst(%dma_wait3A_115 : memref<80x128xf32, #tpu.memory_space<hbm>>)
      tpu.yield
    }) : () -> ()
    %add3A_78 = arith.constant 80 : i32
    %add3A_79 = arith.addi %mul3A_21, %add3A_78 : i32
    "tpu.region"() ({
      %run_scoped3A = tpu.sem_alloc : memref<!tpu.dma_semaphore, #tpu.memory_space<semaphore_mem>>
      %dma_start3A = arith.constant 0 : i32
      %dma_start3A_112 = tpu.memref_slice %arg11[%add3A_79, %dma_start3A] : memref<10240x128xf32, #tpu.memory_space<hbm>> -> memref<80x128xf32, #tpu.memory_space<hbm>>
      %dma_start3A_113 = arith.constant 0 : i32
      %dma_start3A_114 = tpu.memref_slice %arg32[%add3A_79, %dma_start3A_113] : memref<10240x128xf32, #tpu.memory_space<vmem_shared>> -> memref<80x128xf32, #tpu.memory_space<vmem_shared>>
      tpu.enqueue_dma source(%dma_start3A_114 : memref<80x128xf32, #tpu.memory_space<vmem_shared>>) target(%dma_start3A_112 : memref<80x128xf32, #tpu.memory_space<hbm>>) target_semaphore(%run_scoped3A : memref<!tpu.dma_semaphore, #tpu.memory_space<semaphore_mem>>)
      %dma_wait3A = arith.constant 0 : i32
      %dma_wait3A_115 = tpu.memref_slice %arg11[%add3A_79, %dma_wait3A] : memref<10240x128xf32, #tpu.memory_space<hbm>> -> memref<80x128xf32, #tpu.memory_space<hbm>>
      %dma_wait3A_116 = arith.constant 0 : i32
      %dma_wait3A_117 = tpu.memref_slice %arg32[%add3A_79, %dma_wait3A_116] : memref<10240x128xf32, #tpu.memory_space<vmem_shared>> -> memref<80x128xf32, #tpu.memory_space<vmem_shared>>
      tpu.wait_dma2 semaphore(%run_scoped3A : memref<!tpu.dma_semaphore, #tpu.memory_space<semaphore_mem>>) src(%dma_wait3A_117 : memref<80x128xf32, #tpu.memory_space<vmem_shared>>) dst(%dma_wait3A_115 : memref<80x128xf32, #tpu.memory_space<hbm>>)
      tpu.yield
    }) : () -> ()
    %add3A_80 = arith.constant 160 : i32
    %add3A_81 = arith.addi %mul3A_21, %add3A_80 : i32
    "tpu.region"() ({
      %run_scoped3A = tpu.sem_alloc : memref<!tpu.dma_semaphore, #tpu.memory_space<semaphore_mem>>
      %dma_start3A = arith.constant 0 : i32
      %dma_start3A_112 = tpu.memref_slice %arg11[%add3A_81, %dma_start3A] : memref<10240x128xf32, #tpu.memory_space<hbm>> -> memref<80x128xf32, #tpu.memory_space<hbm>>
      %dma_start3A_113 = arith.constant 0 : i32
      %dma_start3A_114 = tpu.memref_slice %arg32[%add3A_81, %dma_start3A_113] : memref<10240x128xf32, #tpu.memory_space<vmem_shared>> -> memref<80x128xf32, #tpu.memory_space<vmem_shared>>
      tpu.enqueue_dma source(%dma_start3A_114 : memref<80x128xf32, #tpu.memory_space<vmem_shared>>) target(%dma_start3A_112 : memref<80x128xf32, #tpu.memory_space<hbm>>) target_semaphore(%run_scoped3A : memref<!tpu.dma_semaphore, #tpu.memory_space<semaphore_mem>>)
      %dma_wait3A = arith.constant 0 : i32
      %dma_wait3A_115 = tpu.memref_slice %arg11[%add3A_81, %dma_wait3A] : memref<10240x128xf32, #tpu.memory_space<hbm>> -> memref<80x128xf32, #tpu.memory_space<hbm>>
      %dma_wait3A_116 = arith.constant 0 : i32
      %dma_wait3A_117 = tpu.memref_slice %arg32[%add3A_81, %dma_wait3A_116] : memref<10240x128xf32, #tpu.memory_space<vmem_shared>> -> memref<80x128xf32, #tpu.memory_space<vmem_shared>>
      tpu.wait_dma2 semaphore(%run_scoped3A : memref<!tpu.dma_semaphore, #tpu.memory_space<semaphore_mem>>) src(%dma_wait3A_117 : memref<80x128xf32, #tpu.memory_space<vmem_shared>>) dst(%dma_wait3A_115 : memref<80x128xf32, #tpu.memory_space<hbm>>)
      tpu.yield
    }) : () -> ()
    %add3A_82 = arith.constant 240 : i32
    %add3A_83 = arith.addi %mul3A_21, %add3A_82 : i32
    "tpu.region"() ({
      %run_scoped3A = tpu.sem_alloc : memref<!tpu.dma_semaphore, #tpu.memory_space<semaphore_mem>>
      %dma_start3A = arith.constant 0 : i32
      %dma_start3A_112 = tpu.memref_slice %arg11[%add3A_83, %dma_start3A] : memref<10240x128xf32, #tpu.memory_space<hbm>> -> memref<80x128xf32, #tpu.memory_space<hbm>>
      %dma_start3A_113 = arith.constant 0 : i32
      %dma_start3A_114 = tpu.memref_slice %arg32[%add3A_83, %dma_start3A_113] : memref<10240x128xf32, #tpu.memory_space<vmem_shared>> -> memref<80x128xf32, #tpu.memory_space<vmem_shared>>
      tpu.enqueue_dma source(%dma_start3A_114 : memref<80x128xf32, #tpu.memory_space<vmem_shared>>) target(%dma_start3A_112 : memref<80x128xf32, #tpu.memory_space<hbm>>) target_semaphore(%run_scoped3A : memref<!tpu.dma_semaphore, #tpu.memory_space<semaphore_mem>>)
      %dma_wait3A = arith.constant 0 : i32
      %dma_wait3A_115 = tpu.memref_slice %arg11[%add3A_83, %dma_wait3A] : memref<10240x128xf32, #tpu.memory_space<hbm>> -> memref<80x128xf32, #tpu.memory_space<hbm>>
      %dma_wait3A_116 = arith.constant 0 : i32
      %dma_wait3A_117 = tpu.memref_slice %arg32[%add3A_83, %dma_wait3A_116] : memref<10240x128xf32, #tpu.memory_space<vmem_shared>> -> memref<80x128xf32, #tpu.memory_space<vmem_shared>>
      tpu.wait_dma2 semaphore(%run_scoped3A : memref<!tpu.dma_semaphore, #tpu.memory_space<semaphore_mem>>) src(%dma_wait3A_117 : memref<80x128xf32, #tpu.memory_space<vmem_shared>>) dst(%dma_wait3A_115 : memref<80x128xf32, #tpu.memory_space<hbm>>)
      tpu.yield
    }) : () -> ()
    %add3A_84 = arith.constant 320 : i32
    %add3A_85 = arith.addi %mul3A_21, %add3A_84 : i32
    "tpu.region"() ({
      %run_scoped3A = tpu.sem_alloc : memref<!tpu.dma_semaphore, #tpu.memory_space<semaphore_mem>>
      %dma_start3A = arith.constant 0 : i32
      %dma_start3A_112 = tpu.memref_slice %arg11[%add3A_85, %dma_start3A] : memref<10240x128xf32, #tpu.memory_space<hbm>> -> memref<80x128xf32, #tpu.memory_space<hbm>>
      %dma_start3A_113 = arith.constant 0 : i32
      %dma_start3A_114 = tpu.memref_slice %arg32[%add3A_85, %dma_start3A_113] : memref<10240x128xf32, #tpu.memory_space<vmem_shared>> -> memref<80x128xf32, #tpu.memory_space<vmem_shared>>
      tpu.enqueue_dma source(%dma_start3A_114 : memref<80x128xf32, #tpu.memory_space<vmem_shared>>) target(%dma_start3A_112 : memref<80x128xf32, #tpu.memory_space<hbm>>) target_semaphore(%run_scoped3A : memref<!tpu.dma_semaphore, #tpu.memory_space<semaphore_mem>>)
      %dma_wait3A = arith.constant 0 : i32
      %dma_wait3A_115 = tpu.memref_slice %arg11[%add3A_85, %dma_wait3A] : memref<10240x128xf32, #tpu.memory_space<hbm>> -> memref<80x128xf32, #tpu.memory_space<hbm>>
      %dma_wait3A_116 = arith.constant 0 : i32
      %dma_wait3A_117 = tpu.memref_slice %arg32[%add3A_85, %dma_wait3A_116] : memref<10240x128xf32, #tpu.memory_space<vmem_shared>> -> memref<80x128xf32, #tpu.memory_space<vmem_shared>>
      tpu.wait_dma2 semaphore(%run_scoped3A : memref<!tpu.dma_semaphore, #tpu.memory_space<semaphore_mem>>) src(%dma_wait3A_117 : memref<80x128xf32, #tpu.memory_space<vmem_shared>>) dst(%dma_wait3A_115 : memref<80x128xf32, #tpu.memory_space<hbm>>)
      tpu.yield
    }) : () -> ()
    %add3A_86 = arith.constant 400 : i32
    %add3A_87 = arith.addi %mul3A_21, %add3A_86 : i32
    "tpu.region"() ({
      %run_scoped3A = tpu.sem_alloc : memref<!tpu.dma_semaphore, #tpu.memory_space<semaphore_mem>>
      %dma_start3A = arith.constant 0 : i32
      %dma_start3A_112 = tpu.memref_slice %arg11[%add3A_87, %dma_start3A] : memref<10240x128xf32, #tpu.memory_space<hbm>> -> memref<80x128xf32, #tpu.memory_space<hbm>>
      %dma_start3A_113 = arith.constant 0 : i32
      %dma_start3A_114 = tpu.memref_slice %arg32[%add3A_87, %dma_start3A_113] : memref<10240x128xf32, #tpu.memory_space<vmem_shared>> -> memref<80x128xf32, #tpu.memory_space<vmem_shared>>
      tpu.enqueue_dma source(%dma_start3A_114 : memref<80x128xf32, #tpu.memory_space<vmem_shared>>) target(%dma_start3A_112 : memref<80x128xf32, #tpu.memory_space<hbm>>) target_semaphore(%run_scoped3A : memref<!tpu.dma_semaphore, #tpu.memory_space<semaphore_mem>>)
      %dma_wait3A = arith.constant 0 : i32
      %dma_wait3A_115 = tpu.memref_slice %arg11[%add3A_87, %dma_wait3A] : memref<10240x128xf32, #tpu.memory_space<hbm>> -> memref<80x128xf32, #tpu.memory_space<hbm>>
      %dma_wait3A_116 = arith.constant 0 : i32
      %dma_wait3A_117 = tpu.memref_slice %arg32[%add3A_87, %dma_wait3A_116] : memref<10240x128xf32, #tpu.memory_space<vmem_shared>> -> memref<80x128xf32, #tpu.memory_space<vmem_shared>>
      tpu.wait_dma2 semaphore(%run_scoped3A : memref<!tpu.dma_semaphore, #tpu.memory_space<semaphore_mem>>) src(%dma_wait3A_117 : memref<80x128xf32, #tpu.memory_space<vmem_shared>>) dst(%dma_wait3A_115 : memref<80x128xf32, #tpu.memory_space<hbm>>)
      tpu.yield
    }) : () -> ()
    %add3A_88 = arith.constant 480 : i32
    %add3A_89 = arith.addi %mul3A_21, %add3A_88 : i32
    "tpu.region"() ({
      %run_scoped3A = tpu.sem_alloc : memref<!tpu.dma_semaphore, #tpu.memory_space<semaphore_mem>>
      %dma_start3A = arith.constant 0 : i32
      %dma_start3A_112 = tpu.memref_slice %arg11[%add3A_89, %dma_start3A] : memref<10240x128xf32, #tpu.memory_space<hbm>> -> memref<80x128xf32, #tpu.memory_space<hbm>>
      %dma_start3A_113 = arith.constant 0 : i32
      %dma_start3A_114 = tpu.memref_slice %arg32[%add3A_89, %dma_start3A_113] : memref<10240x128xf32, #tpu.memory_space<vmem_shared>> -> memref<80x128xf32, #tpu.memory_space<vmem_shared>>
      tpu.enqueue_dma source(%dma_start3A_114 : memref<80x128xf32, #tpu.memory_space<vmem_shared>>) target(%dma_start3A_112 : memref<80x128xf32, #tpu.memory_space<hbm>>) target_semaphore(%run_scoped3A : memref<!tpu.dma_semaphore, #tpu.memory_space<semaphore_mem>>)
      %dma_wait3A = arith.constant 0 : i32
      %dma_wait3A_115 = tpu.memref_slice %arg11[%add3A_89, %dma_wait3A] : memref<10240x128xf32, #tpu.memory_space<hbm>> -> memref<80x128xf32, #tpu.memory_space<hbm>>
      %dma_wait3A_116 = arith.constant 0 : i32
      %dma_wait3A_117 = tpu.memref_slice %arg32[%add3A_89, %dma_wait3A_116] : memref<10240x128xf32, #tpu.memory_space<vmem_shared>> -> memref<80x128xf32, #tpu.memory_space<vmem_shared>>
      tpu.wait_dma2 semaphore(%run_scoped3A : memref<!tpu.dma_semaphore, #tpu.memory_space<semaphore_mem>>) src(%dma_wait3A_117 : memref<80x128xf32, #tpu.memory_space<vmem_shared>>) dst(%dma_wait3A_115 : memref<80x128xf32, #tpu.memory_space<hbm>>)
      tpu.yield
    }) : () -> ()
    %add3A_90 = arith.constant 560 : i32
    %add3A_91 = arith.addi %mul3A_21, %add3A_90 : i32
    "tpu.region"() ({
      %run_scoped3A = tpu.sem_alloc : memref<!tpu.dma_semaphore, #tpu.memory_space<semaphore_mem>>
      %dma_start3A = arith.constant 0 : i32
      %dma_start3A_112 = tpu.memref_slice %arg11[%add3A_91, %dma_start3A] : memref<10240x128xf32, #tpu.memory_space<hbm>> -> memref<80x128xf32, #tpu.memory_space<hbm>>
      %dma_start3A_113 = arith.constant 0 : i32
      %dma_start3A_114 = tpu.memref_slice %arg32[%add3A_91, %dma_start3A_113] : memref<10240x128xf32, #tpu.memory_space<vmem_shared>> -> memref<80x128xf32, #tpu.memory_space<vmem_shared>>
      tpu.enqueue_dma source(%dma_start3A_114 : memref<80x128xf32, #tpu.memory_space<vmem_shared>>) target(%dma_start3A_112 : memref<80x128xf32, #tpu.memory_space<hbm>>) target_semaphore(%run_scoped3A : memref<!tpu.dma_semaphore, #tpu.memory_space<semaphore_mem>>)
      %dma_wait3A = arith.constant 0 : i32
      %dma_wait3A_115 = tpu.memref_slice %arg11[%add3A_91, %dma_wait3A] : memref<10240x128xf32, #tpu.memory_space<hbm>> -> memref<80x128xf32, #tpu.memory_space<hbm>>
      %dma_wait3A_116 = arith.constant 0 : i32
      %dma_wait3A_117 = tpu.memref_slice %arg32[%add3A_91, %dma_wait3A_116] : memref<10240x128xf32, #tpu.memory_space<vmem_shared>> -> memref<80x128xf32, #tpu.memory_space<vmem_shared>>
      tpu.wait_dma2 semaphore(%run_scoped3A : memref<!tpu.dma_semaphore, #tpu.memory_space<semaphore_mem>>) src(%dma_wait3A_117 : memref<80x128xf32, #tpu.memory_space<vmem_shared>>) dst(%dma_wait3A_115 : memref<80x128xf32, #tpu.memory_space<hbm>>)
      tpu.yield
    }) : () -> ()
    %add3A_92 = arith.constant 0 : i32
    %add3A_93 = arith.addi %mul3A_38, %add3A_92 : i32
    "tpu.region"() ({
      %run_scoped3A = tpu.sem_alloc : memref<!tpu.dma_semaphore, #tpu.memory_space<semaphore_mem>>
      %dma_start3A = tpu.memref_slice %arg12[%add3A_93] : memref<163840xf32, #tpu.memory_space<hbm>> -> memref<1024xf32, #tpu.memory_space<hbm>>
      %dma_start3A_112 = tpu.memref_slice %arg33[%add3A_93] : memref<163840xf32, #tpu.memory_space<vmem_shared>> -> memref<1024xf32, #tpu.memory_space<vmem_shared>>
      tpu.enqueue_dma source(%dma_start3A_112 : memref<1024xf32, #tpu.memory_space<vmem_shared>>) target(%dma_start3A : memref<1024xf32, #tpu.memory_space<hbm>>) target_semaphore(%run_scoped3A : memref<!tpu.dma_semaphore, #tpu.memory_space<semaphore_mem>>)
      %dma_wait3A = tpu.memref_slice %arg12[%add3A_93] : memref<163840xf32, #tpu.memory_space<hbm>> -> memref<1024xf32, #tpu.memory_space<hbm>>
      %dma_wait3A_113 = tpu.memref_slice %arg33[%add3A_93] : memref<163840xf32, #tpu.memory_space<vmem_shared>> -> memref<1024xf32, #tpu.memory_space<vmem_shared>>
      tpu.wait_dma2 semaphore(%run_scoped3A : memref<!tpu.dma_semaphore, #tpu.memory_space<semaphore_mem>>) src(%dma_wait3A_113 : memref<1024xf32, #tpu.memory_space<vmem_shared>>) dst(%dma_wait3A : memref<1024xf32, #tpu.memory_space<hbm>>)
      tpu.yield
    }) : () -> ()
    %add3A_94 = arith.constant 1024 : i32
    %add3A_95 = arith.addi %mul3A_38, %add3A_94 : i32
    "tpu.region"() ({
      %run_scoped3A = tpu.sem_alloc : memref<!tpu.dma_semaphore, #tpu.memory_space<semaphore_mem>>
      %dma_start3A = tpu.memref_slice %arg12[%add3A_95] : memref<163840xf32, #tpu.memory_space<hbm>> -> memref<1024xf32, #tpu.memory_space<hbm>>
      %dma_start3A_112 = tpu.memref_slice %arg33[%add3A_95] : memref<163840xf32, #tpu.memory_space<vmem_shared>> -> memref<1024xf32, #tpu.memory_space<vmem_shared>>
      tpu.enqueue_dma source(%dma_start3A_112 : memref<1024xf32, #tpu.memory_space<vmem_shared>>) target(%dma_start3A : memref<1024xf32, #tpu.memory_space<hbm>>) target_semaphore(%run_scoped3A : memref<!tpu.dma_semaphore, #tpu.memory_space<semaphore_mem>>)
      %dma_wait3A = tpu.memref_slice %arg12[%add3A_95] : memref<163840xf32, #tpu.memory_space<hbm>> -> memref<1024xf32, #tpu.memory_space<hbm>>
      %dma_wait3A_113 = tpu.memref_slice %arg33[%add3A_95] : memref<163840xf32, #tpu.memory_space<vmem_shared>> -> memref<1024xf32, #tpu.memory_space<vmem_shared>>
      tpu.wait_dma2 semaphore(%run_scoped3A : memref<!tpu.dma_semaphore, #tpu.memory_space<semaphore_mem>>) src(%dma_wait3A_113 : memref<1024xf32, #tpu.memory_space<vmem_shared>>) dst(%dma_wait3A : memref<1024xf32, #tpu.memory_space<hbm>>)
      tpu.yield
    }) : () -> ()
    %add3A_96 = arith.constant 2048 : i32
    %add3A_97 = arith.addi %mul3A_38, %add3A_96 : i32
    "tpu.region"() ({
      %run_scoped3A = tpu.sem_alloc : memref<!tpu.dma_semaphore, #tpu.memory_space<semaphore_mem>>
      %dma_start3A = tpu.memref_slice %arg12[%add3A_97] : memref<163840xf32, #tpu.memory_space<hbm>> -> memref<1024xf32, #tpu.memory_space<hbm>>
      %dma_start3A_112 = tpu.memref_slice %arg33[%add3A_97] : memref<163840xf32, #tpu.memory_space<vmem_shared>> -> memref<1024xf32, #tpu.memory_space<vmem_shared>>
      tpu.enqueue_dma source(%dma_start3A_112 : memref<1024xf32, #tpu.memory_space<vmem_shared>>) target(%dma_start3A : memref<1024xf32, #tpu.memory_space<hbm>>) target_semaphore(%run_scoped3A : memref<!tpu.dma_semaphore, #tpu.memory_space<semaphore_mem>>)
      %dma_wait3A = tpu.memref_slice %arg12[%add3A_97] : memref<163840xf32, #tpu.memory_space<hbm>> -> memref<1024xf32, #tpu.memory_space<hbm>>
      %dma_wait3A_113 = tpu.memref_slice %arg33[%add3A_97] : memref<163840xf32, #tpu.memory_space<vmem_shared>> -> memref<1024xf32, #tpu.memory_space<vmem_shared>>
      tpu.wait_dma2 semaphore(%run_scoped3A : memref<!tpu.dma_semaphore, #tpu.memory_space<semaphore_mem>>) src(%dma_wait3A_113 : memref<1024xf32, #tpu.memory_space<vmem_shared>>) dst(%dma_wait3A : memref<1024xf32, #tpu.memory_space<hbm>>)
      tpu.yield
    }) : () -> ()
    %add3A_98 = arith.constant 3072 : i32
    %add3A_99 = arith.addi %mul3A_38, %add3A_98 : i32
    "tpu.region"() ({
      %run_scoped3A = tpu.sem_alloc : memref<!tpu.dma_semaphore, #tpu.memory_space<semaphore_mem>>
      %dma_start3A = tpu.memref_slice %arg12[%add3A_99] : memref<163840xf32, #tpu.memory_space<hbm>> -> memref<1024xf32, #tpu.memory_space<hbm>>
      %dma_start3A_112 = tpu.memref_slice %arg33[%add3A_99] : memref<163840xf32, #tpu.memory_space<vmem_shared>> -> memref<1024xf32, #tpu.memory_space<vmem_shared>>
      tpu.enqueue_dma source(%dma_start3A_112 : memref<1024xf32, #tpu.memory_space<vmem_shared>>) target(%dma_start3A : memref<1024xf32, #tpu.memory_space<hbm>>) target_semaphore(%run_scoped3A : memref<!tpu.dma_semaphore, #tpu.memory_space<semaphore_mem>>)
      %dma_wait3A = tpu.memref_slice %arg12[%add3A_99] : memref<163840xf32, #tpu.memory_space<hbm>> -> memref<1024xf32, #tpu.memory_space<hbm>>
      %dma_wait3A_113 = tpu.memref_slice %arg33[%add3A_99] : memref<163840xf32, #tpu.memory_space<vmem_shared>> -> memref<1024xf32, #tpu.memory_space<vmem_shared>>
      tpu.wait_dma2 semaphore(%run_scoped3A : memref<!tpu.dma_semaphore, #tpu.memory_space<semaphore_mem>>) src(%dma_wait3A_113 : memref<1024xf32, #tpu.memory_space<vmem_shared>>) dst(%dma_wait3A : memref<1024xf32, #tpu.memory_space<hbm>>)
      tpu.yield
    }) : () -> ()
    %add3A_100 = arith.constant 4096 : i32
    %add3A_101 = arith.addi %mul3A_38, %add3A_100 : i32
    "tpu.region"() ({
      %run_scoped3A = tpu.sem_alloc : memref<!tpu.dma_semaphore, #tpu.memory_space<semaphore_mem>>
      %dma_start3A = tpu.memref_slice %arg12[%add3A_101] : memref<163840xf32, #tpu.memory_space<hbm>> -> memref<1024xf32, #tpu.memory_space<hbm>>
      %dma_start3A_112 = tpu.memref_slice %arg33[%add3A_101] : memref<163840xf32, #tpu.memory_space<vmem_shared>> -> memref<1024xf32, #tpu.memory_space<vmem_shared>>
      tpu.enqueue_dma source(%dma_start3A_112 : memref<1024xf32, #tpu.memory_space<vmem_shared>>) target(%dma_start3A : memref<1024xf32, #tpu.memory_space<hbm>>) target_semaphore(%run_scoped3A : memref<!tpu.dma_semaphore, #tpu.memory_space<semaphore_mem>>)
      %dma_wait3A = tpu.memref_slice %arg12[%add3A_101] : memref<163840xf32, #tpu.memory_space<hbm>> -> memref<1024xf32, #tpu.memory_space<hbm>>
      %dma_wait3A_113 = tpu.memref_slice %arg33[%add3A_101] : memref<163840xf32, #tpu.memory_space<vmem_shared>> -> memref<1024xf32, #tpu.memory_space<vmem_shared>>
      tpu.wait_dma2 semaphore(%run_scoped3A : memref<!tpu.dma_semaphore, #tpu.memory_space<semaphore_mem>>) src(%dma_wait3A_113 : memref<1024xf32, #tpu.memory_space<vmem_shared>>) dst(%dma_wait3A : memref<1024xf32, #tpu.memory_space<hbm>>)
      tpu.yield
    }) : () -> ()
    %add3A_102 = arith.constant 5120 : i32
    %add3A_103 = arith.addi %mul3A_38, %add3A_102 : i32
    "tpu.region"() ({
      %run_scoped3A = tpu.sem_alloc : memref<!tpu.dma_semaphore, #tpu.memory_space<semaphore_mem>>
      %dma_start3A = tpu.memref_slice %arg12[%add3A_103] : memref<163840xf32, #tpu.memory_space<hbm>> -> memref<1024xf32, #tpu.memory_space<hbm>>
      %dma_start3A_112 = tpu.memref_slice %arg33[%add3A_103] : memref<163840xf32, #tpu.memory_space<vmem_shared>> -> memref<1024xf32, #tpu.memory_space<vmem_shared>>
      tpu.enqueue_dma source(%dma_start3A_112 : memref<1024xf32, #tpu.memory_space<vmem_shared>>) target(%dma_start3A : memref<1024xf32, #tpu.memory_space<hbm>>) target_semaphore(%run_scoped3A : memref<!tpu.dma_semaphore, #tpu.memory_space<semaphore_mem>>)
      %dma_wait3A = tpu.memref_slice %arg12[%add3A_103] : memref<163840xf32, #tpu.memory_space<hbm>> -> memref<1024xf32, #tpu.memory_space<hbm>>
      %dma_wait3A_113 = tpu.memref_slice %arg33[%add3A_103] : memref<163840xf32, #tpu.memory_space<vmem_shared>> -> memref<1024xf32, #tpu.memory_space<vmem_shared>>
      tpu.wait_dma2 semaphore(%run_scoped3A : memref<!tpu.dma_semaphore, #tpu.memory_space<semaphore_mem>>) src(%dma_wait3A_113 : memref<1024xf32, #tpu.memory_space<vmem_shared>>) dst(%dma_wait3A : memref<1024xf32, #tpu.memory_space<hbm>>)
      tpu.yield
    }) : () -> ()
    %add3A_104 = arith.constant 6144 : i32
    %add3A_105 = arith.addi %mul3A_38, %add3A_104 : i32
    "tpu.region"() ({
      %run_scoped3A = tpu.sem_alloc : memref<!tpu.dma_semaphore, #tpu.memory_space<semaphore_mem>>
      %dma_start3A = tpu.memref_slice %arg12[%add3A_105] : memref<163840xf32, #tpu.memory_space<hbm>> -> memref<1024xf32, #tpu.memory_space<hbm>>
      %dma_start3A_112 = tpu.memref_slice %arg33[%add3A_105] : memref<163840xf32, #tpu.memory_space<vmem_shared>> -> memref<1024xf32, #tpu.memory_space<vmem_shared>>
      tpu.enqueue_dma source(%dma_start3A_112 : memref<1024xf32, #tpu.memory_space<vmem_shared>>) target(%dma_start3A : memref<1024xf32, #tpu.memory_space<hbm>>) target_semaphore(%run_scoped3A : memref<!tpu.dma_semaphore, #tpu.memory_space<semaphore_mem>>)
      %dma_wait3A = tpu.memref_slice %arg12[%add3A_105] : memref<163840xf32, #tpu.memory_space<hbm>> -> memref<1024xf32, #tpu.memory_space<hbm>>
      %dma_wait3A_113 = tpu.memref_slice %arg33[%add3A_105] : memref<163840xf32, #tpu.memory_space<vmem_shared>> -> memref<1024xf32, #tpu.memory_space<vmem_shared>>
      tpu.wait_dma2 semaphore(%run_scoped3A : memref<!tpu.dma_semaphore, #tpu.memory_space<semaphore_mem>>) src(%dma_wait3A_113 : memref<1024xf32, #tpu.memory_space<vmem_shared>>) dst(%dma_wait3A : memref<1024xf32, #tpu.memory_space<hbm>>)
      tpu.yield
    }) : () -> ()
    %add3A_106 = arith.constant 7168 : i32
    %add3A_107 = arith.addi %mul3A_38, %add3A_106 : i32
    "tpu.region"() ({
      %run_scoped3A = tpu.sem_alloc : memref<!tpu.dma_semaphore, #tpu.memory_space<semaphore_mem>>
      %dma_start3A = tpu.memref_slice %arg12[%add3A_107] : memref<163840xf32, #tpu.memory_space<hbm>> -> memref<1024xf32, #tpu.memory_space<hbm>>
      %dma_start3A_112 = tpu.memref_slice %arg33[%add3A_107] : memref<163840xf32, #tpu.memory_space<vmem_shared>> -> memref<1024xf32, #tpu.memory_space<vmem_shared>>
      tpu.enqueue_dma source(%dma_start3A_112 : memref<1024xf32, #tpu.memory_space<vmem_shared>>) target(%dma_start3A : memref<1024xf32, #tpu.memory_space<hbm>>) target_semaphore(%run_scoped3A : memref<!tpu.dma_semaphore, #tpu.memory_space<semaphore_mem>>)
      %dma_wait3A = tpu.memref_slice %arg12[%add3A_107] : memref<163840xf32, #tpu.memory_space<hbm>> -> memref<1024xf32, #tpu.memory_space<hbm>>
      %dma_wait3A_113 = tpu.memref_slice %arg33[%add3A_107] : memref<163840xf32, #tpu.memory_space<vmem_shared>> -> memref<1024xf32, #tpu.memory_space<vmem_shared>>
      tpu.wait_dma2 semaphore(%run_scoped3A : memref<!tpu.dma_semaphore, #tpu.memory_space<semaphore_mem>>) src(%dma_wait3A_113 : memref<1024xf32, #tpu.memory_space<vmem_shared>>) dst(%dma_wait3A : memref<1024xf32, #tpu.memory_space<hbm>>)
      tpu.yield
    }) : () -> ()
    %add3A_108 = arith.constant 8192 : i32
    %add3A_109 = arith.addi %mul3A_38, %add3A_108 : i32
    "tpu.region"() ({
      %run_scoped3A = tpu.sem_alloc : memref<!tpu.dma_semaphore, #tpu.memory_space<semaphore_mem>>
      %dma_start3A = tpu.memref_slice %arg12[%add3A_109] : memref<163840xf32, #tpu.memory_space<hbm>> -> memref<1024xf32, #tpu.memory_space<hbm>>
      %dma_start3A_112 = tpu.memref_slice %arg33[%add3A_109] : memref<163840xf32, #tpu.memory_space<vmem_shared>> -> memref<1024xf32, #tpu.memory_space<vmem_shared>>
      tpu.enqueue_dma source(%dma_start3A_112 : memref<1024xf32, #tpu.memory_space<vmem_shared>>) target(%dma_start3A : memref<1024xf32, #tpu.memory_space<hbm>>) target_semaphore(%run_scoped3A : memref<!tpu.dma_semaphore, #tpu.memory_space<semaphore_mem>>)
      %dma_wait3A = tpu.memref_slice %arg12[%add3A_109] : memref<163840xf32, #tpu.memory_space<hbm>> -> memref<1024xf32, #tpu.memory_space<hbm>>
      %dma_wait3A_113 = tpu.memref_slice %arg33[%add3A_109] : memref<163840xf32, #tpu.memory_space<vmem_shared>> -> memref<1024xf32, #tpu.memory_space<vmem_shared>>
      tpu.wait_dma2 semaphore(%run_scoped3A : memref<!tpu.dma_semaphore, #tpu.memory_space<semaphore_mem>>) src(%dma_wait3A_113 : memref<1024xf32, #tpu.memory_space<vmem_shared>>) dst(%dma_wait3A : memref<1024xf32, #tpu.memory_space<hbm>>)
      tpu.yield
    }) : () -> ()
    %add3A_110 = arith.constant 9216 : i32
    %add3A_111 = arith.addi %mul3A_38, %add3A_110 : i32
    "tpu.region"() ({
      %run_scoped3A = tpu.sem_alloc : memref<!tpu.dma_semaphore, #tpu.memory_space<semaphore_mem>>
      %dma_start3A = tpu.memref_slice %arg12[%add3A_111] : memref<163840xf32, #tpu.memory_space<hbm>> -> memref<1024xf32, #tpu.memory_space<hbm>>
      %dma_start3A_112 = tpu.memref_slice %arg33[%add3A_111] : memref<163840xf32, #tpu.memory_space<vmem_shared>> -> memref<1024xf32, #tpu.memory_space<vmem_shared>>
      tpu.enqueue_dma source(%dma_start3A_112 : memref<1024xf32, #tpu.memory_space<vmem_shared>>) target(%dma_start3A : memref<1024xf32, #tpu.memory_space<hbm>>) target_semaphore(%run_scoped3A : memref<!tpu.dma_semaphore, #tpu.memory_space<semaphore_mem>>)
      %dma_wait3A = tpu.memref_slice %arg12[%add3A_111] : memref<163840xf32, #tpu.memory_space<hbm>> -> memref<1024xf32, #tpu.memory_space<hbm>>
      %dma_wait3A_113 = tpu.memref_slice %arg33[%add3A_111] : memref<163840xf32, #tpu.memory_space<vmem_shared>> -> memref<1024xf32, #tpu.memory_space<vmem_shared>>
      tpu.wait_dma2 semaphore(%run_scoped3A : memref<!tpu.dma_semaphore, #tpu.memory_space<semaphore_mem>>) src(%dma_wait3A_113 : memref<1024xf32, #tpu.memory_space<vmem_shared>>) dst(%dma_wait3A : memref<1024xf32, #tpu.memory_space<hbm>>)
      tpu.yield
    }) : () -> ()
    return
  }
}

module attributes {stable_mosaic.version = 14 : i64} {
  func.func @_proj_e_body(%arg0: i32, %arg1: memref<1000x16xf32, #tpu.memory_space<vmem>>, %arg2: memref<16x8xf32, #tpu.memory_space<vmem>>, %arg3: memref<1x8xf32, #tpu.memory_space<vmem>>, %arg4: memref<1000x8xf32, #tpu.memory_space<vmem>>) attributes {dimension_semantics = [#tpu.dimension_semantics<arbitrary>], iteration_bounds = array<i64: 160>, scalar_prefetch = 0 : i64, scratch_operands = 0 : i64, tpu.core_type = #tpu.core_type<tc>, window_params = [{transform_indices = @transform_0, window_bounds = array<i64: 1000, 16>}, {pipeline_mode = #tpu.pipeline_mode<synchronous>, transform_indices = @transform_1, window_bounds = array<i64: 16, 8>}, {pipeline_mode = #tpu.pipeline_mode<synchronous>, transform_indices = @transform_2, window_bounds = array<i64: 1, 8>}, {transform_indices = @transform_3, window_bounds = array<i64: 1000, 8>}]} {
    %get3A = arith.constant 0 : index
    %get3A_0 = arith.constant 0 : index
    %get3A_1 = vector.load %arg1[%get3A, %get3A_0] : memref<1000x16xf32, #tpu.memory_space<vmem>>, vector<1000x16xf32>
    %get3A_2 = arith.constant 0 : index
    %get3A_3 = arith.constant 0 : index
    %get3A_4 = vector.load %arg2[%get3A_2, %get3A_3] : memref<16x8xf32, #tpu.memory_space<vmem>>, vector<16x8xf32>
    %dot_general3A = arith.constant dense<0.000000e+00> : vector<1000x8xf32>
    %dot_general3A_5 = tpu.matmul %get3A_1, %get3A_4, %dot_general3A {dimension_numbers = #tpu.dot_dimension_numbers<[1], [0], [0], [1], [0, 0, 1, 1], [], []>, transpose_lhs_hint = false} : vector<1000x16xf32>, vector<16x8xf32>, vector<1000x8xf32> -> vector<1000x8xf32>
    %get3A_6 = arith.constant 0 : index
    %get3A_7 = arith.constant 0 : index
    %get3A_8 = vector.load %arg3[%get3A_6, %get3A_7] : memref<1x8xf32, #tpu.memory_space<vmem>>, vector<1x8xf32>
    %add3A = vector.broadcast %get3A_8 : vector<1x8xf32> to vector<1000x8xf32>
    %add3A_9 = arith.addf %dot_general3A_5, %add3A : vector<1000x8xf32>
    %swap3A = arith.constant 0 : index
    %swap3A_10 = arith.constant 0 : index
    %swap3A_11 = vector.load %arg4[%swap3A, %swap3A_10] : memref<1000x8xf32, #tpu.memory_space<vmem>>, vector<1000x8xf32>
    tpu.vector_store %arg4[%swap3A, %swap3A_10], %add3A_9 {strides = array<i32>} : memref<1000x8xf32, #tpu.memory_space<vmem>>, vector<1000x8xf32>,
    return
  }
  func.func @transform_0(%arg0: i32) -> (i32, i32) {
    %c0_i32 = arith.constant 0 : i32
    %c0_i32_0 = arith.constant 0 : i32
    return %arg0, %c0_i32 : i32, i32
  }
  func.func @transform_1(%arg0: i32) -> (i32, i32) {
    %c0_i32 = arith.constant 0 : i32
    %c0_i32_0 = arith.constant 0 : i32
    %c0_i32_1 = arith.constant 0 : i32
    return %c0_i32, %c0_i32_0 : i32, i32
  }
  func.func @transform_2(%arg0: i32) -> (i32, i32) {
    %c0_i32 = arith.constant 0 : i32
    %c0_i32_0 = arith.constant 0 : i32
    %c0_i32_1 = arith.constant 0 : i32
    return %c0_i32, %c0_i32_0 : i32, i32
  }
  func.func @transform_3(%arg0: i32) -> (i32, i32) {
    %c0_i32 = arith.constant 0 : i32
    %c0_i32_0 = arith.constant 0 : i32
    return %arg0, %c0_i32 : i32, i32
  }
}

module attributes {stable_mosaic.version = 14 : i64} {
  func.func @_qkv_body(%arg0: i32, %arg1: memref<400x128xf32, #tpu.memory_space<vmem>>, %arg2: memref<128x128xf32, #tpu.memory_space<vmem>>, %arg3: memref<128x128xf32, #tpu.memory_space<vmem>>, %arg4: memref<128x128xf32, #tpu.memory_space<vmem>>, %arg5: memref<1x128xf32, #tpu.memory_space<vmem>>, %arg6: memref<1x128xf32, #tpu.memory_space<vmem>>, %arg7: memref<1x128xf32, #tpu.memory_space<vmem>>, %arg8: memref<400x128xf32, #tpu.memory_space<vmem>>, %arg9: memref<400x128xf32, #tpu.memory_space<vmem>>, %arg10: memref<400x128xf32, #tpu.memory_space<vmem>>) attributes {dimension_semantics = [#tpu.dimension_semantics<arbitrary>], iteration_bounds = array<i64: 25>, scalar_prefetch = 0 : i64, scratch_operands = 0 : i64, tpu.core_type = #tpu.core_type<tc>, window_params = [{transform_indices = @transform_0, window_bounds = array<i64: 400, 128>}, {pipeline_mode = #tpu.pipeline_mode<synchronous>, transform_indices = @transform_1, window_bounds = array<i64: 128, 128>}, {pipeline_mode = #tpu.pipeline_mode<synchronous>, transform_indices = @transform_2, window_bounds = array<i64: 128, 128>}, {pipeline_mode = #tpu.pipeline_mode<synchronous>, transform_indices = @transform_3, window_bounds = array<i64: 128, 128>}, {pipeline_mode = #tpu.pipeline_mode<synchronous>, transform_indices = @transform_4, window_bounds = array<i64: 1, 128>}, {pipeline_mode = #tpu.pipeline_mode<synchronous>, transform_indices = @transform_5, window_bounds = array<i64: 1, 128>}, {pipeline_mode = #tpu.pipeline_mode<synchronous>, transform_indices = @transform_6, window_bounds = array<i64: 1, 128>}, {transform_indices = @transform_7, window_bounds = array<i64: 400, 128>}, {transform_indices = @transform_8, window_bounds = array<i64: 400, 128>}, {transform_indices = @transform_9, window_bounds = array<i64: 400, 128>}]} {
    %get3A = arith.constant 0 : index
    %get3A_0 = arith.constant 0 : index
    %get3A_1 = vector.load %arg1[%get3A, %get3A_0] : memref<400x128xf32, #tpu.memory_space<vmem>>, vector<400x128xf32>
    %get3A_2 = arith.constant 0 : index
    %get3A_3 = arith.constant 0 : index
    %get3A_4 = vector.load %arg2[%get3A_2, %get3A_3] : memref<128x128xf32, #tpu.memory_space<vmem>>, vector<128x128xf32>
    %dot_general3A = arith.constant dense<0.000000e+00> : vector<400x128xf32>
    %dot_general3A_5 = tpu.matmul %get3A_1, %get3A_4, %dot_general3A {dimension_numbers = #tpu.dot_dimension_numbers<[1], [0], [0], [1], [0, 0, 1, 1], [], []>, transpose_lhs_hint = false} : vector<400x128xf32>, vector<128x128xf32>, vector<400x128xf32> -> vector<400x128xf32>
    %get3A_6 = arith.constant 0 : index
    %get3A_7 = arith.constant 0 : index
    %get3A_8 = vector.load %arg5[%get3A_6, %get3A_7] : memref<1x128xf32, #tpu.memory_space<vmem>>, vector<1x128xf32>
    %add3A = vector.broadcast %get3A_8 : vector<1x128xf32> to vector<400x128xf32>
    %add3A_9 = arith.addf %dot_general3A_5, %add3A : vector<400x128xf32>
    %swap3A = arith.constant 0 : index
    %swap3A_10 = arith.constant 0 : index
    %swap3A_11 = vector.load %arg8[%swap3A, %swap3A_10] : memref<400x128xf32, #tpu.memory_space<vmem>>, vector<400x128xf32>
    tpu.vector_store %arg8[%swap3A, %swap3A_10], %add3A_9 {strides = array<i32>} : memref<400x128xf32, #tpu.memory_space<vmem>>, vector<400x128xf32>,
    %get3A_12 = arith.constant 0 : index
    %get3A_13 = arith.constant 0 : index
    %get3A_14 = vector.load %arg3[%get3A_12, %get3A_13] : memref<128x128xf32, #tpu.memory_space<vmem>>, vector<128x128xf32>
    %dot_general3A_15 = arith.constant dense<0.000000e+00> : vector<400x128xf32>
    %dot_general3A_16 = tpu.matmul %get3A_1, %get3A_14, %dot_general3A_15 {dimension_numbers = #tpu.dot_dimension_numbers<[1], [0], [0], [1], [0, 0, 1, 1], [], []>, transpose_lhs_hint = false} : vector<400x128xf32>, vector<128x128xf32>, vector<400x128xf32> -> vector<400x128xf32>
    %get3A_17 = arith.constant 0 : index
    %get3A_18 = arith.constant 0 : index
    %get3A_19 = vector.load %arg6[%get3A_17, %get3A_18] : memref<1x128xf32, #tpu.memory_space<vmem>>, vector<1x128xf32>
    %add3A_20 = vector.broadcast %get3A_19 : vector<1x128xf32> to vector<400x128xf32>
    %add3A_21 = arith.addf %dot_general3A_16, %add3A_20 : vector<400x128xf32>
    %swap3A_22 = arith.constant 0 : index
    %swap3A_23 = arith.constant 0 : index
    %swap3A_24 = vector.load %arg9[%swap3A_22, %swap3A_23] : memref<400x128xf32, #tpu.memory_space<vmem>>, vector<400x128xf32>
    tpu.vector_store %arg9[%swap3A_22, %swap3A_23], %add3A_21 {strides = array<i32>} : memref<400x128xf32, #tpu.memory_space<vmem>>, vector<400x128xf32>,
    %get3A_25 = arith.constant 0 : index
    %get3A_26 = arith.constant 0 : index
    %get3A_27 = vector.load %arg4[%get3A_25, %get3A_26] : memref<128x128xf32, #tpu.memory_space<vmem>>, vector<128x128xf32>
    %dot_general3A_28 = arith.constant dense<0.000000e+00> : vector<400x128xf32>
    %dot_general3A_29 = tpu.matmul %get3A_1, %get3A_27, %dot_general3A_28 {dimension_numbers = #tpu.dot_dimension_numbers<[1], [0], [0], [1], [0, 0, 1, 1], [], []>, transpose_lhs_hint = false} : vector<400x128xf32>, vector<128x128xf32>, vector<400x128xf32> -> vector<400x128xf32>
    %get3A_30 = arith.constant 0 : index
    %get3A_31 = arith.constant 0 : index
    %get3A_32 = vector.load %arg7[%get3A_30, %get3A_31] : memref<1x128xf32, #tpu.memory_space<vmem>>, vector<1x128xf32>
    %add3A_33 = vector.broadcast %get3A_32 : vector<1x128xf32> to vector<400x128xf32>
    %add3A_34 = arith.addf %dot_general3A_29, %add3A_33 : vector<400x128xf32>
    %swap3A_35 = arith.constant 0 : index
    %swap3A_36 = arith.constant 0 : index
    %swap3A_37 = vector.load %arg10[%swap3A_35, %swap3A_36] : memref<400x128xf32, #tpu.memory_space<vmem>>, vector<400x128xf32>
    tpu.vector_store %arg10[%swap3A_35, %swap3A_36], %add3A_34 {strides = array<i32>} : memref<400x128xf32, #tpu.memory_space<vmem>>, vector<400x128xf32>,
    return
  }
  func.func @transform_0(%arg0: i32) -> (i32, i32) {
    %c0_i32 = arith.constant 0 : i32
    %c0_i32_0 = arith.constant 0 : i32
    return %arg0, %c0_i32 : i32, i32
  }
  func.func @transform_1(%arg0: i32) -> (i32, i32) {
    %c0_i32 = arith.constant 0 : i32
    %c0_i32_0 = arith.constant 0 : i32
    %c0_i32_1 = arith.constant 0 : i32
    return %c0_i32, %c0_i32_0 : i32, i32
  }
  func.func @transform_2(%arg0: i32) -> (i32, i32) {
    %c0_i32 = arith.constant 0 : i32
    %c0_i32_0 = arith.constant 0 : i32
    %c0_i32_1 = arith.constant 0 : i32
    return %c0_i32, %c0_i32_0 : i32, i32
  }
  func.func @transform_3(%arg0: i32) -> (i32, i32) {
    %c0_i32 = arith.constant 0 : i32
    %c0_i32_0 = arith.constant 0 : i32
    %c0_i32_1 = arith.constant 0 : i32
    return %c0_i32, %c0_i32_0 : i32, i32
  }
  func.func @transform_4(%arg0: i32) -> (i32, i32) {
    %c0_i32 = arith.constant 0 : i32
    %c0_i32_0 = arith.constant 0 : i32
    %c0_i32_1 = arith.constant 0 : i32
    return %c0_i32, %c0_i32_0 : i32, i32
  }
  func.func @transform_5(%arg0: i32) -> (i32, i32) {
    %c0_i32 = arith.constant 0 : i32
    %c0_i32_0 = arith.constant 0 : i32
    %c0_i32_1 = arith.constant 0 : i32
    return %c0_i32, %c0_i32_0 : i32, i32
  }
  func.func @transform_6(%arg0: i32) -> (i32, i32) {
    %c0_i32 = arith.constant 0 : i32
    %c0_i32_0 = arith.constant 0 : i32
    %c0_i32_1 = arith.constant 0 : i32
    return %c0_i32, %c0_i32_0 : i32, i32
  }
  func.func @transform_7(%arg0: i32) -> (i32, i32) {
    %c0_i32 = arith.constant 0 : i32
    %c0_i32_0 = arith.constant 0 : i32
    return %arg0, %c0_i32 : i32, i32
  }
  func.func @transform_8(%arg0: i32) -> (i32, i32) {
    %c0_i32 = arith.constant 0 : i32
    %c0_i32_0 = arith.constant 0 : i32
    return %arg0, %c0_i32 : i32, i32
  }
  func.func @transform_9(%arg0: i32) -> (i32, i32) {
    %c0_i32 = arith.constant 0 : i32
    %c0_i32_0 = arith.constant 0 : i32
    return %arg0, %c0_i32 : i32, i32
  }
}

module attributes {stable_mosaic.version = 14 : i64} {
  func.func @_eout_body(%arg0: i32, %arg1: memref<1000x8xf32, #tpu.memory_space<vmem>>, %arg2: memref<1000x16xf32, #tpu.memory_space<vmem>>, %arg3: memref<8x16xf32, #tpu.memory_space<vmem>>, %arg4: memref<1x16xf32, #tpu.memory_space<vmem>>, %arg5: memref<16x16xf32, #tpu.memory_space<vmem>>, %arg6: memref<1x16xf32, #tpu.memory_space<vmem>>, %arg7: memref<1000x16xf32, #tpu.memory_space<vmem>>) attributes {dimension_semantics = [#tpu.dimension_semantics<arbitrary>], iteration_bounds = array<i64: 160>, scalar_prefetch = 0 : i64, scratch_operands = 0 : i64, tpu.core_type = #tpu.core_type<tc>, window_params = [{transform_indices = @transform_0, window_bounds = array<i64: 1000, 8>}, {transform_indices = @transform_1, window_bounds = array<i64: 1000, 16>}, {pipeline_mode = #tpu.pipeline_mode<synchronous>, transform_indices = @transform_2, window_bounds = array<i64: 8, 16>}, {pipeline_mode = #tpu.pipeline_mode<synchronous>, transform_indices = @transform_3, window_bounds = array<i64: 1, 16>}, {pipeline_mode = #tpu.pipeline_mode<synchronous>, transform_indices = @transform_4, window_bounds = array<i64: 16, 16>}, {pipeline_mode = #tpu.pipeline_mode<synchronous>, transform_indices = @transform_5, window_bounds = array<i64: 1, 16>}, {transform_indices = @transform_6, window_bounds = array<i64: 1000, 16>}]} {
    %get3A = arith.constant 0 : index
    %get3A_0 = arith.constant 0 : index
    %get3A_1 = vector.load %arg1[%get3A, %get3A_0] : memref<1000x8xf32, #tpu.memory_space<vmem>>, vector<1000x8xf32>
    %get3A_2 = arith.constant 0 : index
    %get3A_3 = arith.constant 0 : index
    %get3A_4 = vector.load %arg3[%get3A_2, %get3A_3] : memref<8x16xf32, #tpu.memory_space<vmem>>, vector<8x16xf32>
    %dot_general3A = arith.constant dense<0.000000e+00> : vector<1000x16xf32>
    %dot_general3A_5 = tpu.matmul %get3A_1, %get3A_4, %dot_general3A {dimension_numbers = #tpu.dot_dimension_numbers<[1], [0], [0], [1], [0, 0, 1, 1], [], []>, transpose_lhs_hint = false} : vector<1000x8xf32>, vector<8x16xf32>, vector<1000x16xf32> -> vector<1000x16xf32>
    %get3A_6 = arith.constant 0 : index
    %get3A_7 = arith.constant 0 : index
    %get3A_8 = vector.load %arg4[%get3A_6, %get3A_7] : memref<1x16xf32, #tpu.memory_space<vmem>>, vector<1x16xf32>
    %add3A = vector.broadcast %get3A_8 : vector<1x16xf32> to vector<1000x16xf32>
    %add3A_9 = arith.addf %dot_general3A_5, %add3A : vector<1000x16xf32>
    %get3A_10 = arith.constant 0 : index
    %get3A_11 = arith.constant 0 : index
    %get3A_12 = vector.load %arg2[%get3A_10, %get3A_11] : memref<1000x16xf32, #tpu.memory_space<vmem>>, vector<1000x16xf32>
    %add3A_13 = arith.addf %add3A_9, %get3A_12 : vector<1000x16xf32>
    %get3A_14 = arith.constant 0 : index
    %get3A_15 = arith.constant 0 : index
    %get3A_16 = vector.load %arg5[%get3A_14, %get3A_15] : memref<16x16xf32, #tpu.memory_space<vmem>>, vector<16x16xf32>
    %dot_general3A_17 = arith.constant dense<0.000000e+00> : vector<1000x16xf32>
    %dot_general3A_18 = tpu.matmul %add3A_13, %get3A_16, %dot_general3A_17 {dimension_numbers = #tpu.dot_dimension_numbers<[1], [0], [0], [1], [0, 0, 1, 1], [], []>, transpose_lhs_hint = false} : vector<1000x16xf32>, vector<16x16xf32>, vector<1000x16xf32> -> vector<1000x16xf32>
    %get3A_19 = arith.constant 0 : index
    %get3A_20 = arith.constant 0 : index
    %get3A_21 = vector.load %arg6[%get3A_19, %get3A_20] : memref<1x16xf32, #tpu.memory_space<vmem>>, vector<1x16xf32>
    %add3A_22 = vector.broadcast %get3A_21 : vector<1x16xf32> to vector<1000x16xf32>
    %add3A_23 = arith.addf %dot_general3A_18, %add3A_22 : vector<1000x16xf32>
    %swap3A = arith.constant 0 : index
    %swap3A_24 = arith.constant 0 : index
    %swap3A_25 = vector.load %arg7[%swap3A, %swap3A_24] : memref<1000x16xf32, #tpu.memory_space<vmem>>, vector<1000x16xf32>
    tpu.vector_store %arg7[%swap3A, %swap3A_24], %add3A_23 {strides = array<i32>} : memref<1000x16xf32, #tpu.memory_space<vmem>>, vector<1000x16xf32>,
    return
  }
  func.func @transform_0(%arg0: i32) -> (i32, i32) {
    %c0_i32 = arith.constant 0 : i32
    %c0_i32_0 = arith.constant 0 : i32
    return %arg0, %c0_i32 : i32, i32
  }
  func.func @transform_1(%arg0: i32) -> (i32, i32) {
    %c0_i32 = arith.constant 0 : i32
    %c0_i32_0 = arith.constant 0 : i32
    return %arg0, %c0_i32 : i32, i32
  }
  func.func @transform_2(%arg0: i32) -> (i32, i32) {
    %c0_i32 = arith.constant 0 : i32
    %c0_i32_0 = arith.constant 0 : i32
    %c0_i32_1 = arith.constant 0 : i32
    return %c0_i32, %c0_i32_0 : i32, i32
  }
  func.func @transform_3(%arg0: i32) -> (i32, i32) {
    %c0_i32 = arith.constant 0 : i32
    %c0_i32_0 = arith.constant 0 : i32
    %c0_i32_1 = arith.constant 0 : i32
    return %c0_i32, %c0_i32_0 : i32, i32
  }
  func.func @transform_4(%arg0: i32) -> (i32, i32) {
    %c0_i32 = arith.constant 0 : i32
    %c0_i32_0 = arith.constant 0 : i32
    %c0_i32_1 = arith.constant 0 : i32
    return %c0_i32, %c0_i32_0 : i32, i32
  }
  func.func @transform_5(%arg0: i32) -> (i32, i32) {
    %c0_i32 = arith.constant 0 : i32
    %c0_i32_0 = arith.constant 0 : i32
    %c0_i32_1 = arith.constant 0 : i32
    return %c0_i32, %c0_i32_0 : i32, i32
  }
  func.func @transform_6(%arg0: i32) -> (i32, i32) {
    %c0_i32 = arith.constant 0 : i32
    %c0_i32_0 = arith.constant 0 : i32
    return %arg0, %c0_i32 : i32, i32
  }
}

module attributes {stable_mosaic.version = 14 : i64} {
  func.func @_hout_body(%arg0: i32, %arg1: memref<400x128xf32, #tpu.memory_space<vmem>>, %arg2: memref<400x16xf32, #tpu.memory_space<vmem>>, %arg3: memref<16x128xf32, #tpu.memory_space<vmem>>, %arg4: memref<128x128xf32, #tpu.memory_space<vmem>>, %arg5: memref<1x128xf32, #tpu.memory_space<vmem>>, %arg6: memref<400x128xf32, #tpu.memory_space<vmem>>) attributes {dimension_semantics = [#tpu.dimension_semantics<arbitrary>], iteration_bounds = array<i64: 25>, scalar_prefetch = 0 : i64, scratch_operands = 0 : i64, tpu.core_type = #tpu.core_type<tc>, window_params = [{transform_indices = @transform_0, window_bounds = array<i64: 400, 128>}, {transform_indices = @transform_1, window_bounds = array<i64: 400, 16>}, {pipeline_mode = #tpu.pipeline_mode<synchronous>, transform_indices = @transform_2, window_bounds = array<i64: 16, 128>}, {pipeline_mode = #tpu.pipeline_mode<synchronous>, transform_indices = @transform_3, window_bounds = array<i64: 128, 128>}, {pipeline_mode = #tpu.pipeline_mode<synchronous>, transform_indices = @transform_4, window_bounds = array<i64: 1, 128>}, {transform_indices = @transform_5, window_bounds = array<i64: 400, 128>}]} {
    %get3A = arith.constant 0 : index
    %get3A_0 = arith.constant 0 : index
    %get3A_1 = vector.load %arg1[%get3A, %get3A_0] : memref<400x128xf32, #tpu.memory_space<vmem>>, vector<400x128xf32>
    %get3A_2 = arith.constant 0 : index
    %get3A_3 = arith.constant 0 : index
    %get3A_4 = vector.load %arg2[%get3A_2, %get3A_3] : memref<400x16xf32, #tpu.memory_space<vmem>>, vector<400x16xf32>
    %get3A_5 = arith.constant 0 : index
    %get3A_6 = arith.constant 0 : index
    %get3A_7 = vector.load %arg3[%get3A_5, %get3A_6] : memref<16x128xf32, #tpu.memory_space<vmem>>, vector<16x128xf32>
    %dot_general3A = arith.constant dense<0.000000e+00> : vector<400x128xf32>
    %dot_general3A_8 = tpu.matmul %get3A_4, %get3A_7, %dot_general3A {dimension_numbers = #tpu.dot_dimension_numbers<[1], [0], [0], [1], [0, 0, 1, 1], [], []>, transpose_lhs_hint = false} : vector<400x16xf32>, vector<16x128xf32>, vector<400x128xf32> -> vector<400x128xf32>
    %add3A = arith.constant 9.99999997E-7 : f32
    %add3A_9 = vector.broadcast %add3A : f32 to vector<400x128xf32>
    %add3A_10 = arith.addf %dot_general3A_8, %add3A_9 : vector<400x128xf32>
    %div3A = arith.divf %get3A_1, %add3A_10 : vector<400x128xf32>
    %get3A_11 = arith.constant 0 : index
    %get3A_12 = arith.constant 0 : index
    %get3A_13 = vector.load %arg4[%get3A_11, %get3A_12] : memref<128x128xf32, #tpu.memory_space<vmem>>, vector<128x128xf32>
    %dot_general3A_14 = arith.constant dense<0.000000e+00> : vector<400x128xf32>
    %dot_general3A_15 = tpu.matmul %div3A, %get3A_13, %dot_general3A_14 {dimension_numbers = #tpu.dot_dimension_numbers<[1], [0], [0], [1], [0, 0, 1, 1], [], []>, transpose_lhs_hint = false} : vector<400x128xf32>, vector<128x128xf32>, vector<400x128xf32> -> vector<400x128xf32>
    %get3A_16 = arith.constant 0 : index
    %get3A_17 = arith.constant 0 : index
    %get3A_18 = vector.load %arg5[%get3A_16, %get3A_17] : memref<1x128xf32, #tpu.memory_space<vmem>>, vector<1x128xf32>
    %add3A_19 = vector.broadcast %get3A_18 : vector<1x128xf32> to vector<400x128xf32>
    %add3A_20 = arith.addf %dot_general3A_15, %add3A_19 : vector<400x128xf32>
    %swap3A = arith.constant 0 : index
    %swap3A_21 = arith.constant 0 : index
    %swap3A_22 = vector.load %arg6[%swap3A, %swap3A_21] : memref<400x128xf32, #tpu.memory_space<vmem>>, vector<400x128xf32>
    tpu.vector_store %arg6[%swap3A, %swap3A_21], %add3A_20 {strides = array<i32>} : memref<400x128xf32, #tpu.memory_space<vmem>>, vector<400x128xf32>,
    return
  }
  func.func @transform_0(%arg0: i32) -> (i32, i32) {
    %c0_i32 = arith.constant 0 : i32
    %c0_i32_0 = arith.constant 0 : i32
    return %arg0, %c0_i32 : i32, i32
  }
  func.func @transform_1(%arg0: i32) -> (i32, i32) {
    %c0_i32 = arith.constant 0 : i32
    %c0_i32_0 = arith.constant 0 : i32
    return %arg0, %c0_i32 : i32, i32
  }
  func.func @transform_2(%arg0: i32) -> (i32, i32) {
    %c0_i32 = arith.constant 0 : i32
    %c0_i32_0 = arith.constant 0 : i32
    %c0_i32_1 = arith.constant 0 : i32
    return %c0_i32, %c0_i32_0 : i32, i32
  }
  func.func @transform_3(%arg0: i32) -> (i32, i32) {
    %c0_i32 = arith.constant 0 : i32
    %c0_i32_0 = arith.constant 0 : i32
    %c0_i32_1 = arith.constant 0 : i32
    return %c0_i32, %c0_i32_0 : i32, i32
  }
  func.func @transform_4(%arg0: i32) -> (i32, i32) {
    %c0_i32 = arith.constant 0 : i32
    %c0_i32_0 = arith.constant 0 : i32
    %c0_i32_1 = arith.constant 0 : i32
    return %c0_i32, %c0_i32_0 : i32, i32
  }
  func.func @transform_5(%arg0: i32) -> (i32, i32) {
    %c0_i32 = arith.constant 0 : i32
    %c0_i32_0 = arith.constant 0 : i32
    return %arg0, %c0_i32 : i32, i32
  }
}

</mosaic_0001>

<sc_bundles>
// kernel: kernel.7.cloned.1.call-start
scs
__scs_entry_jumppad:
0x0: {  	(pc) =	sbr.rel $0x88, $3  }
0x1: {  	(tag) =	ssettag $0x0;
	lr =	simm.s32 $0x1  }
0x2: {  	[smem:$0x3F8E] =	sst lr;
	_ =	strace $0xD0000000  }
0x3: {  	_ = 	snop  }
0x4: {  	_ = 	snop  }
0x5: {  	_ = 	snop  }
0x6: {  	_ = 	snop  }
0x7: {  	_ = 	snop  }
__scs_overlays_trampoline_lowered:
0x8: {  	[smem:$0x3F9D] =	sst s0  }
0x9: {  	[smem:$0x3F9E] =	sst s1  }
0xa: {  	[smem:$0x3F9F] =	sst s2  }
0xb: {  	[smem:$0x3FA0] =	sst s3  }
0xc: {  	[smem:$0x3FA1] =	sst s4  }
0xd: {  	[smem:$0x3FA2] =	sst s5  }
0xe: {  	[smem:$0x3FA3] =	sst s6  }
0xf: {  	[smem:$0x3FA4] =	sst s7  }
0x10: {  	[smem:$0x3FA5] =	sst s8  }
0x11: {  	[smem:$0x3FA6] =	sst s9;
	s0 =	simm.s32 @!p0 $0x0  }
0x12: {  	s1 =	sld [smem:$0x3F8C];
	s0 =	simm.s32 @p0 $0x1  }
0x13: {  	[smem:$0x3FA7] =	sst s0;
	s0 =	simm.s32 @!p1 $0x0  }
0x14: {  	s2 =	sld [smem:$0x3F8B];
	s0 =	simm.s32 @p1 $0x1  }
0x15: {  	[smem:$0x3FA8] =	sst s0;
	s0 =	simm.s32 @!p2 $0x0  }
0x16: {  	s3 =	sld [smem:$0x3FDB];
	s0 =	simm.s32 @p2 $0x1  }
0x17: {  	s4 =	simm.s32 $0x1BF5;
	[smem:$0x3FAA] =	sst s0  }
0x18: {  	s0 =	sld [smem:$0x3F8D];
	_ =	swait.ge [sflag:s4], $0x0  }
0x19: {  	s7 =	sld [smem:$0x3F8E]  }
0x1a: {  	s8 =	sadd.s32 $0xFFFFE003, lr  }
0x1b: {  	s9 =	sadd.s32 $0xFFFFFEF7, lr;
	s5 =	simm.s32 $0xFFFFFFFF;
	p2 =	slt.u32 s8, $0xFFFFF086  }
0x1c: {  	p1 =	slt.u32 s9, $0xF7A;
	s5 =	simm.s32 @!p2 $0x0  }
0x1d: {  	s5 =	simm.s32 @p1 $0x1;
	p0 =	seq.s32 s7, s2  }
0x1e: {  	s7 =	smul.u32 @!p0 $0xF7A, s2;
	p2 =	seq.s32 @!p0 s5, $0x0  }
0x1f: {  	s9 =	smul.u32 $0xF7A, s1;
	s8 =	simm.s32 @!p0 $0x1BF5;
	p2 =	por !p2, p0  }
0x20: {  	[sflag:s8] =	ssyncset.s32 @!p0 $0xFFFFF086;
	s6 =	sadd.s32 @!p0 s3, s7;
	s7 =	simm.s32 @!p0 $0x108  }
0x21: {  	s3 =	sadd.s32 s3, s9;
	s6 =	sadd.s32 @!p0 $0x88, s6;
	s7 =	simm.s32 @p2 $0x1082  }
0x22: {  	[simem:s7], [sflag:s8] =	dma.local @!p0 [hbm:s6], $0xF7A  }
0x23: {  	s9 =	sor.u32 $0xD0000000, s2;
	s6 =	simm.s32 $0x108;
	_ =	swait.ge @!p0 [sflag:s8], $0x0  }
0x24: {  	s3 =	sadd.s32 $0x88, s3;
	s6 =	simm.s32 @!p1 $0x1082;
	[sflag:s4] =	ssyncset.s32 $0xFFFFF086  }
0x25: {  	[simem:s6], [sflag:s4] =	dma.local [hbm:s3], $0xF7A  }
0x26: {  	[smem:$0x3F8E] =	sst s1;
	(tag) =	ssettag s2;
	_ =	strace s9  }
0x27: {  	s1 =	sld [smem:$0x3F9E]  }
0x28: {  	s2 =	sld [smem:$0x3F9F]  }
0x29: {  	s4 =	sld [smem:$0x3FA1]  }
0x2a: {  	p0 =	seq.s32 s5, $0x0;
	s5 =	sld [smem:$0x3FA2]  }
0x2b: {  	s6 =	sld [smem:$0x3FA3]  }
0x2c: {  	s7 =	sld [smem:$0x3FA4]  }
0x2d: {  	s3 =	simm.s32 $0x108;
	s8 =	sld [smem:$0x3FA5]  }
0x2e: {  	s3 =	simm.s32 @!p0 $0x1082;
	s9 =	sld [smem:$0x3FA6]  }
0x2f: {  	lr =	sadd.s32 s0, s3;
	s0 =	sld [smem:$0x3F9D]  }
0x30: {  	s3 =	sld [smem:$0x3FA0]  }
0x31: {  	[smem:$0x3FA9] =	sst s10  }
0x32: {  	s10 =	sld [smem:$0x3FA7];
	_ =	sdelay $0x3  }
0x33: {  	p0 =	seq.s32 s10, $0x1;
	s10 =	sld [smem:$0x3FA9];
	_ =	sdelay $0x3  }
0x34: {  	[smem:$0x3FA9] =	sst s10  }
0x35: {  	s10 =	sld [smem:$0x3FA8];
	_ =	sdelay $0x3  }
0x36: {  	p1 =	seq.s32 s10, $0x1;
	s10 =	sld [smem:$0x3FA9];
	_ =	sdelay $0x3  }
0x37: {  	[smem:$0x3FA9] =	sst s10  }
0x38: {  	s10 =	sld [smem:$0x3FAA]  }
0x39: {  	_ = 	snop;
	(pc) =	sbr.ind lr, $3  }
0x3a: {  	_ = 	snop  }
0x3b: {  	_ = 	snop  }
0x3c: {  	p2 =	seq.s32 s10, $0x1;
	s10 =	sld [smem:$0x3FA9]  }
0x3d: {  	_ =	shalt  }
0x3e: {  	_ =	shalt  }
0x3f: {  	_ =	shalt  }
0x40: {  	_ =	shalt  }
0x41: {  	_ =	shalt  }
0x42: {  	_ =	shalt  }
0x43: {  	_ =	shalt  }
0x44: {  	_ =	shalt  }
0x45: {  	_ =	shalt  }
0x46: {  	_ =	shalt  }
0x47: {  	_ =	shalt  }
0x48: {  	_ =	shalt  }
0x49: {  	_ =	shalt  }
0x4a: {  	_ =	shalt  }
0x4b: {  	_ =	shalt  }
0x4c: {  	_ =	shalt  }
0x4d: {  	_ =	shalt  }
0x4e: {  	_ =	shalt  }
0x4f: {  	_ =	shalt  }
0x50: {  	_ =	shalt  }
0x51: {  	_ =	shalt  }
0x52: {  	_ =	shalt  }
0x53: {  	_ =	shalt  }
0x54: {  	_ =	shalt  }
0x55: {  	_ =	shalt  }
0x56: {  	_ =	shalt  }
0x57: {  	_ =	shalt  }
0x58: {  	_ =	shalt  }
0x59: {  	_ =	shalt  }
0x5a: {  	_ =	shalt  }
0x5b: {  	_ =	shalt  }
0x5c: {  	_ =	shalt  }
0x5d: {  	_ =	shalt  }
0x5e: {  	_ =	shalt  }
0x5f: {  	_ =	shalt  }
0x60: {  	_ =	shalt  }
0x61: {  	_ =	shalt  }
0x62: {  	_ =	shalt  }
0x63: {  	_ =	shalt  }
0x64: {  	_ =	shalt  }
0x65: {  	_ =	shalt  }
0x66: {  	_ =	shalt  }
0x67: {  	_ =	shalt  }
0x68: {  	_ =	shalt  }
0x69: {  	_ =	shalt  }
0x6a: {  	_ =	shalt  }
0x6b: {  	_ =	shalt  }
0x6c: {  	_ =	shalt  }
0x6d: {  	_ =	shalt  }
0x6e: {  	_ =	shalt  }
0x6f: {  	_ =	shalt  }
0x70: {  	_ =	shalt  }
0x71: {  	_ =	shalt  }
0x72: {  	_ =	shalt  }
0x73: {  	_ =	shalt  }
0x74: {  	_ =	shalt  }
0x75: {  	_ =	shalt  }
0x76: {  	_ =	shalt  }
0x77: {  	_ =	shalt  }
0x78: {  	_ =	shalt  }
0x79: {  	_ =	shalt  }
0x7a: {  	_ =	shalt  }
0x7b: {  	_ =	shalt  }
0x7c: {  	_ =	shalt  }
0x7d: {  	_ =	shalt  }
0x7e: {  	_ =	shalt  }
0x7f: {  	_ =	shalt  }
0x80: {  	_ =	shalt  }
0x81: {  	_ =	shalt  }
0x82: {  	_ =	shalt  }
0x83: {  	_ =	shalt  }
0x84: {  	_ =	shalt  }
0x85: {  	_ =	shalt  }
0x86: {  	_ =	shalt  }
0x87: {  	_ =	shalt  }
.Lfunc_end0:
.L_simem_size_0:
called_computation_lowered:
.L_overlay_start_0:
0x88: {  	s0 =	sld [smem:$0x3FD9]  }
0x89: {  	s1 =	sld [smem:$0x3FFE];
	_ =	sdelay $0x3  }
0x8a: {  	s0 =	sadd.s32 s1, s0  }
0x8b: {  	[smem:$0x3FB5] =	sst s0  }
0x8c: {  	_ = 	snop  }
0x8d: {  	s0 =	sld [smem:$0x3FD0];
	_ =	sdelay $0x2  }
0x8e: {  	s2 =	simm.s32 $0xA;
	s3 =	simm.s32 $0x10;
	s13 =	sld [smem:$0x3FC6]  }
0x8f: {  	[smem:s3], [sflag:s2] =	dma.local [hbm:s0], $0x1  }
0x90: {  	_ =	swait.eq [sflag:s2], $0x1  }
0x91: {  	[sflag:s2] =	ssyncset.done $0x0  }
0x92: {  	s14 =	sld [smem:$0x10];
	[sflag:s2] =	ssyncadd.s32 $0xFFFFFFFF  }
0x93: {  	s15 =	sld [smem:$0x11];
	(tm) =	ssettm $0x1  }
0x94: {  	s16 =	sld [smem:$0x3FFB];
	_ =	sdelay $0x3  }
0x95: {  	_ =	strace s16  }
0x96: {  	s3 =	sld [smem:$0x3FFC];
	_ =	sdelay $0x3  }
0x97: {  	_ =	strace s3  }
0x98: {  	s3 =	sld [smem:$0x3FFD];
	_ =	sdelay $0x3  }
0x99: {  	_ =	strace s3  }
0x9a: {  	_ =	strace $0x8FFFFFFF  }
0x9b: {  	s17 =	sld [smem:$0x3FDB];
	_ =	sdelay $0x1  }
0x9c: {  	s4 =	simm.s32 $_scs_section_size  }
0x9d: {  	s5 =	simm.s32 $_size__tile_overlayer_lowered;
	s6 =	simm.s32 $_tile_overlayer_lowered  }
0x9e: {  	s20 =	simm.s32 $0x1BFF;
	s19 =	sshll.u32 s6, $0x1;
	s3 =	sadd.s32 s4, s17  }
0x9f: {  	s7 =	simm.s32 $0x0;
	s18 =	sshll.u32 s5, $0x1;
	s5 =	sadd.s32 s19, s3  }
0xa0: {  	[timem:s7], [sflag:s20] =	dma.local [hbm:s5], s18  }
0xa1: {  	_ =	swait.ge [sflag:s20], s18  }
0xa2: {  	s4 =	ssub.s32 $0x0, s18;
	[sflag:s20] =	ssyncset.done $0x0  }
0xa3: {  	[sflag:s20] =	ssyncadd.s32 s4;
	_ =	sdelay $0x1  }
0xa4: {  	s21 =	simm.s32 $0x1B8B  }
0xa5: {  	_ =	swait.ge [sflag:s21], $0x1  }
0xa6: {  	[sflag:s21] =	ssyncset.done $0x0  }
0xa7: {  	s23 =	simm.s32 $0x1B8E;
	s22 =	sld [smem:$0x3FFE];
	[sflag:s21] =	ssyncadd.s32 $0xFFFFFFFF  }
0xa8: {  	s24 =	simm.s32 $execute0_lowered;
	[smem:$0x3FD2] =	sst s23  }
0xa9: {  	s5 =	sshll.u32 s24, $0x1;
	_ =	strace $0x80000046;
	[dreg:$0x1] =	wrdreg $0xFFFFFFFF  }
0xaa: {  	s25 =	simm.s32 $_size_execute0_lowered;
	s3 =	sadd.s32 s3, s5;
	[dreg:$0x0] =	wrdreg $0x0  }
0xab: {  	s5 =	sshll.u32 s25, $0x1;
	[dreg:$0x2] =	wrdreg s3  }
0xac: {  	[dreg:$0x3] =	wrdreg s5  }
0xad: {  	[dreg:$0x4] =	wrdreg $0xC0  }
0xae: {  	_ =	task [dreg:s7], $0x5FFFF  }
0xaf: {  	[dreg:$0x1] =	wrdreg $0xFFFFFFFF  }
0xb0: {  	[dreg:$0x0] =	wrdreg $0x60  }
0xb1: {  	[dreg:$0x2] =	wrdreg s14  }
0xb2: {  	[dreg:$0x3] =	wrdreg s22  }
0xb3: {  	[dreg:$0x4] =	wrdreg s13  }
0xb4: {  	[dreg:$0x5] =	wrdreg s15  }
0xb5: {  	[dreg:$0x6] =	wrdreg $0x8D000  }
0xb6: {  	[dreg:$0x7] =	wrdreg $0x1CD000  }
0xb7: {  	[dreg:$0x8] =	wrdreg $0x9  }
0xb8: {  	_ =	task.clear_ibuf [dreg:s7], $0x9FFFF;
	_ =	strace $0x90000046  }
0xb9: {  	s26 =	simm.s32 $0x9;
	_ =	strace $0x80000048  }
0xba: {  	_ =	swait.ge [sflag:s26], $0x1  }
0xbb: {  	[sflag:s26] =	ssyncadd.s32 $0xFFFFFFFF  }
0xbc: {  	_ =	strace $0x90000048  }
0xbd: {  	_ =	sfence  }
0xbe: {  	s28 =	sld [smem:$0x0];
	_ =	sdelay $0x1  }
0xbf: {  	s29 =	srdreg.scid  }
0xc0: {  	s30 =	sshll.u32 s29, $0xD;
	s31 =	sshrl.u32 s29, $0x2  }
0xc1: {  	s1 =	sand.u32 $0x1, s29;
	s2 =	sand.u32 $0x4000, s30;
	s0 =	sadd.s32 s31, s28  }
0xc2: {  	s1 =	sor.u32 s2, s1;
	s0 =	sshll.u32 s0, $0x11  }
0xc3: {  	s0 =	sor.u32 s0, s1  }
0xc4: {  	s0 =	sadd.s32 $0x8F2B, s0  }
0xc5: {  	[sflag:s0] =	ssyncadd.remote.s32 $0x1  }
0xc6: {  	_ =	sfence.sel $0xFFFF  }
0xc7: {  	[dreg:$0x0] =	wrdreg $0xFFFFFFFF;
	(pc) =	sbr.abs _section_cstart, $3  }
0xc8: {  	[dreg:$0x1] =	wrdreg $0xFFFFFFFF  }
0xc9: {  	_ =	task.clear_ibuf [dreg:s7], $0x2FFFF;
	_ =	strace $0x9FFFFFFF  }
0xca: {  	(tm) =	ssettm $0x7FFFFFFF  }
0xcb: {  	_ =	shalt  }
tec
execute0_lowered:
.L_overlay_start_1:
0x0: {  	(tag) =	ssettag $0x1  }
0x1: {  	s0 =	rddreg [dreg:$0x1];
	s1 =	simm.s32 $0x0  }
0x2: {  	v0 =	vimm.f32 $0.0e+00;
	[smem:$0x7FF] =	sst s1  }
0x3: {  	s8 =	rddreg [dreg:$0x5];
	_ =	strace $0x80000047;
	[tilespmem:$0x7E00] =	vst v0  }
0x4: {  	[tilespmem:$0x7E10] =	vst v0  }
0x5: {  	[tilespmem:$0x7E20] =	vst v0  }
0x6: {  	[tilespmem:$0x7E30] =	vst v0  }
0x7: {  	[tilespmem:$0x7E40] =	vst v0  }
0x8: {  	[tilespmem:$0x7E50] =	vst v0  }
0x9: {  	[tilespmem:$0x7E60] =	vst v0  }
0xa: {  	[tilespmem:$0x7E70] =	vst v0  }
0xb: {  	[tilespmem:$0x7E80] =	vst v0  }
0xc: {  	[tilespmem:$0x7E90] =	vst v0  }
0xd: {  	[tilespmem:$0x7EA0] =	vst v0  }
0xe: {  	[tilespmem:$0x7EB0] =	vst v0  }
0xf: {  	[tilespmem:$0x7EC0] =	vst v0  }
0x10: {  	[tilespmem:$0x7ED0] =	vst v0  }
0x11: {  	[tilespmem:$0x7EE0] =	vst v0  }
0x12: {  	[tilespmem:$0x7EF0] =	vst v0  }
0x13: {  	[tilespmem:$0x7F00] =	vst v0  }
0x14: {  	[tilespmem:$0x7F10] =	vst v0  }
0x15: {  	[tilespmem:$0x7F20] =	vst v0  }
0x16: {  	[tilespmem:$0x7F30] =	vst v0  }
0x17: {  	[tilespmem:$0x7F40] =	vst v0  }
0x18: {  	[tilespmem:$0x7F50] =	vst v0  }
0x19: {  	[tilespmem:$0x7F60] =	vst v0  }
0x1a: {  	[tilespmem:$0x7F70] =	vst v0  }
0x1b: {  	[tilespmem:$0x7F80] =	vst v0  }
0x1c: {  	[tilespmem:$0x7F90] =	vst v0  }
0x1d: {  	[tilespmem:$0x7FA0] =	vst v0  }
0x1e: {  	[tilespmem:$0x7FB0] =	vst v0  }
0x1f: {  	[tilespmem:$0x7FC0] =	vst v0  }
0x20: {  	[tilespmem:$0x7FD0] =	vst v0  }
0x21: {  	[tilespmem:$0x7FE0] =	vst v0  }
0x22: {  	[tilespmem:$0x7FF0] =	vst v0  }
0x23: {  	[tilespmem:$0x8000] =	vst v0  }
0x24: {  	[tilespmem:$0x8010] =	vst v0  }
0x25: {  	[tilespmem:$0x8020] =	vst v0  }
0x26: {  	s9 =	sadd.s32 $0x289E00, s0;
	[tilespmem:$0x8030] =	vst v0  }
0x27: {  	s10 =	sadd.s32 $0x2B1000, s0;
	s11 =	sadd.s32 $0xF000, s0;
	s12 =	sadd.s32 $0x5200, s0;
	[tilespmem:$0x8040] =	vst v0  }
0x28: {  	s2 =	stileid.u32;
	s13 =	sadd.s32 $0x4FAE00, s0;
	s31 =	sadd.s32 $0x32B400, s0;
	[tilespmem:$0x8050] =	vst v0  }
0x29: {  	s14 =	sadd.s32 $0x2DD200, s0;
	s0 =	sadd.s32 $0x2D8200, s0;
	[dreg:$0x8] =	wrdreg s31;
	[tilespmem:$0x8060] =	vst v0  }
0x2a: {  	s1 =	simm.s32 $0x0;
	[dreg:$0x7] =	wrdreg s0;
	[tilespmem:$0x8070] =	vst v0;
	s0 =	simm.s32 $0x40  }
.LBB2_1:
0x2b: {  	p0 =	sne.s32 s0, $0xFC0;
	[tilespmem:s1+$0x8900] =	vst v0;
	s1 =	smov.u32 s0;
	s0 =	sadd.s32 $0x40, s0  }
.Ltmp0:
0x2c: {  	(pc) =	sbr.rel @p0 .LBB2_1-.Ltmp0, $2  }
0x2d: {  	_ =	sdelay $0x2  }
0x2e: {  	s1 =	sshra.s32 s1, $0x2  }
0x2f: {  	[tilespmem:s1+$0x8900] =	vst v0;
	v0 =	vimm.f32 $0.0e+00;
	s0 =	simm.s32 $0x0;
	s1 =	simm.s32 $0x200  }
.LBB2_3:
0x30: {  	p0 =	sne.s32 s1, $0x9E00;
	[tilespmem:s0+$0x170] =	vst v0  }
0x31: {  	[tilespmem:s0+$0x100] =	vst v0  }
0x32: {  	[tilespmem:s0+$0x110] =	vst v0  }
.Ltmp1:
0x33: {  	[tilespmem:s0+$0x120] =	vst v0;
	(pc) =	sbr.rel @p0 .LBB2_3-.Ltmp1, $4  }
0x34: {  	[tilespmem:s0+$0x130] =	vst v0  }
0x35: {  	[tilespmem:s0+$0x140] =	vst v0  }
0x36: {  	[tilespmem:s0+$0x150] =	vst v0  }
0x37: {  	[tilespmem:s0+$0x160] =	vst v0;
	s0 =	sshra.s32 s1, $0x2;
	s1 =	sadd.s32 $0x200, s1  }
0x38: {  	[tilespmem:s0+$0x170] =	vst v0  }
0x39: {  	[tilespmem:s0+$0x100] =	vst v0  }
0x3a: {  	[tilespmem:s0+$0x110] =	vst v0  }
0x3b: {  	[tilespmem:s0+$0x120] =	vst v0;
	s1 =	smul.u32 $0x50000, s2  }
0x3c: {  	[tilespmem:s0+$0x130] =	vst v0  }
0x3d: {  	[tilespmem:s0+$0x140] =	vst v0;
	s24 =	smul.u32 $0x280, s2;
	s3 =	rddreg [dreg:$0x4];
	s1 =	sshrl.u32 s1, $0x2  }
0x3e: {  	[tilespmem:s0+$0x150] =	vst v0;
	s16 =	simm.s32 $0x100;
	s1 =	sadd.s32 s1, s3  }
0x3f: {  	[tilespmem:s0+$0x160] =	vst v0;
	s17 =	simm.s32 $0x4;
	s25 =	sor.u32 $0x50, s24;
	[smem:$0x7F2] =	sst s1  }
0x40: {  	[spmem:s1] =	stream.linear.scatter [tilespmem:s16], [sflag:$0x4], $0x2800, $0x38;
	[tilespmem:$0x1F500] =	vst v63  }
0x41: {  	s1 =	sshll.u32 s25, $0x7;
	_ =	swait.ge [sflag:s17], $0x2800  }
0x42: {  	[dreg:$0x19] =	wrdreg s25;
	s1 =	sadd.s32 s1, s3;
	[sflag:s17] =	ssyncset.done $0x0  }
0x43: {  	s26 =	sadd.s32 $0xA0, s24;
	[dreg:$0x1a] =	wrdreg s1;
	[sflag:s17] =	ssyncadd.s32 $0xFFFFD800  }
0x44: {  	[spmem:s1] =	stream.linear.scatter [tilespmem:s16], [sflag:$0x4], $0x2800, $0x38;
	[tilespmem:$0x1F500] =	vst v63  }
0x45: {  	s1 =	sshll.u32 s26, $0x7;
	_ =	swait.ge [sflag:s17], $0x2800  }
0x46: {  	[dreg:$0x1b] =	wrdreg s26;
	s1 =	sadd.s32 s1, s3;
	[sflag:s17] =	ssyncset.done $0x0  }
0x47: {  	s29 =	sadd.s32 $0xF0, s24;
	[dreg:$0x1c] =	wrdreg s1;
	[sflag:s17] =	ssyncadd.s32 $0xFFFFD800  }
0x48: {  	[spmem:s1] =	stream.linear.scatter [tilespmem:s16], [sflag:$0x4], $0x2800, $0x38;
	[tilespmem:$0x1F500] =	vst v63  }
0x49: {  	s1 =	sshll.u32 s29, $0x7;
	_ =	swait.ge [sflag:s17], $0x2800  }
0x4a: {  	[dreg:$0x1d] =	wrdreg s29;
	s1 =	sadd.s32 s1, s3;
	[sflag:s17] =	ssyncset.done $0x0  }
0x4b: {  	s4 =	sadd.s32 $0x140, s24;
	[dreg:$0x1e] =	wrdreg s1;
	[sflag:s17] =	ssyncadd.s32 $0xFFFFD800  }
0x4c: {  	[spmem:s1] =	stream.linear.scatter [tilespmem:s16], [sflag:$0x4], $0x2800, $0x38;
	[tilespmem:$0x1F500] =	vst v63  }
0x4d: {  	s1 =	sshll.u32 s4, $0x7;
	_ =	swait.ge [sflag:s17], $0x2800  }
0x4e: {  	[dreg:$0x1f] =	wrdreg s4;
	s1 =	sadd.s32 s1, s3;
	[sflag:s17] =	ssyncset.done $0x0  }
0x4f: {  	s5 =	sadd.s32 $0x190, s24;
	[smem:$0x7F3] =	sst s1;
	[sflag:s17] =	ssyncadd.s32 $0xFFFFD800  }
0x50: {  	[spmem:s1] =	stream.linear.scatter [tilespmem:s16], [sflag:$0x4], $0x2800, $0x38;
	[tilespmem:$0x1F500] =	vst v63  }
0x51: {  	s1 =	sshll.u32 s5, $0x7;
	_ =	swait.ge [sflag:s17], $0x2800  }
0x52: {  	s1 =	sadd.s32 s1, s3;
	[smem:$0x7F4] =	sst s5;
	[sflag:s17] =	ssyncset.done $0x0  }
0x53: {  	s6 =	sadd.s32 $0x1E0, s24;
	[smem:$0x7F5] =	sst s1;
	[sflag:s17] =	ssyncadd.s32 $0xFFFFD800  }
0x54: {  	[spmem:s1] =	stream.linear.scatter [tilespmem:s16], [sflag:$0x4], $0x2800, $0x38;
	[tilespmem:$0x1F500] =	vst v63  }
0x55: {  	s1 =	sshll.u32 s6, $0x7;
	_ =	swait.ge [sflag:s17], $0x2800  }
0x56: {  	s1 =	sadd.s32 s1, s3;
	[smem:$0x7F6] =	sst s6;
	[sflag:s17] =	ssyncset.done $0x0  }
0x57: {  	[smem:$0x7F7] =	sst s1;
	[sflag:s17] =	ssyncadd.s32 $0xFFFFD800  }
0x58: {  	[spmem:s1] =	stream.linear.scatter [tilespmem:s16], [sflag:$0x4], $0x2800, $0x38;
	[tilespmem:$0x1F500] =	vst v63  }
0x59: {  	s0 =	sadd.s32 $0x230, s24;
	_ =	swait.ge [sflag:s17], $0x2800  }
0x5a: {  	[smem:$0x7F8] =	sst s0;
	s0 =	sshll.u32 s0, $0x7  }
0x5b: {  	[sflag:s17] =	ssyncset.done $0x0;
	s0 =	sadd.s32 s0, s3  }
0x5c: {  	s7 =	smul.u32 $0x2800, s2;
	[sflag:s17] =	ssyncadd.s32 $0xFFFFD800;
	[smem:$0x7F9] =	sst s0  }
0x5d: {  	[spmem:s0] =	stream.linear.scatter [tilespmem:s16], [sflag:$0x4], $0x2800, $0x38;
	[tilespmem:$0x1F500] =	vst v63  }
0x5e: {  	_ =	swait.ge [sflag:s17], $0x2800  }
0x5f: {  	s18 =	simm.s32 $0x8900;
	s15 =	sadd.s32 s7, s8;
	[sflag:s17] =	ssyncset.done $0x0  }
0x60: {  	s19 =	sor.u32 $0x400, s7;
	[dreg:$0x14] =	wrdreg s15;
	[sflag:s17] =	ssyncadd.s32 $0xFFFFD800  }
0x61: {  	[spmem:s15] =	stream.linear.scatter [tilespmem:s18], [sflag:$0x4], $0x400, $0x38;
	[tilespmem:$0x1F500] =	vst v63  }
0x62: {  	s1 =	sadd.s32 s19, s8;
	_ =	swait.ge [sflag:s17], $0x400  }
0x63: {  	[dreg:$0x15] =	wrdreg s1;
	[sflag:s17] =	ssyncset.done $0x0  }
0x64: {  	s20 =	sadd.s32 $0x800, s7;
	[smem:$0x7FA] =	sst s19;
	[sflag:s17] =	ssyncadd.s32 $0xFFFFFC00  }
0x65: {  	[spmem:s1] =	stream.linear.scatter [tilespmem:s18], [sflag:$0x4], $0x400, $0x38;
	[tilespmem:$0x1F500] =	vst v63  }
0x66: {  	s1 =	sadd.s32 s20, s8;
	_ =	swait.ge [sflag:s17], $0x400  }
0x67: {  	[dreg:$0x12] =	wrdreg s1;
	[sflag:s17] =	ssyncset.done $0x0  }
0x68: {  	[smem:$0x7FB] =	sst s20;
	[sflag:s17] =	ssyncadd.s32 $0xFFFFFC00  }
0x69: {  	[spmem:s1] =	stream.linear.scatter [tilespmem:s18], [sflag:$0x4], $0x400, $0x38;
	[tilespmem:$0x1F500] =	vst v63  }
0x6a: {  	s21 =	sadd.s32 $0xC00, s7;
	_ =	swait.ge [sflag:s17], $0x400  }
0x6b: {  	s1 =	sadd.s32 s21, s8;
	[dreg:$0x16] =	wrdreg s21;
	[sflag:s17] =	ssyncset.done $0x0  }
0x6c: {  	[dreg:$0xf] =	wrdreg s1;
	[sflag:s17] =	ssyncadd.s32 $0xFFFFFC00  }
0x6d: {  	[spmem:s1] =	stream.linear.scatter [tilespmem:s18], [sflag:$0x4], $0x400, $0x38;
	[tilespmem:$0x1F500] =	vst v63  }
0x6e: {  	s22 =	sadd.s32 $0x1000, s7;
	_ =	swait.ge [sflag:s17], $0x400  }
0x6f: {  	s1 =	sadd.s32 s22, s8;
	[dreg:$0x17] =	wrdreg s22;
	[sflag:s17] =	ssyncset.done $0x0  }
0x70: {  	[dreg:$0x10] =	wrdreg s1;
	[sflag:s17] =	ssyncadd.s32 $0xFFFFFC00  }
0x71: {  	[spmem:s1] =	stream.linear.scatter [tilespmem:s18], [sflag:$0x4], $0x400, $0x38;
	[tilespmem:$0x1F500] =	vst v63  }
0x72: {  	s23 =	sadd.s32 $0x1400, s7;
	_ =	swait.ge [sflag:s17], $0x400  }
0x73: {  	s1 =	sadd.s32 s23, s8;
	[dreg:$0x13] =	wrdreg s23;
	[sflag:s17] =	ssyncset.done $0x0  }
0x74: {  	[dreg:$0xd] =	wrdreg s1;
	[sflag:s17] =	ssyncadd.s32 $0xFFFFFC00  }
0x75: {  	[spmem:s1] =	stream.linear.scatter [tilespmem:s18], [sflag:$0x4], $0x400, $0x38;
	[tilespmem:$0x1F500] =	vst v63  }
0x76: {  	s24 =	sadd.s32 $0x1800, s7;
	_ =	swait.ge [sflag:s17], $0x400  }
0x77: {  	s1 =	sadd.s32 s24, s8;
	[dreg:$0x11] =	wrdreg s24;
	[sflag:s17] =	ssyncset.done $0x0  }
0x78: {  	s28 =	simm.s32 $0x2;
	[dreg:$0xb] =	wrdreg s1;
	[sflag:s17] =	ssyncadd.s32 $0xFFFFFC00  }
0x79: {  	v1 =	vlaneseq.u32;
	v2 =	vimm.s32 $0x381;
	[spmem:s1] =	stream.linear.scatter [tilespmem:s18], [sflag:$0x4], $0x400, $0x38;
	[tilespmem:$0x1F500] =	vst v63  }
0x7a: {  	vm0 =	vcmask $0x300;
	vm14 =	vcmask $0x704;
	vm15 =	vcmask $0xB08;
	s30 =	simm.s32 $0x3;
	s25 =	sadd.s32 $0x1C00, s7;
	_ =	swait.ge [sflag:s17], $0x400  }
0x7b: {  	vm4 =	vcmask $0xF0C;
	vm5 =	vcmask $0x1310;
	v3 =	vsel vm0, $0x0, v2;
	s1 =	sadd.s32 s25, s8;
	[dreg:$0xe] =	wrdreg s25;
	[sflag:s17] =	ssyncset.done $0x0  }
0x7c: {  	vm6 =	vcmask $0x1714;
	vm7 =	vcmask $0x1B18;
	s31 =	simm.s32 $0x8100;
	v4 =	vsel vm14, $0x80, v3;
	[dreg:$0xa] =	wrdreg s1;
	[sflag:s17] =	ssyncadd.s32 $0xFFFFFC00  }
0x7d: {  	vm8 =	vcmask $0x1F1C;
	vm9 =	vcmask $0x2320;
	v5 =	vsel vm15, $0x100, v4;
	[spmem:s1] =	stream.linear.scatter [tilespmem:s18], [sflag:$0x4], $0x400, $0x38;
	[tilespmem:$0x1F500] =	vst v63  }
0x7e: {  	vm10 =	vcmask $0x2724;
	vm11 =	vcmask $0x2B28;
	v6 =	vsel vm4, $0x180, v5;
	s26 =	sadd.s32 $0x2000, s7;
	s29 =	sadd.s32 $0x2400, s7;
	_ =	swait.ge [sflag:s17], $0x400  }
0x7f: {  	vm12 =	vcmask $0x2F2C;
	v0 =	vand.u32 $0x7, v1;
	v7 =	vsel vm5, $0x200, v6;
	s1 =	sadd.s32 s26, s8;
	[dreg:$0xc] =	wrdreg s26;
	[sflag:s17] =	ssyncset.done $0x0  }
0x80: {  	vm13 =	vcmask $0x3330;
	v0 =	vmul.u32 $0x10, v0;
	v8 =	vsel vm6, $0x280, v7;
	s5 =	simm.s32 $0x0;
	[dreg:$0x9] =	wrdreg s1;
	[sflag:s17] =	ssyncadd.s32 $0xFFFFFC00  }
0x81: {  	v1 =	vshrl.u32 v1, $0x3;
	vm14 =	vcmask $0x3734;
	v9 =	vsel vm7, $0x300, v8;
	[spmem:s1] =	stream.linear.scatter [tilespmem:s18], [sflag:$0x4], $0x400, $0x38;
	[tilespmem:$0x1F500] =	vst v63  }
0x82: {  	vm15 =	vcmask $0x3B38;
	v2 =	vor.u32 $0x1, v0;
	v10 =	vsel vm8, $0x380, v9;
	s19 =	simm.s32 $0x0;
	_ =	swait.ge [sflag:s17], $0x400;
	[dreg:$0x18] =	wrdreg s29  }
0x83: {  	v3 =	vor.u32 $0x2, v0;
	v4 =	vor.u32 $0x3, v0;
	v11 =	vsel vm9, $0x1, v10;
	s1 =	sadd.s32 s29, s8;
	[sflag:s17] =	ssyncset.done $0x0;
	[smem:$0x7FC] =	sst s7  }
0x84: {  	v5 =	vor.u32 $0x4, v0;
	v16 =	vor.u32 $0xF, v0;
	v12 =	vsel vm10, $0x81, v11;
	s20 =	simm.s32 $0x80;
	[smem:$0x7FD] =	sst s1;
	[sflag:s17] =	ssyncadd.s32 $0xFFFFFC00  }
0x85: {  	v6 =	vor.u32 $0x5, v0;
	v7 =	vor.u32 $0x6, v0;
	v13 =	vsel vm11, $0x101, v12;
	[spmem:s1] =	stream.linear.scatter [tilespmem:s18], [sflag:$0x4], $0x400, $0x38;
	[tilespmem:$0x1F500] =	vst v63  }
0x86: {  	v8 =	vor.u32 $0x7, v0;
	v9 =	vor.u32 $0x8, v0;
	v14 =	vsel vm12, $0x181, v13;
	s21 =	simm.s32 $0x8080;
	s22 =	simm.s32 $0x7B80;
	_ =	swait.ge [sflag:s17], $0x400  }
0x87: {  	v10 =	vor.u32 $0x9, v0;
	v11 =	vor.u32 $0xA, v0;
	v15 =	vsel vm13, $0x201, v14;
	s23 =	simm.s32 $0x50;
	s24 =	simm.s32 $0x2900;
	[sflag:s17] =	ssyncset.done $0x0  }
0x88: {  	v12 =	vor.u32 $0xB, v0;
	v13 =	vor.u32 $0xC, v0;
	v17 =	vsel vm14, $0x281, v15;
	s25 =	simm.s32 $0x5100;
	s26 =	simm.s32 $0x1;
	[sflag:s17] =	ssyncadd.s32 $0xFFFFFC00  }
0x89: {  	v14 =	vor.u32 $0xD, v0;
	v15 =	vor.u32 $0xE, v0;
	v17 =	vsel vm15, $0x301, v17;
	s18 =	smul.u32 $0x4E20, s2;
	s1 =	simm.s32 $0x7900;
	[bflag:$0x0] =	sbarrier.arrive $0xFFFF  }
.LBB2_5:
0x8a: {  	s0 =	smul.u32 $0x50, s5;
	_ =	sdelay $0x1  }
0x8b: {  	s6 =	sadd.s32 s18, s0  }
0x8c: {  	s0 =	sshrl.u32 s6, $0x3  }
0x8d: {  	s2 =	sadd.s32 s11, s0  }
0x8e: {  	[tilespmem:s19], [sflag:$0x4] =	stream.linear.gather [hbm4b:s2+s19], $0x50, $0x38;
	[tilespmem:$0x1F500] =	vst v63  }
0x8f: {  	_ =	swait.ge [sflag:s17], $0x50  }
0x90: {  	[sflag:s17] =	ssyncset.done $0x0  }
0x91: {  	s4 =	sadd.s32 s12, s0;
	[sflag:s17] =	ssyncadd.s32 $0xFFFFFFB0  }
0x92: {  	[tilespmem:s20], [sflag:$0x4] =	stream.linear.gather [hbm4b:s4+s19], $0x50, $0x38;
	[tilespmem:$0x1F500] =	vst v63  }
0x93: {  	_ =	swait.ge [sflag:s17], $0x50  }
0x94: {  	[sflag:s17] =	ssyncset.done $0x0  }
0x95: {  	[sflag:s17] =	ssyncadd.s32 $0xFFFFFFB0  }
0x96: {  	s7 =	rddreg [dreg:$0x2]  }
0x97: {  	s0 =	sadd.s32 s7, s0  }
0x98: {  	[tilespmem:s21], [sflag:$0x4] =	stream.linear.gather [hbm4b:s0+s19], $0x50, $0x38;
	[tilespmem:$0x1F500] =	vst v63  }
0x99: {  	_ =	swait.ge [sflag:s17], $0x50  }
0x9a: {  	[sflag:s17] =	ssyncset.done $0x0  }
0x9b: {  	[sflag:s17] =	ssyncadd.s32 $0xFFFFFFB0  }
0x9c: {  	s15 =	rddreg [dreg:$0x3]  }
0x9d: {  	s0 =	sadd.s32 s15, s6  }
0x9e: {  	[tilespmem:s22], [sflag:$0x4] =	stream.linear.gather [hbm4b:s0+s19], $0x280, $0x38;
	[tilespmem:$0x1F500] =	vst v63  }
0x9f: {  	p0 =	sgt.u32 s6, $0x270FF;
	_ =	swait.ge [sflag:s17], $0x280  }
0xa0: {  	s3 =	simm.s32 @!p0 $0x7E00;
	[sflag:s17] =	ssyncset.done $0x0  }
0xa1: {  	s2 =	simm.s32 @!p0 $0x0;
	s0 =	sadd.s32 @!p0 s13, s6;
	[sflag:s17] =	ssyncadd.s32 $0xFFFFFD80  }
0xa2: {  	[tilespmem:s3], [sflag:$0x4] =	stream.linear.gather @!p0 [hbm4b:s0+s2], $0x280, $0x38;
	[tilespmem:$0x1F500] =	vst v63  }
0xa3: {  	s0 =	simm.s32 @!p0 $0x4  }
0xa4: {  	_ =	swait.ge @!p0 [sflag:s0], $0x280  }
0xa5: {  	[sflag:s0] =	ssyncset.done @!p0 $0x0  }
0xa6: {  	[sflag:s0] =	ssyncadd.s32 @!p0 $0xFFFFFD80  }
0xa7: {  	[tilespmem:s16], [sflag:$0x1] =	stream.indirect.gather [hbm4b:s9+s23], $0x80, s19, s23, $0xb8;
	[tilespmem:$0x1F500] =	vst v63  }
0xa8: {  	s0 =	rddreg [dreg:$0x0]  }
0xa9: {  	[tilespmem:s24], [sflag:$0x2] =	stream.indirect.gather [hbm4b:s0+s23], $0x80, s20, s23, $0xb8;
	[tilespmem:$0x1F500] =	vst v63  }
0xaa: {  	_ = 	snop  }
0xab: {  	[tilespmem:s25], [sflag:$0x3] =	stream.indirect.gather [hbm4b:s10+s23], $0x80, s19, s23, $0xb8;
	[tilespmem:$0x1F500] =	vst v63  }
0xac: {  	_ =	swait.ge [sflag:s26], $0x2800  }
0xad: {  	[sflag:s26] =	ssyncset.done $0x0  }
0xae: {  	v19 =	vor.u32 s19, v1;
	[sflag:s26] =	ssyncadd.s32 $0xFFFFD800  }
0xaf: {  	v18 =	vshll.u32 v19, $0x7;
	_ =	swait.ge [sflag:s28], $0x2800  }
0xb0: {  	v20 =	vor.u32 v0, v18;
	[sflag:s28] =	ssyncset.done $0x0  }
0xb1: {  	[sflag:s28] =	ssyncadd.s32 $0xFFFFD800  }
0xb2: {  	v21 =	vor.u32 v2, v18;
	_ =	swait.ge [sflag:s30], $0x2800  }
0xb3: {  	[sflag:s30] =	ssyncset.done $0x0  }
0xb4: {  	v22 =	vor.u32 v3, v18;
	[sflag:s30] =	ssyncadd.s32 $0xFFFFD800  }
0xb5: {  	v23 =	vld.idx.msk [tilespmem:v20+s16+$0x0], $0xffff  }
0xb6: {  	v25 =	vor.u32 v4, v18;
	v24 =	vld.idx.msk [tilespmem:v20+s24+$0x0], $0xffff  }
0xb7: {  	v26 =	vld.idx.msk [tilespmem:v21+s24+$0x0], $0xffff  }
0xb8: {  	v28 =	vor.u32 v5, v18;
	v27 =	vld.idx.msk [tilespmem:v21+s16+$0x0], $0xffff  }
0xb9: {  	v29 =	vld.idx.msk [tilespmem:v22+s16+$0x0], $0xffff  }
0xba: {  	v31 =	vor.u32 v6, v18;
	v30 =	vld.idx.msk [tilespmem:v22+s24+$0x0], $0xffff  }
0xbb: {  	v32 =	vld.idx.msk [tilespmem:v25+s16+$0x0], $0xffff;
	v23 =	vmul.f32 v24, v23  }
0xbc: {  	v33 =	vor.u32 v7, v18;
	v24 =	vld.idx.msk [tilespmem:v25+s24+$0x0], $0xffff  }
0xbd: {  	v34 =	vld.idx.msk [tilespmem:v28+s16+$0x0], $0xffff;
	v26 =	vmul.f32 v26, v27;
	v23 =	vadd.f32 $0.0e+00, v23  }
0xbe: {  	v35 =	vor.u32 v8, v18;
	v27 =	vld.idx.msk [tilespmem:v28+s24+$0x0], $0xffff  }
0xbf: {  	v50 =	vld.idx.msk [tilespmem:v31+s24+$0x0], $0xffff;
	v29 =	vmul.f32 v30, v29;
	v23 =	vadd.f32 v26, v23  }
0xc0: {  	v36 =	vor.u32 v9, v18;
	v26 =	vld.idx.msk [tilespmem:v31+s16+$0x0], $0xffff  }
0xc1: {  	v37 =	vld.idx.msk [tilespmem:v33+s24+$0x0], $0xffff;
	v24 =	vmul.f32 v24, v32;
	v23 =	vadd.f32 v29, v23  }
0xc2: {  	v52 =	vor.u32 v10, v18;
	v51 =	vld.idx.msk [tilespmem:v33+s16+$0x0], $0xffff  }
0xc3: {  	v38 =	vld.idx.msk [tilespmem:v35+s24+$0x0], $0xffff;
	v23 =	vadd.f32 v24, v23;
	v24 =	vmul.f32 v27, v34  }
0xc4: {  	v53 =	vor.u32 v11, v18;
	v27 =	vld.idx.msk [tilespmem:v35+s16+$0x0], $0xffff  }
0xc5: {  	v39 =	vld.idx.msk [tilespmem:v36+s24+$0x0], $0xffff;
	v23 =	vadd.f32 v24, v23;
	v24 =	vmul.f32 v50, v26  }
0xc6: {  	v54 =	vor.u32 v12, v18;
	v26 =	vld.idx.msk [tilespmem:v36+s16+$0x0], $0xffff  }
0xc7: {  	v40 =	vld.idx.msk [tilespmem:v52+s24+$0x0], $0xffff;
	v23 =	vadd.f32 v24, v23;
	v24 =	vmul.f32 v37, v51  }
0xc8: {  	v56 =	vor.u32 v13, v18;
	v55 =	vld.idx.msk [tilespmem:v52+s16+$0x0], $0xffff  }
0xc9: {  	v41 =	vld.idx.msk [tilespmem:v53+s24+$0x0], $0xffff;
	v23 =	vadd.f32 v24, v23;
	v24 =	vmul.f32 v38, v27  }
0xca: {  	v57 =	vor.u32 v14, v18;
	v27 =	vld.idx.msk [tilespmem:v53+s16+$0x0], $0xffff  }
0xcb: {  	v42 =	vld.idx.msk [tilespmem:v54+s24+$0x0], $0xffff;
	v23 =	vadd.f32 v24, v23;
	v24 =	vmul.f32 v39, v26  }
0xcc: {  	v58 =	vor.u32 v15, v18;
	v26 =	vld.idx.msk [tilespmem:v54+s16+$0x0], $0xffff  }
0xcd: {  	v43 =	vld.idx.msk [tilespmem:v56+s24+$0x0], $0xffff;
	v23 =	vadd.f32 v24, v23;
	v24 =	vmul.f32 v40, v55  }
0xce: {  	v18 =	vor.u32 v16, v18;
	v59 =	vld.idx.msk [tilespmem:v56+s16+$0x0], $0xffff  }
0xcf: {  	v60 =	vld.idx.msk [tilespmem:v57+s24+$0x0], $0xffff;
	v23 =	vadd.f32 v24, v23;
	v24 =	vmul.f32 v41, v27  }
0xd0: {  	v27 =	vld.idx.msk [tilespmem:v57+s16+$0x0], $0xffff  }
0xd1: {  	v61 =	vld.idx.msk [tilespmem:v58+s24+$0x0], $0xffff;
	v23 =	vadd.f32 v24, v23;
	v24 =	vmul.f32 v42, v26  }
0xd2: {  	v26 =	vld.idx.msk [tilespmem:v58+s16+$0x0], $0xffff  }
0xd3: {  	v62 =	vld.idx.msk [tilespmem:v18+s24+$0x0], $0xffff;
	v23 =	vadd.f32 v24, v23;
	v24 =	vmul.f32 v43, v59  }
0xd4: {  	v63 =	vld.idx.msk [tilespmem:v18+s16+$0x0], $0xffff  }
0xd5: {  	v23 =	vadd.f32 v24, v23;
	v24 =	vmul.f32 v60, v27;
	_ =	sdelay $0x1  }
0xd6: {  	v23 =	vadd.f32 v24, v23;
	v24 =	vmul.f32 v61, v26;
	_ =	sdelay $0x1  }
0xd7: {  	v23 =	vadd.f32 v24, v23;
	v24 =	vmul.f32 v62, v63;
	_ =	sdelay $0x1  }
0xd8: {  	v23 =	vadd.f32 v24, v23  }
0xd9: {  	v19 =	vld.idx.msk [tilespmem:v19+s21+$0x0], $0xffff  }
0xda: {  	v23 =	vmul.f32 $2.500000000e-01, v23;
	_ =	sdelay $0x1  }
0xdb: {  	v23 =	vmax.f32 v23, $-5.000000000e+00  }
0xdc: {  	v23 =	vmin.f32 v23, $5.000000000e+00  }
0xdd: {  	v19 =	vmul.f32 v23, v19;
	_ =	sdelay $0x1  }
0xde: {  	v19 =	vmul.f32 $1.442695020e+00, v19;
	_ =	sdelay $0x1  }
0xdf: {  	(erf) = vpow2.f32 v19;
	_ =	sdelay $0x4  }
0xe0: {  	v19 =	vld [tilespmem:s22+$0x0];
	_ =	sdelay $0x3  }
0xe1: {  	v23 =	vpop (erf)  }
0xe2: {  	v19 =	vadd.f32 v23, v19;
	_ =	sdelay $0x1  }
0xe3: {  	s29 =	simm.s32 $0x7E00;
	[tilespmem:s1+$0x0] =	vst v19  }
0xe4: {  	v23 =	vld [tilespmem:s29+$0x0];
	_ =	sdelay $0x2  }
0xe5: {  	v19 =	vmax.f32 v19, $-5.000000000e+00  }
0xe6: {  	v19 =	vmin.f32 v19, $5.000000000e+00  }
0xe7: {  	v19 =	vadd.f32 v19, v23;
	_ =	sdelay $0x1  }
0xe8: {  	v19 =	vmax.f32 v19, $-5.000000000e+00  }
0xe9: {  	v19 =	vmin.f32 v19, $5.000000000e+00  }
0xea: {  	v19 =	vmul.f32 $1.442695020e+00, v19;
	_ =	sdelay $0x1  }
0xeb: {  	(erf) = vpow2.f32 v19;
	_ =	sdelay $0x4  }
0xec: {  	v19 =	vor.u32 s19, v17;
	_ =	sdelay $0x3  }
0xed: {  	v26 =	vpop (erf)  }
0xee: {  	[tilespmem:v19+s31+$0x0] =	vst.idx.msk $0xffff, v26  }
0xef: {  	v19 =	vld.idx.msk [tilespmem:v20+s25+$0x0], $0xffff;
	_ =	sdelay $0x4  }
0xf0: {  	v19 =	vmul.f32 v26, v19;
	_ =	sdelay $0x1  }
0xf1: {  	[tilespmem:v20+s25+$0x0] =	vst.idx.msk $0xffff, v19  }
0xf2: {  	v19 =	vld.idx.msk [tilespmem:v21+s25+$0x0], $0xffff;
	_ =	sdelay $0x4  }
0xf3: {  	v19 =	vmul.f32 v26, v19;
	_ =	sdelay $0x1  }
0xf4: {  	[tilespmem:v21+s25+$0x0] =	vst.idx.msk $0xffff, v19  }
0xf5: {  	v19 =	vld.idx.msk [tilespmem:v22+s25+$0x0], $0xffff;
	_ =	sdelay $0x4  }
0xf6: {  	v19 =	vmul.f32 v26, v19;
	_ =	sdelay $0x1  }
0xf7: {  	[tilespmem:v22+s25+$0x0] =	vst.idx.msk $0xffff, v19  }
0xf8: {  	v19 =	vld.idx.msk [tilespmem:v25+s25+$0x0], $0xffff;
	_ =	sdelay $0x4  }
0xf9: {  	v19 =	vmul.f32 v26, v19;
	_ =	sdelay $0x1  }
0xfa: {  	[tilespmem:v25+s25+$0x0] =	vst.idx.msk $0xffff, v19  }
0xfb: {  	v19 =	vld.idx.msk [tilespmem:v28+s25+$0x0], $0xffff;
	_ =	sdelay $0x4  }
0xfc: {  	v19 =	vmul.f32 v26, v19;
	_ =	sdelay $0x1  }
0xfd: {  	[tilespmem:v28+s25+$0x0] =	vst.idx.msk $0xffff, v19  }
0xfe: {  	v19 =	vld.idx.msk [tilespmem:v31+s25+$0x0], $0xffff;
	_ =	sdelay $0x4  }
0xff: {  	v19 =	vmul.f32 v26, v19;
	_ =	sdelay $0x1  }
0x100: {  	[tilespmem:v31+s25+$0x0] =	vst.idx.msk $0xffff, v19  }
0x101: {  	v19 =	vld.idx.msk [tilespmem:v33+s25+$0x0], $0xffff;
	_ =	sdelay $0x4  }
0x102: {  	v19 =	vmul.f32 v19, v26;
	_ =	sdelay $0x1  }
0x103: {  	[tilespmem:v33+s25+$0x0] =	vst.idx.msk $0xffff, v19  }
0x104: {  	v19 =	vld.idx.msk [tilespmem:v35+s25+$0x0], $0xffff;
	_ =	sdelay $0x4  }
0x105: {  	v19 =	vmul.f32 v19, v26;
	_ =	sdelay $0x1  }
0x106: {  	[tilespmem:v35+s25+$0x0] =	vst.idx.msk $0xffff, v19  }
0x107: {  	v19 =	vld.idx.msk [tilespmem:v36+s25+$0x0], $0xffff;
	_ =	sdelay $0x4  }
0x108: {  	v19 =	vmul.f32 v19, v26;
	_ =	sdelay $0x1  }
0x109: {  	[tilespmem:v36+s25+$0x0] =	vst.idx.msk $0xffff, v19  }
0x10a: {  	v19 =	vld.idx.msk [tilespmem:v52+s25+$0x0], $0xffff;
	_ =	sdelay $0x4  }
0x10b: {  	v19 =	vmul.f32 v19, v26;
	_ =	sdelay $0x1  }
0x10c: {  	[tilespmem:v52+s25+$0x0] =	vst.idx.msk $0xffff, v19  }
0x10d: {  	v19 =	vld.idx.msk [tilespmem:v53+s25+$0x0], $0xffff;
	_ =	sdelay $0x4  }
0x10e: {  	v19 =	vmul.f32 v19, v26;
	_ =	sdelay $0x1  }
0x10f: {  	[tilespmem:v53+s25+$0x0] =	vst.idx.msk $0xffff, v19  }
0x110: {  	v19 =	vld.idx.msk [tilespmem:v54+s25+$0x0], $0xffff;
	_ =	sdelay $0x4  }
0x111: {  	v19 =	vmul.f32 v19, v26;
	_ =	sdelay $0x1  }
0x112: {  	[tilespmem:v54+s25+$0x0] =	vst.idx.msk $0xffff, v19  }
0x113: {  	v19 =	vld.idx.msk [tilespmem:v56+s25+$0x0], $0xffff;
	_ =	sdelay $0x4  }
0x114: {  	v19 =	vmul.f32 v19, v26;
	_ =	sdelay $0x1  }
0x115: {  	[tilespmem:v56+s25+$0x0] =	vst.idx.msk $0xffff, v19  }
0x116: {  	v19 =	vld.idx.msk [tilespmem:v57+s25+$0x0], $0xffff;
	_ =	sdelay $0x4  }
0x117: {  	v19 =	vmul.f32 v19, v26;
	_ =	sdelay $0x1  }
0x118: {  	[tilespmem:v57+s25+$0x0] =	vst.idx.msk $0xffff, v19  }
0x119: {  	v19 =	vld.idx.msk [tilespmem:v58+s25+$0x0], $0xffff;
	_ =	sdelay $0x4  }
0x11a: {  	v19 =	vmul.f32 v19, v26;
	_ =	sdelay $0x1  }
0x11b: {  	s7 =	simm.s32 $0x2;
	[tilespmem:v58+s25+$0x0] =	vst.idx.msk $0xffff, v19  }
0x11c: {  	v33 =	vor.u32 s7, v1;
	v21 =	vld.idx.msk [tilespmem:v18+s25+$0x0], $0xffff  }
0x11d: {  	s4 =	simm.s32 $0x7B80;
	v36 =	vshll.u32 v33, $0x7  }
0x11e: {  	s15 =	simm.s32 $0x7900;
	s2 =	simm.s32 $0x4;
	s0 =	simm.s32 $0x7E10;
	v20 =	vor.u32 v0, v36;
	v19 =	vor.u32 v2, v36  }
.LBB2_6:
0x11f: {  	s4 =	sadd.s32 $0x10, s4  }
0x120: {  	s15 =	sadd.s32 $0x10, s15;
	s29 =	smov.u32 s2;
	s3 =	sadd.s32 $0x2, s2  }
0x121: {  	p0 =	sne.s32 s2, $0x4E;
	v21 =	vmul.f32 v21, v26;
	_ =	sdelay $0x1  }
0x122: {  	v35 =	vor.u32 v3, v36;
	[tilespmem:v18+s25+$0x0] =	vst.idx.msk $0xffff, v21  }
0x123: {  	v18 =	vld.idx.msk [tilespmem:v19+s24+$0x0], $0xffff  }
0x124: {  	v21 =	vld.idx.msk [tilespmem:v20+s16+$0x0], $0xffff  }
0x125: {  	v34 =	vor.u32 v4, v36;
	v22 =	vld.idx.msk [tilespmem:v20+s24+$0x0], $0xffff  }
0x126: {  	v23 =	vld.idx.msk [tilespmem:v19+s16+$0x0], $0xffff  }
0x127: {  	v32 =	vor.u32 v5, v36;
	v24 =	vld.idx.msk [tilespmem:v35+s16+$0x0], $0xffff  }
0x128: {  	v25 =	vld.idx.msk [tilespmem:v35+s24+$0x0], $0xffff  }
0x129: {  	v31 =	vor.u32 v6, v36  }
0x12a: {  	v26 =	vld.idx.msk [tilespmem:v34+s16+$0x0], $0xffff  }
0x12b: {  	v30 =	vor.u32 v7, v36;
	v21 =	vmul.f32 v22, v21;
	v22 =	vld.idx.msk [tilespmem:v34+s24+$0x0], $0xffff  }
0x12c: {  	v18 =	vmul.f32 v18, v23;
	v23 =	vld.idx.msk [tilespmem:v32+s24+$0x0], $0xffff  }
0x12d: {  	v29 =	vor.u32 v8, v36;
	v21 =	vadd.f32 $0.0e+00, v21;
	v37 =	vld.idx.msk [tilespmem:v32+s16+$0x0], $0xffff  }
0x12e: {  	v24 =	vmul.f32 v25, v24;
	v38 =	vld.idx.msk [tilespmem:v31+s24+$0x0], $0xffff  }
0x12f: {  	v28 =	vor.u32 v9, v36;
	v18 =	vadd.f32 v18, v21;
	v21 =	vld.idx.msk [tilespmem:v31+s16+$0x0], $0xffff  }
0x130: {  	v39 =	vld.idx.msk [tilespmem:v30+s24+$0x0], $0xffff  }
0x131: {  	v27 =	vor.u32 v10, v36;
	v18 =	vadd.f32 v24, v18;
	v22 =	vmul.f32 v22, v26;
	v26 =	vld.idx.msk [tilespmem:v30+s16+$0x0], $0xffff  }
0x132: {  	v40 =	vld.idx.msk [tilespmem:v29+s24+$0x0], $0xffff  }
0x133: {  	v25 =	vor.u32 v11, v36;
	v18 =	vadd.f32 v22, v18;
	v22 =	vmul.f32 v23, v37;
	v37 =	vld.idx.msk [tilespmem:v29+s16+$0x0], $0xffff  }
0x134: {  	v41 =	vld.idx.msk [tilespmem:v28+s24+$0x0], $0xffff  }
0x135: {  	v24 =	vor.u32 v12, v36;
	v18 =	vadd.f32 v22, v18;
	v21 =	vmul.f32 v38, v21;
	v38 =	vld.idx.msk [tilespmem:v28+s16+$0x0], $0xffff  }
0x136: {  	v42 =	vld.idx.msk [tilespmem:v27+s24+$0x0], $0xffff  }
0x137: {  	v23 =	vor.u32 v13, v36;
	v18 =	vadd.f32 v21, v18;
	v21 =	vmul.f32 v39, v26;
	v26 =	vld.idx.msk [tilespmem:v27+s16+$0x0], $0xffff  }
0x138: {  	v39 =	vld.idx.msk [tilespmem:v25+s24+$0x0], $0xffff  }
0x139: {  	v22 =	vor.u32 v14, v36;
	v18 =	vadd.f32 v21, v18;
	v21 =	vmul.f32 v40, v37;
	v37 =	vld.idx.msk [tilespmem:v25+s16+$0x0], $0xffff  }
0x13a: {  	v40 =	vld.idx.msk [tilespmem:v24+s24+$0x0], $0xffff  }
0x13b: {  	v18 =	vadd.f32 v21, v18;
	v38 =	vmul.f32 v41, v38;
	v21 =	vor.u32 v15, v36;
	v41 =	vld.idx.msk [tilespmem:v24+s16+$0x0], $0xffff  }
0x13c: {  	v43 =	vld.idx.msk [tilespmem:v23+s24+$0x0], $0xffff  }
0x13d: {  	v38 =	vadd.f32 v38, v18;
	v26 =	vmul.f32 v42, v26;
	v18 =	vor.u32 v16, v36;
	v42 =	vld.idx.msk [tilespmem:v23+s16+$0x0], $0xffff  }
0x13e: {  	v36 =	vld.idx.msk [tilespmem:v22+s24+$0x0], $0xffff  }
0x13f: {  	v26 =	vadd.f32 v26, v38;
	v37 =	vmul.f32 v39, v37;
	v38 =	vld.idx.msk [tilespmem:v22+s16+$0x0], $0xffff  }
0x140: {  	v39 =	vld.idx.msk [tilespmem:v21+s24+$0x0], $0xffff  }
0x141: {  	v26 =	vadd.f32 v37, v26;
	v37 =	vmul.f32 v40, v41;
	v40 =	vld.idx.msk [tilespmem:v21+s16+$0x0], $0xffff  }
0x142: {  	v41 =	vld.idx.msk [tilespmem:v18+s24+$0x0], $0xffff  }
0x143: {  	v26 =	vadd.f32 v37, v26;
	v37 =	vmul.f32 v43, v42;
	v42 =	vld.idx.msk [tilespmem:v18+s16+$0x0], $0xffff;
	_ =	sdelay $0x1  }
0x144: {  	v26 =	vadd.f32 v37, v26;
	v36 =	vmul.f32 v36, v38;
	_ =	sdelay $0x1  }
0x145: {  	v26 =	vadd.f32 v36, v26;
	v36 =	vmul.f32 v39, v40;
	_ =	sdelay $0x1  }
0x146: {  	v26 =	vadd.f32 v36, v26;
	v36 =	vmul.f32 v41, v42;
	_ =	sdelay $0x1  }
0x147: {  	v26 =	vadd.f32 v36, v26;
	v33 =	vld.idx.msk [tilespmem:v33+s21+$0x0], $0xffff;
	_ =	sdelay $0x1  }
0x148: {  	v26 =	vmul.f32 $2.500000000e-01, v26;
	_ =	sdelay $0x1  }
0x149: {  	v26 =	vmax.f32 v26, $-5.000000000e+00  }
0x14a: {  	v26 =	vmin.f32 v26, $5.000000000e+00  }
0x14b: {  	v26 =	vmul.f32 v26, v33;
	_ =	sdelay $0x1  }
0x14c: {  	v26 =	vmul.f32 $1.442695020e+00, v26;
	_ =	sdelay $0x1  }
0x14d: {  	(erf) = vpow2.f32 v26;
	_ =	sdelay $0x4  }
0x14e: {  	v26 =	vld [tilespmem:s4+$0x0];
	_ =	sdelay $0x3  }
0x14f: {  	v33 =	vpop (erf)  }
0x150: {  	v26 =	vadd.f32 v33, v26;
	_ =	sdelay $0x1  }
0x151: {  	[tilespmem:s15+$0x0] =	vst v26;
	v26 =	vmax.f32 v26, $-5.000000000e+00  }
0x152: {  	v33 =	vld [tilespmem:s0+$0x0];
	_ =	sdelay $0x3  }
0x153: {  	v26 =	vmin.f32 v26, $5.000000000e+00  }
0x154: {  	v26 =	vadd.f32 v26, v33;
	_ =	sdelay $0x1  }
0x155: {  	v26 =	vmax.f32 v26, $-5.000000000e+00  }
0x156: {  	v26 =	vmin.f32 v26, $5.000000000e+00  }
0x157: {  	v26 =	vmul.f32 $1.442695020e+00, v26;
	_ =	sdelay $0x1  }
0x158: {  	(erf) = vpow2.f32 v26;
	_ =	sdelay $0x4  }
0x159: {  	v33 =	vor.u32 s7, v17;
	s7 =	smov.u32 s29;
	_ =	sdelay $0x3  }
0x15a: {  	v26 =	vpop (erf)  }
0x15b: {  	[tilespmem:v33+s31+$0x0] =	vst.idx.msk $0xffff, v26  }
0x15c: {  	v33 =	vld.idx.msk [tilespmem:v20+s25+$0x0], $0xffff;
	_ =	sdelay $0x5  }
0x15d: {  	v33 =	vmul.f32 v26, v33;
	_ =	sdelay $0x1  }
0x15e: {  	[tilespmem:v20+s25+$0x0] =	vst.idx.msk $0xffff, v33  }
0x15f: {  	v20 =	vld.idx.msk [tilespmem:v19+s25+$0x0], $0xffff;
	_ =	sdelay $0x5  }
0x160: {  	v20 =	vmul.f32 v26, v20;
	_ =	sdelay $0x1  }
0x161: {  	[tilespmem:v19+s25+$0x0] =	vst.idx.msk $0xffff, v20  }
0x162: {  	v19 =	vld.idx.msk [tilespmem:v35+s25+$0x0], $0xffff;
	_ =	sdelay $0x5  }
0x163: {  	v19 =	vmul.f32 v26, v19;
	_ =	sdelay $0x1  }
0x164: {  	[tilespmem:v35+s25+$0x0] =	vst.idx.msk $0xffff, v19  }
0x165: {  	v19 =	vld.idx.msk [tilespmem:v34+s25+$0x0], $0xffff;
	_ =	sdelay $0x5  }
0x166: {  	v19 =	vmul.f32 v26, v19;
	_ =	sdelay $0x1  }
0x167: {  	[tilespmem:v34+s25+$0x0] =	vst.idx.msk $0xffff, v19  }
0x168: {  	v19 =	vld.idx.msk [tilespmem:v32+s25+$0x0], $0xffff;
	_ =	sdelay $0x5  }
0x169: {  	v19 =	vmul.f32 v26, v19;
	_ =	sdelay $0x1  }
0x16a: {  	[tilespmem:v32+s25+$0x0] =	vst.idx.msk $0xffff, v19  }
0x16b: {  	v19 =	vld.idx.msk [tilespmem:v31+s25+$0x0], $0xffff;
	_ =	sdelay $0x5  }
0x16c: {  	v19 =	vmul.f32 v26, v19;
	_ =	sdelay $0x1  }
0x16d: {  	[tilespmem:v31+s25+$0x0] =	vst.idx.msk $0xffff, v19  }
0x16e: {  	v19 =	vld.idx.msk [tilespmem:v30+s25+$0x0], $0xffff;
	_ =	sdelay $0x5  }
0x16f: {  	v19 =	vmul.f32 v19, v26;
	_ =	sdelay $0x1  }
0x170: {  	[tilespmem:v30+s25+$0x0] =	vst.idx.msk $0xffff, v19  }
0x171: {  	v19 =	vld.idx.msk [tilespmem:v29+s25+$0x0], $0xffff;
	_ =	sdelay $0x5  }
0x172: {  	v19 =	vmul.f32 v19, v26;
	_ =	sdelay $0x1  }
0x173: {  	[tilespmem:v29+s25+$0x0] =	vst.idx.msk $0xffff, v19  }
0x174: {  	v19 =	vld.idx.msk [tilespmem:v28+s25+$0x0], $0xffff;
	_ =	sdelay $0x5  }
0x175: {  	v19 =	vmul.f32 v19, v26;
	_ =	sdelay $0x1  }
0x176: {  	[tilespmem:v28+s25+$0x0] =	vst.idx.msk $0xffff, v19  }
0x177: {  	v19 =	vld.idx.msk [tilespmem:v27+s25+$0x0], $0xffff;
	_ =	sdelay $0x5  }
0x178: {  	v19 =	vmul.f32 v19, v26;
	_ =	sdelay $0x1  }
0x179: {  	[tilespmem:v27+s25+$0x0] =	vst.idx.msk $0xffff, v19  }
0x17a: {  	v19 =	vld.idx.msk [tilespmem:v25+s25+$0x0], $0xffff;
	_ =	sdelay $0x5  }
0x17b: {  	v19 =	vmul.f32 v19, v26;
	_ =	sdelay $0x1  }
0x17c: {  	[tilespmem:v25+s25+$0x0] =	vst.idx.msk $0xffff, v19  }
0x17d: {  	v19 =	vld.idx.msk [tilespmem:v24+s25+$0x0], $0xffff;
	_ =	sdelay $0x5  }
0x17e: {  	v19 =	vmul.f32 v19, v26;
	_ =	sdelay $0x1  }
0x17f: {  	[tilespmem:v24+s25+$0x0] =	vst.idx.msk $0xffff, v19  }
0x180: {  	v19 =	vld.idx.msk [tilespmem:v23+s25+$0x0], $0xffff;
	_ =	sdelay $0x5  }
0x181: {  	v19 =	vmul.f32 v19, v26;
	_ =	sdelay $0x1  }
0x182: {  	[tilespmem:v23+s25+$0x0] =	vst.idx.msk $0xffff, v19  }
0x183: {  	v19 =	vld.idx.msk [tilespmem:v22+s25+$0x0], $0xffff;
	_ =	sdelay $0x5  }
0x184: {  	v19 =	vmul.f32 v19, v26;
	_ =	sdelay $0x1  }
0x185: {  	[tilespmem:v22+s25+$0x0] =	vst.idx.msk $0xffff, v19  }
0x186: {  	v19 =	vld.idx.msk [tilespmem:v21+s25+$0x0], $0xffff;
	_ =	sdelay $0x5  }
0x187: {  	v19 =	vmul.f32 v19, v26;
	_ =	sdelay $0x1  }
0x188: {  	[tilespmem:v21+s25+$0x0] =	vst.idx.msk $0xffff, v19  }
.Ltmp2:
0x189: {  	v21 =	vld.idx.msk [tilespmem:v18+s25+$0x0], $0xffff;
	(pc) =	sbr.rel @p0 .LBB2_6-.Ltmp2, $4  }
0x18a: {  	v33 =	vor.u32 s7, v1  }
0x18b: {  	v36 =	vshll.u32 v33, $0x7  }
0x18c: {  	v20 =	vor.u32 v0, v36;
	v19 =	vor.u32 v2, v36  }
0x18d: {  	s2 =	smov.u32 s3;
	s0 =	sadd.s32 $0x10, s0  }
0x18e: {  	_ =	sdelay $0x1  }
0x18f: {  	v21 =	vmul.f32 v21, v26;
	_ =	sdelay $0x1  }
0x190: {  	v22 =	vor.u32 v3, v36;
	[tilespmem:v18+s25+$0x0] =	vst.idx.msk $0xffff, v21  }
0x191: {  	v18 =	vld.idx.msk [tilespmem:v20+s16+$0x0], $0xffff  }
0x192: {  	v23 =	vor.u32 v4, v36;
	v21 =	vld.idx.msk [tilespmem:v20+s24+$0x0], $0xffff  }
0x193: {  	v24 =	vld.idx.msk [tilespmem:v19+s24+$0x0], $0xffff  }
0x194: {  	v26 =	vor.u32 v5, v36;
	v25 =	vld.idx.msk [tilespmem:v19+s16+$0x0], $0xffff  }
0x195: {  	v27 =	vld.idx.msk [tilespmem:v22+s16+$0x0], $0xffff  }
0x196: {  	v29 =	vor.u32 v6, v36;
	v28 =	vld.idx.msk [tilespmem:v22+s24+$0x0], $0xffff  }
0x197: {  	v30 =	vld.idx.msk [tilespmem:v23+s16+$0x0], $0xffff;
	v18 =	vmul.f32 v21, v18  }
0x198: {  	v31 =	vor.u32 v7, v36;
	v45 =	vld.idx.msk [tilespmem:v23+s24+$0x0], $0xffff  }
0x199: {  	v46 =	vld.idx.msk [tilespmem:v26+s24+$0x0], $0xffff;
	v24 =	vmul.f32 v24, v25;
	v18 =	vadd.f32 $0.0e+00, v18  }
0x19a: {  	v34 =	vor.u32 v8, v36;
	v32 =	vld.idx.msk [tilespmem:v26+s16+$0x0], $0xffff  }
0x19b: {  	v47 =	vld.idx.msk [tilespmem:v29+s24+$0x0], $0xffff;
	v27 =	vmul.f32 v28, v27;
	v18 =	vadd.f32 v24, v18  }
0x19c: {  	v35 =	vor.u32 v9, v36;
	v48 =	vld.idx.msk [tilespmem:v29+s16+$0x0], $0xffff  }
0x19d: {  	v37 =	vld.idx.msk [tilespmem:v31+s24+$0x0], $0xffff;
	v21 =	vmul.f32 v45, v30;
	v18 =	vadd.f32 v27, v18  }
0x19e: {  	v49 =	vld.idx.msk [tilespmem:v31+s16+$0x0], $0xffff;
	v30 =	vor.u32 v10, v36  }
0x19f: {  	v38 =	vld.idx.msk [tilespmem:v34+s24+$0x0], $0xffff;
	v50 =	vmul.f32 v46, v32;
	v18 =	vadd.f32 v21, v18  }
0x1a0: {  	v51 =	vld.idx.msk [tilespmem:v34+s16+$0x0], $0xffff;
	v32 =	vor.u32 v11, v36  }
0x1a1: {  	v39 =	vld.idx.msk [tilespmem:v35+s24+$0x0], $0xffff;
	v52 =	vmul.f32 v47, v48;
	v18 =	vadd.f32 v50, v18  }
0x1a2: {  	v53 =	vld.idx.msk [tilespmem:v35+s16+$0x0], $0xffff;
	v28 =	vor.u32 v12, v36  }
0x1a3: {  	v54 =	vmul.f32 v37, v49;
	v40 =	vld.idx.msk [tilespmem:v30+s24+$0x0], $0xffff;
	v18 =	vadd.f32 v52, v18  }
0x1a4: {  	v37 =	vor.u32 v13, v36;
	v55 =	vld.idx.msk [tilespmem:v30+s16+$0x0], $0xffff  }
0x1a5: {  	v56 =	vmul.f32 v38, v51;
	v41 =	vld.idx.msk [tilespmem:v32+s24+$0x0], $0xffff;
	v18 =	vadd.f32 v54, v18  }
0x1a6: {  	v38 =	vor.u32 v14, v36;
	v57 =	vld.idx.msk [tilespmem:v32+s16+$0x0], $0xffff  }
0x1a7: {  	v58 =	vmul.f32 v39, v53;
	v42 =	vld.idx.msk [tilespmem:v28+s24+$0x0], $0xffff;
	v18 =	vadd.f32 v56, v18  }
0x1a8: {  	v39 =	vor.u32 v15, v36;
	v59 =	vld.idx.msk [tilespmem:v28+s16+$0x0], $0xffff  }
0x1a9: {  	v43 =	vld.idx.msk [tilespmem:v37+s24+$0x0], $0xffff;
	v60 =	vmul.f32 v40, v55;
	v18 =	vadd.f32 v58, v18  }
0x1aa: {  	v62 =	vor.u32 v16, v36;
	v61 =	vld.idx.msk [tilespmem:v37+s16+$0x0], $0xffff  }
0x1ab: {  	v63 =	vld.idx.msk [tilespmem:v38+s24+$0x0], $0xffff;
	v45 =	vmul.f32 v41, v57;
	v18 =	vadd.f32 v60, v18  }
0x1ac: {  	v46 =	vld.idx.msk [tilespmem:v38+s16+$0x0], $0xffff  }
0x1ad: {  	v47 =	vld.idx.msk [tilespmem:v39+s24+$0x0], $0xffff;
	v48 =	vmul.f32 v42, v59;
	v18 =	vadd.f32 v45, v18  }
0x1ae: {  	v49 =	vld.idx.msk [tilespmem:v39+s16+$0x0], $0xffff  }
0x1af: {  	v50 =	vld.idx.msk [tilespmem:v62+s24+$0x0], $0xffff;
	v51 =	vmul.f32 v43, v61;
	v18 =	vadd.f32 v48, v18  }
0x1b0: {  	v52 =	vld.idx.msk [tilespmem:v62+s16+$0x0], $0xffff  }
0x1b1: {  	v53 =	vmul.f32 v63, v46;
	v18 =	vadd.f32 v51, v18;
	_ =	sdelay $0x1  }
0x1b2: {  	v54 =	vmul.f32 v47, v49;
	v18 =	vadd.f32 v53, v18;
	_ =	sdelay $0x1  }
0x1b3: {  	v55 =	vmul.f32 v50, v52;
	v18 =	vadd.f32 v54, v18;
	_ =	sdelay $0x1  }
0x1b4: {  	v18 =	vadd.f32 v55, v18  }
0x1b5: {  	v56 =	vld.idx.msk [tilespmem:v33+s21+$0x0], $0xffff  }
0x1b6: {  	v18 =	vmul.f32 $2.500000000e-01, v18;
	_ =	sdelay $0x1  }
0x1b7: {  	v18 =	vmax.f32 v18, $-5.000000000e+00  }
0x1b8: {  	v18 =	vmin.f32 v18, $5.000000000e+00  }
0x1b9: {  	v18 =	vmul.f32 v18, v56;
	_ =	sdelay $0x1  }
0x1ba: {  	v18 =	vmul.f32 $1.442695020e+00, v18;
	_ =	sdelay $0x1  }
0x1bb: {  	(erf) = vpow2.f32 v18;
	_ =	sdelay $0x3  }
0x1bc: {  	s2 =	sadd.s32 $0x10, s4  }
0x1bd: {  	v18 =	vld [tilespmem:s2+$0x0];
	_ =	sdelay $0x3  }
0x1be: {  	v57 =	vpop (erf)  }
0x1bf: {  	v18 =	vadd.f32 v57, v18  }
0x1c0: {  	s3 =	sadd.s32 $0x10, s15  }
0x1c1: {  	[tilespmem:s3+$0x0] =	vst v18  }
0x1c2: {  	v58 =	vld [tilespmem:s0+$0x0];
	_ =	sdelay $0x2  }
0x1c3: {  	v18 =	vmax.f32 v18, $-5.000000000e+00  }
0x1c4: {  	v18 =	vmin.f32 v18, $5.000000000e+00  }
0x1c5: {  	v18 =	vadd.f32 v18, v58;
	_ =	sdelay $0x1  }
0x1c6: {  	v18 =	vmax.f32 v18, $-5.000000000e+00  }
0x1c7: {  	v18 =	vmin.f32 v18, $5.000000000e+00  }
0x1c8: {  	v18 =	vmul.f32 $1.442695020e+00, v18;
	_ =	sdelay $0x1  }
0x1c9: {  	(erf) = vpow2.f32 v18;
	_ =	sdelay $0x4  }
0x1ca: {  	v18 =	vor.u32 s7, v17;
	_ =	sdelay $0x3  }
0x1cb: {  	v59 =	vpop (erf)  }
0x1cc: {  	[tilespmem:v18+s31+$0x0] =	vst.idx.msk $0xffff, v59  }
0x1cd: {  	v18 =	vld.idx.msk [tilespmem:v20+s25+$0x0], $0xffff;
	_ =	sdelay $0x4  }
0x1ce: {  	v18 =	vmul.f32 v59, v18;
	_ =	sdelay $0x1  }
0x1cf: {  	[tilespmem:v20+s25+$0x0] =	vst.idx.msk $0xffff, v18  }
0x1d0: {  	v18 =	vld.idx.msk [tilespmem:v19+s25+$0x0], $0xffff;
	_ =	sdelay $0x4  }
0x1d1: {  	v18 =	vmul.f32 v59, v18;
	_ =	sdelay $0x1  }
0x1d2: {  	[tilespmem:v19+s25+$0x0] =	vst.idx.msk $0xffff, v18  }
0x1d3: {  	v18 =	vld.idx.msk [tilespmem:v22+s25+$0x0], $0xffff;
	_ =	sdelay $0x4  }
0x1d4: {  	v18 =	vmul.f32 v59, v18;
	_ =	sdelay $0x1  }
0x1d5: {  	[tilespmem:v22+s25+$0x0] =	vst.idx.msk $0xffff, v18  }
0x1d6: {  	v18 =	vld.idx.msk [tilespmem:v23+s25+$0x0], $0xffff;
	_ =	sdelay $0x4  }
0x1d7: {  	v18 =	vmul.f32 v59, v18;
	_ =	sdelay $0x1  }
0x1d8: {  	[tilespmem:v23+s25+$0x0] =	vst.idx.msk $0xffff, v18  }
0x1d9: {  	v18 =	vld.idx.msk [tilespmem:v26+s25+$0x0], $0xffff;
	_ =	sdelay $0x4  }
0x1da: {  	v18 =	vmul.f32 v59, v18;
	_ =	sdelay $0x1  }
0x1db: {  	[tilespmem:v26+s25+$0x0] =	vst.idx.msk $0xffff, v18  }
0x1dc: {  	v18 =	vld.idx.msk [tilespmem:v29+s25+$0x0], $0xffff;
	_ =	sdelay $0x4  }
0x1dd: {  	v18 =	vmul.f32 v59, v18;
	_ =	sdelay $0x1  }
0x1de: {  	[tilespmem:v29+s25+$0x0] =	vst.idx.msk $0xffff, v18  }
0x1df: {  	v18 =	vld.idx.msk [tilespmem:v31+s25+$0x0], $0xffff;
	_ =	sdelay $0x4  }
0x1e0: {  	v18 =	vmul.f32 v18, v59;
	_ =	sdelay $0x1  }
0x1e1: {  	[tilespmem:v31+s25+$0x0] =	vst.idx.msk $0xffff, v18  }
0x1e2: {  	v18 =	vld.idx.msk [tilespmem:v34+s25+$0x0], $0xffff;
	_ =	sdelay $0x4  }
0x1e3: {  	v18 =	vmul.f32 v18, v59;
	_ =	sdelay $0x1  }
0x1e4: {  	[tilespmem:v34+s25+$0x0] =	vst.idx.msk $0xffff, v18  }
0x1e5: {  	v18 =	vld.idx.msk [tilespmem:v35+s25+$0x0], $0xffff;
	_ =	sdelay $0x4  }
0x1e6: {  	v18 =	vmul.f32 v18, v59;
	_ =	sdelay $0x1  }
0x1e7: {  	[tilespmem:v35+s25+$0x0] =	vst.idx.msk $0xffff, v18  }
0x1e8: {  	v18 =	vld.idx.msk [tilespmem:v30+s25+$0x0], $0xffff;
	_ =	sdelay $0x4  }
0x1e9: {  	v18 =	vmul.f32 v18, v59;
	_ =	sdelay $0x1  }
0x1ea: {  	[tilespmem:v30+s25+$0x0] =	vst.idx.msk $0xffff, v18  }
0x1eb: {  	v18 =	vld.idx.msk [tilespmem:v32+s25+$0x0], $0xffff;
	_ =	sdelay $0x4  }
0x1ec: {  	v18 =	vmul.f32 v18, v59;
	_ =	sdelay $0x1  }
0x1ed: {  	[tilespmem:v32+s25+$0x0] =	vst.idx.msk $0xffff, v18  }
0x1ee: {  	v18 =	vld.idx.msk [tilespmem:v28+s25+$0x0], $0xffff;
	_ =	sdelay $0x4  }
0x1ef: {  	v18 =	vmul.f32 v18, v59;
	_ =	sdelay $0x1  }
0x1f0: {  	[tilespmem:v28+s25+$0x0] =	vst.idx.msk $0xffff, v18  }
0x1f1: {  	v18 =	vld.idx.msk [tilespmem:v37+s25+$0x0], $0xffff;
	_ =	sdelay $0x4  }
0x1f2: {  	v18 =	vmul.f32 v18, v59;
	_ =	sdelay $0x1  }
0x1f3: {  	[tilespmem:v37+s25+$0x0] =	vst.idx.msk $0xffff, v18  }
0x1f4: {  	v18 =	vld.idx.msk [tilespmem:v38+s25+$0x0], $0xffff;
	_ =	sdelay $0x4  }
0x1f5: {  	v18 =	vmul.f32 v18, v59;
	_ =	sdelay $0x1  }
0x1f6: {  	[tilespmem:v38+s25+$0x0] =	vst.idx.msk $0xffff, v18  }
0x1f7: {  	v18 =	vld.idx.msk [tilespmem:v39+s25+$0x0], $0xffff;
	_ =	sdelay $0x4  }
0x1f8: {  	v18 =	vmul.f32 v18, v59;
	_ =	sdelay $0x1  }
0x1f9: {  	[tilespmem:v39+s25+$0x0] =	vst.idx.msk $0xffff, v18  }
0x1fa: {  	v18 =	vld.idx.msk [tilespmem:v62+s25+$0x0], $0xffff;
	_ =	sdelay $0x4  }
0x1fb: {  	v18 =	vmul.f32 v18, v59;
	_ =	sdelay $0x1  }
0x1fc: {  	s4 =	sadd.s32 s14, s6;
	[tilespmem:v62+s25+$0x0] =	vst.idx.msk $0xffff, v18  }
0x1fd: {  	[hbm4b:s4+s19] =	stream.linear.scatter [tilespmem:s1], [sflag:$0x4], $0x280, $0x38;
	[tilespmem:$0x1F500] =	vst v63  }
0x1fe: {  	_ =	swait.ge [sflag:s17], $0x280  }
0x1ff: {  	[sflag:s17] =	ssyncset.done $0x0  }
0x200: {  	[sflag:s17] =	ssyncadd.s32 $0xFFFFFD80  }
0x201: {  	v18 =	vld [tilespmem:$0x80];
	_ =	sdelay $0x4  }
0x202: {  	v18 =	vshll.u32 v18, $0x4  }
0x203: {  	[tilespmem:$0x8500] =	vst v18;
	v19 =	vor.u32 $0x1, v18  }
0x204: {  	[tilespmem:$0x8580] =	vst v19;
	v19 =	vor.u32 $0x2, v18  }
0x205: {  	v60 =	vld [tilespmem:$0x90];
	[tilespmem:$0x8600] =	vst v19;
	v19 =	vor.u32 $0x3, v18  }
0x206: {  	[tilespmem:$0x8680] =	vst v19;
	v19 =	vor.u32 $0x4, v18  }
0x207: {  	[tilespmem:$0x8700] =	vst v19;
	v19 =	vor.u32 $0x5, v18  }
0x208: {  	[tilespmem:$0x8780] =	vst v19;
	v19 =	vor.u32 $0x6, v18  }
0x209: {  	v18 =	vor.u32 $0x7, v18;
	[tilespmem:$0x8800] =	vst v19  }
0x20a: {  	[tilespmem:$0x8880] =	vst v18;
	v18 =	vshll.u32 v60, $0x4  }
0x20b: {  	[tilespmem:$0x8510] =	vst v18;
	v19 =	vor.u32 $0x1, v18  }
0x20c: {  	[tilespmem:$0x8590] =	vst v19;
	v19 =	vor.u32 $0x2, v18  }
0x20d: {  	v61 =	vld [tilespmem:$0xA0];
	[tilespmem:$0x8610] =	vst v19;
	v19 =	vor.u32 $0x3, v18  }
0x20e: {  	[tilespmem:$0x8690] =	vst v19;
	v19 =	vor.u32 $0x4, v18  }
0x20f: {  	[tilespmem:$0x8710] =	vst v19;
	v19 =	vor.u32 $0x5, v18  }
0x210: {  	[tilespmem:$0x8790] =	vst v19;
	v19 =	vor.u32 $0x6, v18  }
0x211: {  	v18 =	vor.u32 $0x7, v18;
	[tilespmem:$0x8810] =	vst v19  }
0x212: {  	[tilespmem:$0x8890] =	vst v18;
	v18 =	vshll.u32 v61, $0x4  }
0x213: {  	[tilespmem:$0x8520] =	vst v18;
	v19 =	vor.u32 $0x1, v18  }
0x214: {  	[tilespmem:$0x85A0] =	vst v19;
	v19 =	vor.u32 $0x2, v18  }
0x215: {  	v62 =	vld [tilespmem:$0xB0];
	[tilespmem:$0x8620] =	vst v19;
	v19 =	vor.u32 $0x3, v18  }
0x216: {  	[tilespmem:$0x86A0] =	vst v19;
	v19 =	vor.u32 $0x4, v18  }
0x217: {  	[tilespmem:$0x8720] =	vst v19;
	v19 =	vor.u32 $0x5, v18  }
0x218: {  	[tilespmem:$0x87A0] =	vst v19;
	v19 =	vor.u32 $0x6, v18  }
0x219: {  	v18 =	vor.u32 $0x7, v18;
	[tilespmem:$0x8820] =	vst v19  }
0x21a: {  	[tilespmem:$0x88A0] =	vst v18;
	v18 =	vshll.u32 v62, $0x4  }
0x21b: {  	[tilespmem:$0x8530] =	vst v18;
	v19 =	vor.u32 $0x1, v18  }
0x21c: {  	[tilespmem:$0x85B0] =	vst v19;
	v19 =	vor.u32 $0x2, v18  }
0x21d: {  	v63 =	vld [tilespmem:$0xC0];
	[tilespmem:$0x8630] =	vst v19;
	v19 =	vor.u32 $0x3, v18  }
0x21e: {  	[tilespmem:$0x86B0] =	vst v19;
	v19 =	vor.u32 $0x4, v18  }
0x21f: {  	[tilespmem:$0x8730] =	vst v19;
	v19 =	vor.u32 $0x5, v18  }
0x220: {  	[tilespmem:$0x87B0] =	vst v19;
	v19 =	vor.u32 $0x6, v18  }
0x221: {  	v18 =	vor.u32 $0x7, v18;
	[tilespmem:$0x8830] =	vst v19  }
0x222: {  	[tilespmem:$0x88B0] =	vst v18;
	v18 =	vshll.u32 v63, $0x4  }
0x223: {  	[tilespmem:$0x8540] =	vst v18;
	v19 =	vor.u32 $0x1, v18  }
0x224: {  	[tilespmem:$0x85C0] =	vst v19;
	v19 =	vor.u32 $0x2, v18  }
0x225: {  	[tilespmem:$0x8640] =	vst v19;
	v19 =	vor.u32 $0x3, v18  }
0x226: {  	[tilespmem:$0x86C0] =	vst v19;
	v19 =	vor.u32 $0x4, v18  }
0x227: {  	[tilespmem:$0x8740] =	vst v19;
	v19 =	vor.u32 $0x5, v18  }
0x228: {  	[tilespmem:$0x87C0] =	vst v19;
	v19 =	vor.u32 $0x6, v18  }
0x229: {  	v18 =	vor.u32 $0x7, v18;
	[tilespmem:$0x8840] =	vst v19  }
0x22a: {  	s6 =	rddreg [dreg:$0x4];
	[tilespmem:$0x88C0] =	vst v18  }
0x22b: {  	[spmem:s6] =	stream.indirect.scatter.add.f32 [tilespmem:s25], [sflag:$0x4], $0x80, s20, s23, $0xb8;
	[tilespmem:$0x1F500] =	vst v63  }
0x22c: {  	_ =	swait.ge [sflag:s17], $0x2800  }
0x22d: {  	[sflag:s17] =	ssyncset.done $0x0  }
0x22e: {  	s7 =	simm.s32 $0x8500;
	[sflag:s17] =	ssyncadd.s32 $0xFFFFD800  }
0x22f: {  	[spmem:s8] =	stream.indirect.scatter.add.f32 [tilespmem:s31], [sflag:$0x4], $0x1, s7, s23, $0xb8;
	[tilespmem:$0x1F500] =	vst v63  }
0x230: {  	_ =	swait.ge [sflag:s17], $0x50  }
0x231: {  	[sflag:s17] =	ssyncset.done $0x0  }
0x232: {  	s15 =	simm.s32 $0x8580;
	s29 =	simm.s32 $0x8180;
	[sflag:s17] =	ssyncadd.s32 $0xFFFFFFB0  }
0x233: {  	[spmem:s8] =	stream.indirect.scatter.add.f32 [tilespmem:s29], [sflag:$0x4], $0x1, s15, s23, $0xb8;
	[tilespmem:$0x1F500] =	vst v63  }
0x234: {  	_ =	swait.ge [sflag:s17], $0x50  }
0x235: {  	[sflag:s17] =	ssyncset.done $0x0  }
0x236: {  	s3 =	simm.s32 $0x8600;
	s4 =	simm.s32 $0x8200;
	[sflag:s17] =	ssyncadd.s32 $0xFFFFFFB0  }
0x237: {  	[spmem:s8] =	stream.indirect.scatter.add.f32 [tilespmem:s4], [sflag:$0x4], $0x1, s3, s23, $0xb8;
	[tilespmem:$0x1F500] =	vst v63  }
0x238: {  	_ =	swait.ge [sflag:s17], $0x50  }
0x239: {  	[sflag:s17] =	ssyncset.done $0x0  }
0x23a: {  	s6 =	simm.s32 $0x8680;
	s7 =	simm.s32 $0x8280;
	[sflag:s17] =	ssyncadd.s32 $0xFFFFFFB0  }
0x23b: {  	[spmem:s8] =	stream.indirect.scatter.add.f32 [tilespmem:s7], [sflag:$0x4], $0x1, s6, s23, $0xb8;
	[tilespmem:$0x1F500] =	vst v63  }
0x23c: {  	_ =	swait.ge [sflag:s17], $0x50  }
0x23d: {  	[sflag:s17] =	ssyncset.done $0x0  }
0x23e: {  	s15 =	simm.s32 $0x8700;
	s29 =	simm.s32 $0x8300;
	[sflag:s17] =	ssyncadd.s32 $0xFFFFFFB0  }
0x23f: {  	[spmem:s8] =	stream.indirect.scatter.add.f32 [tilespmem:s29], [sflag:$0x4], $0x1, s15, s23, $0xb8;
	[tilespmem:$0x1F500] =	vst v63  }
0x240: {  	_ =	swait.ge [sflag:s17], $0x50  }
0x241: {  	[sflag:s17] =	ssyncset.done $0x0  }
0x242: {  	s3 =	simm.s32 $0x8780;
	s4 =	simm.s32 $0x8380;
	[sflag:s17] =	ssyncadd.s32 $0xFFFFFFB0  }
0x243: {  	[spmem:s8] =	stream.indirect.scatter.add.f32 [tilespmem:s4], [sflag:$0x4], $0x1, s3, s23, $0xb8;
	[tilespmem:$0x1F500] =	vst v63  }
0x244: {  	_ =	swait.ge [sflag:s17], $0x50  }
0x245: {  	[sflag:s17] =	ssyncset.done $0x0  }
0x246: {  	s6 =	simm.s32 $0x8800;
	s7 =	simm.s32 $0x8400;
	[sflag:s17] =	ssyncadd.s32 $0xFFFFFFB0  }
0x247: {  	[spmem:s8] =	stream.indirect.scatter.add.f32 [tilespmem:s7], [sflag:$0x4], $0x1, s6, s23, $0xb8;
	[tilespmem:$0x1F500] =	vst v63  }
0x248: {  	s5 =	sadd.s32 $0x1, s5;
	_ =	swait.ge [sflag:s17], $0x50  }
0x249: {  	p0 =	sne.s32 s5, $0xFA;
	s15 =	simm.s32 $0x8880;
	[sflag:s17] =	ssyncset.done $0x0  }
.Ltmp3:
0x24a: {  	s29 =	simm.s32 $0x8480;
	[sflag:s17] =	ssyncadd.s32 $0xFFFFFFB0;
	(pc) =	sbr.rel @p0 .LBB2_5-.Ltmp3, $4  }
0x24b: {  	[spmem:s8] =	stream.indirect.scatter.add.f32 [tilespmem:s29], [sflag:$0x4], $0x1, s15, s23, $0xb8;
	[tilespmem:$0x1F500] =	vst v63  }
0x24c: {  	_ =	swait.ge [sflag:s17], $0x50  }
0x24d: {  	[sflag:s17] =	ssyncset.done $0x0  }
0x24e: {  	[sflag:s17] =	ssyncadd.s32 $0xFFFFFFB0  }
0x24f: {  	[bflag:$0x0] =	sbarrier.arrive $0xFFFF  }
0x250: {  	s1 =	sld [smem:$0x7F2]  }
0x251: {  	s6 =	sld [smem:$0x7FC]  }
0x252: {  	s4 =	stileid.u32  }
0x253: {  	s0 =	sshll.u32 s4, $0x6;
	s5 =	rddreg [dreg:$0x8]  }
0x254: {  	s0 =	sor.u32 $0x1C04, s0;
	s1 =	sshrl.u32 s1, $0x3;
	s2 =	sadd.s32 s5, s6  }
0x255: {  	[hbm:s2], [sflag:s0] =	dma.local [spmem:s1], $0x500  }
0x256: {  	s1 =	simm.s32 $0x4  }
0x257: {  	_ =	swait.ge [sflag:s1], $0x500  }
0x258: {  	s22 =	rddreg [dreg:$0x19]  }
0x259: {  	[sflag:s1] =	ssyncset.done $0x0;
	s3 =	rddreg [dreg:$0x1a];
	s2 =	sshll.u32 s22, $0x4  }
0x25a: {  	[sflag:s1] =	ssyncadd.s32 $0xFFFFFB00;
	s3 =	sshrl.u32 s3, $0x3;
	s2 =	sadd.s32 s5, s2  }
0x25b: {  	[hbm:s2], [sflag:s0] =	dma.local [spmem:s3], $0x500  }
0x25c: {  	_ =	swait.ge [sflag:s1], $0x500  }
0x25d: {  	s23 =	rddreg [dreg:$0x1b]  }
0x25e: {  	[sflag:s1] =	ssyncset.done $0x0;
	s24 =	rddreg [dreg:$0x1c];
	s2 =	sshll.u32 s23, $0x4  }
0x25f: {  	[sflag:s1] =	ssyncadd.s32 $0xFFFFFB00;
	s3 =	sshrl.u32 s24, $0x3;
	s2 =	sadd.s32 s5, s2  }
0x260: {  	[hbm:s2], [sflag:s0] =	dma.local [spmem:s3], $0x500  }
0x261: {  	_ =	swait.ge [sflag:s1], $0x500  }
0x262: {  	s25 =	rddreg [dreg:$0x1d]  }
0x263: {  	[sflag:s1] =	ssyncset.done $0x0;
	s26 =	rddreg [dreg:$0x1e];
	s2 =	sshll.u32 s25, $0x4  }
0x264: {  	[sflag:s1] =	ssyncadd.s32 $0xFFFFFB00;
	s3 =	sshrl.u32 s26, $0x3;
	s2 =	sadd.s32 s5, s2  }
0x265: {  	[hbm:s2], [sflag:s0] =	dma.local [spmem:s3], $0x500  }
0x266: {  	_ =	swait.ge [sflag:s1], $0x500  }
0x267: {  	s29 =	sld [smem:$0x7F3]  }
0x268: {  	s28 =	rddreg [dreg:$0x1f]  }
0x269: {  	[sflag:s1] =	ssyncset.done $0x0;
	s2 =	sshll.u32 s28, $0x4  }
0x26a: {  	[sflag:s1] =	ssyncadd.s32 $0xFFFFFB00;
	s2 =	sadd.s32 s5, s2;
	s3 =	sshrl.u32 s29, $0x3  }
0x26b: {  	[hbm:s2], [sflag:s0] =	dma.local [spmem:s3], $0x500  }
0x26c: {  	_ =	swait.ge [sflag:s1], $0x500  }
0x26d: {  	s30 =	sld [smem:$0x7F4]  }
0x26e: {  	s31 =	sld [smem:$0x7F5];
	_ =	sdelay $0x1  }
0x26f: {  	[sflag:s1] =	ssyncset.done $0x0;
	s2 =	sshll.u32 s30, $0x4  }
0x270: {  	[sflag:s1] =	ssyncadd.s32 $0xFFFFFB00;
	s3 =	sshrl.u32 s31, $0x3;
	s2 =	sadd.s32 s5, s2  }
0x271: {  	[hbm:s2], [sflag:s0] =	dma.local [spmem:s3], $0x500  }
0x272: {  	_ =	swait.ge [sflag:s1], $0x500  }
0x273: {  	s3 =	sld [smem:$0x7F6]  }
0x274: {  	s7 =	sld [smem:$0x7F7];
	_ =	sdelay $0x1  }
0x275: {  	[sflag:s1] =	ssyncset.done $0x0;
	s2 =	sshll.u32 s3, $0x4  }
0x276: {  	[sflag:s1] =	ssyncadd.s32 $0xFFFFFB00;
	s3 =	sshrl.u32 s7, $0x3;
	s2 =	sadd.s32 s5, s2  }
0x277: {  	[hbm:s2], [sflag:s0] =	dma.local [spmem:s3], $0x500  }
0x278: {  	_ =	swait.ge [sflag:s1], $0x500  }
0x279: {  	s8 =	sld [smem:$0x7F8]  }
0x27a: {  	s9 =	sld [smem:$0x7F9];
	_ =	sdelay $0x1  }
0x27b: {  	[sflag:s1] =	ssyncset.done $0x0;
	s2 =	sshll.u32 s8, $0x4  }
0x27c: {  	[sflag:s1] =	ssyncadd.s32 $0xFFFFFB00;
	s3 =	sshrl.u32 s9, $0x3;
	s2 =	sadd.s32 s5, s2  }
0x27d: {  	[hbm:s2], [sflag:s0] =	dma.local [spmem:s3], $0x500  }
0x27e: {  	_ =	swait.ge [sflag:s1], $0x500  }
0x27f: {  	s11 =	rddreg [dreg:$0x7]  }
0x280: {  	s10 =	sshrl.u32 s6, $0x3;
	[sflag:s1] =	ssyncset.done $0x0;
	s12 =	rddreg [dreg:$0x14]  }
0x281: {  	s2 =	sadd.s32 s11, s10;
	[sflag:s1] =	ssyncadd.s32 $0xFFFFFB00;
	s3 =	sshrl.u32 s12, $0x3  }
0x282: {  	[hbm:s2], [sflag:s0] =	dma.local [spmem:s3], $0x80  }
0x283: {  	_ =	swait.ge [sflag:s1], $0x80  }
0x284: {  	s13 =	sld [smem:$0x7FA];
	_ =	sdelay $0x2  }
0x285: {  	[sflag:s1] =	ssyncset.done $0x0;
	s14 =	rddreg [dreg:$0x15];
	s2 =	sshrl.u32 s13, $0x3  }
0x286: {  	[sflag:s1] =	ssyncadd.s32 $0xFFFFFF80;
	s3 =	sshrl.u32 s14, $0x3;
	s2 =	sadd.s32 s11, s2  }
0x287: {  	[hbm:s2], [sflag:s0] =	dma.local [spmem:s3], $0x80  }
0x288: {  	_ =	swait.ge [sflag:s1], $0x80  }
0x289: {  	s15 =	sld [smem:$0x7FB];
	_ =	sdelay $0x2  }
0x28a: {  	[sflag:s1] =	ssyncset.done $0x0;
	s16 =	rddreg [dreg:$0x12];
	s2 =	sshrl.u32 s15, $0x3  }
0x28b: {  	[sflag:s1] =	ssyncadd.s32 $0xFFFFFF80;
	s3 =	sshrl.u32 s16, $0x3;
	s2 =	sadd.s32 s11, s2  }
0x28c: {  	[hbm:s2], [sflag:s0] =	dma.local [spmem:s3], $0x80  }
0x28d: {  	_ =	swait.ge [sflag:s1], $0x80  }
0x28e: {  	s17 =	rddreg [dreg:$0x16]  }
0x28f: {  	[sflag:s1] =	ssyncset.done $0x0;
	s18 =	rddreg [dreg:$0xf];
	s2 =	sshrl.u32 s17, $0x3  }
0x290: {  	[sflag:s1] =	ssyncadd.s32 $0xFFFFFF80;
	s3 =	sshrl.u32 s18, $0x3;
	s2 =	sadd.s32 s11, s2  }
0x291: {  	[hbm:s2], [sflag:s0] =	dma.local [spmem:s3], $0x80  }
0x292: {  	_ =	swait.ge [sflag:s1], $0x80  }
0x293: {  	s19 =	rddreg [dreg:$0x17]  }
0x294: {  	[sflag:s1] =	ssyncset.done $0x0;
	s20 =	rddreg [dreg:$0x10];
	s2 =	sshrl.u32 s19, $0x3  }
0x295: {  	[sflag:s1] =	ssyncadd.s32 $0xFFFFFF80;
	s3 =	sshrl.u32 s20, $0x3;
	s2 =	sadd.s32 s11, s2  }
0x296: {  	[hbm:s2], [sflag:s0] =	dma.local [spmem:s3], $0x80  }
0x297: {  	_ =	swait.ge [sflag:s1], $0x80  }
0x298: {  	s21 =	rddreg [dreg:$0x13]  }
0x299: {  	[sflag:s1] =	ssyncset.done $0x0;
	s22 =	rddreg [dreg:$0xd];
	s2 =	sshrl.u32 s21, $0x3  }
0x29a: {  	[sflag:s1] =	ssyncadd.s32 $0xFFFFFF80;
	s3 =	sshrl.u32 s22, $0x3;
	s2 =	sadd.s32 s11, s2  }
0x29b: {  	[hbm:s2], [sflag:s0] =	dma.local [spmem:s3], $0x80  }
0x29c: {  	_ =	swait.ge [sflag:s1], $0x80  }
0x29d: {  	s23 =	rddreg [dreg:$0x11]  }
0x29e: {  	[sflag:s1] =	ssyncset.done $0x0;
	s24 =	rddreg [dreg:$0xb];
	s2 =	sshrl.u32 s23, $0x3  }
0x29f: {  	[sflag:s1] =	ssyncadd.s32 $0xFFFFFF80;
	s3 =	sshrl.u32 s24, $0x3;
	s2 =	sadd.s32 s11, s2  }
0x2a0: {  	[hbm:s2], [sflag:s0] =	dma.local [spmem:s3], $0x80  }
0x2a1: {  	_ =	swait.ge [sflag:s1], $0x80  }
0x2a2: {  	s25 =	rddreg [dreg:$0xe]  }
0x2a3: {  	[sflag:s1] =	ssyncset.done $0x0;
	s26 =	rddreg [dreg:$0xa];
	s2 =	sshrl.u32 s25, $0x3  }
0x2a4: {  	[sflag:s1] =	ssyncadd.s32 $0xFFFFFF80;
	s3 =	sshrl.u32 s26, $0x3;
	s2 =	sadd.s32 s11, s2  }
0x2a5: {  	[hbm:s2], [sflag:s0] =	dma.local [spmem:s3], $0x80  }
0x2a6: {  	_ =	swait.ge [sflag:s1], $0x80  }
0x2a7: {  	s28 =	rddreg [dreg:$0xc]  }
0x2a8: {  	[sflag:s1] =	ssyncset.done $0x0;
	s29 =	rddreg [dreg:$0x9];
	s2 =	sshrl.u32 s28, $0x3  }
0x2a9: {  	[sflag:s1] =	ssyncadd.s32 $0xFFFFFF80;
	s3 =	sshrl.u32 s29, $0x3;
	s2 =	sadd.s32 s11, s2  }
0x2aa: {  	[hbm:s2], [sflag:s0] =	dma.local [spmem:s3], $0x80  }
0x2ab: {  	_ =	swait.ge [sflag:s1], $0x80  }
0x2ac: {  	s31 =	sld [smem:$0x7FD]  }
0x2ad: {  	s30 =	rddreg [dreg:$0x18]  }
0x2ae: {  	[sflag:s1] =	ssyncset.done $0x0;
	s2 =	sshrl.u32 s30, $0x3  }
0x2af: {  	[sflag:s1] =	ssyncadd.s32 $0xFFFFFF80;
	s2 =	sadd.s32 s11, s2;
	s3 =	sshrl.u32 s31, $0x3  }
0x2b0: {  	[hbm:s2], [sflag:s0] =	dma.local [spmem:s3], $0x80  }
0x2b1: {  	_ =	swait.ge [sflag:s1], $0x80  }
0x2b2: {  	[sflag:s1] =	ssyncset.done $0x0  }
0x2b3: {  	[sflag:s1] =	ssyncadd.s32 $0xFFFFFF80  }
0x2b4: {  	_ =	sfence.sel $0x180000  }
0x2b5: {  	[bflag:$0x0] =	sbarrier.arrive $0xFFFF  }
0x2b6: {  	_ =	strace $0x90000047  }
0x2b7: {  	[bflag:$0x2] =	sbarrier.arrive $0xFFFF  }
0x2b8: {  	p0 =	sne.s32 s4, $0x0;
	s0 =	rddreg [dreg:$0x6]  }
0x2b9: {  	s0 =	sadd.s32 @!p0 $0x100000, s0  }
0x2ba: {  	[sflag:s0] =	ssyncadd.tile.s32 @!p0 $0x1;
	_ =	shalt  }
.Lfunc_end2:
_tile_overlayer_lowered:
.L_overlay_start_2:
0x2bb: {  	(tag) =	ssettag $0x2  }
0x2bc: {  	s0 =	rddreg [dreg:$0x0];
	s2 =	stileid.u32  }
0x2bd: {  	s1 =	rddreg [dreg:$0x1];
	p0 =	sne.s32 s2, $0x0  }
0x2be: {  	s3 =	rddreg [dreg:$0x2];
	[bflag:$0x3] =	sbarrier.arrive $0xFFFF;
	s2 =	simm.s32 @!p0 $0x1C04  }
0x2bf: {  	[timem:s3], [sflag:s2] =	dma.local @!p0 [hbm:s0], s1  }
0x2c0: {  	s0 =	simm.s32 @!p0 $0x4  }
0x2c1: {  	_ =	swait.ge @!p0 [sflag:s0], s1  }
0x2c2: {  	s1 =	ssub.s32 @!p0 $0x0, s1;
	[sflag:s0] =	ssyncset.done @!p0 $0x0  }
0x2c3: {  	[sflag:s0] =	ssyncadd.s32 @!p0 s1  }
0x2c4: {  	[bflag:$0x3] =	sbarrier.arrive $0xFFFF  }
0x2c5: {  	_ =	shalt  }

</sc_bundles>
